<compile_context>
chip_gen: v7x
topology: tpu7x:2x2x1
jax: 0.10.2.dev20260603
libtpu: 0.0.44.dev20260713+nightly
codegen_flags: <defaults>
</compile_context>

<pallas_src>
import functools

import jax
import jax.numpy as jnp
from jax import lax
from jax.experimental import pallas as pl
from jax.experimental.pallas import tpu as pltpu
from jax.experimental.pallas import tpu_sc as plsc

EMBED_DIM = 64
NUM_WORKERS = 32
CHUNK = 128
NBUF = 10


def _make_lookup(n_seq, batch):
    assert n_seq % NBUF == 0
    n_groups = n_seq // NBUF
    mesh = plsc.VectorSubcoreMesh(core_axis_name="c", subcore_axis_name="s")

    @functools.partial(
        pl.kernel,
        mesh=mesh,
        out_type=jax.ShapeDtypeStruct((n_seq * batch, EMBED_DIM), jnp.float32),
        scratch_types=[
            pltpu.VMEM((n_seq, CHUNK), jnp.int32),
            pltpu.VMEM((NBUF, CHUNK, EMBED_DIM), jnp.float32),
            pltpu.SemaphoreType.DMA((NBUF,)),
            pltpu.SemaphoreType.DMA((NBUF,)),
        ],
        compiler_params=pltpu.CompilerParams(use_tc_tiling_on_sc=False),
    )
    def lookup(table_hbm, idx_hbm, out_hbm, idx_v, rows_v, gsem, ssem):
        wid = lax.axis_index("s") * 2 + lax.axis_index("c")
        pltpu.sync_copy(idx_hbm.at[wid], idx_v)

        def out_view(s):
            return out_hbm.at[pl.ds(s * batch + wid * CHUNK, CHUNK)]

        def gather_start(s, b):
            pltpu.async_copy(table_hbm.at[idx_v.at[s]], rows_v.at[b], gsem.at[b])

        def gather_wait(s, b):
            pltpu.make_async_copy(
                table_hbm.at[idx_v.at[s]], rows_v.at[b], gsem.at[b]
            ).wait()

        def store_start(s, b):
            pltpu.async_copy(rows_v.at[b], out_view(s), ssem.at[b])

        def store_wait(s, b):
            pltpu.make_async_copy(rows_v.at[b], out_view(s), ssem.at[b]).wait()

        for b in range(NBUF):
            gather_start(b, b)

        def group(g, carry):
            prev = (g - 1) * NBUF
            cur = g * NBUF
            for b in range(NBUF):
                gather_wait(prev + b, b)
                store_start(prev + b, b)
            for b in range(NBUF):
                store_wait(prev + b, b)
                gather_start(cur + b, b)
            return carry

        lax.fori_loop(1, n_groups, group, None)

        last = (n_groups - 1) * NBUF
        for b in range(NBUF):
            gather_wait(last + b, b)
            pltpu.sync_copy(rows_v.at[b], out_view(last + b))

    return lookup


def kernel(inputs, table):
    batch, seq = inputs.shape
    vocab, dim = table.shape
    n_batch_tiles = batch // CHUNK
    idx3 = (
        inputs.astype(jnp.int32)
        .T.reshape(seq, n_batch_tiles, CHUNK)
        .transpose(1, 0, 2)
    )
    out2 = _make_lookup(seq, batch)(table, idx3)
    return out2.reshape(seq, batch, dim).transpose(1, 0, 2)

# --- scband reference (transcript-rebuilt; emitter-appended) ---
"""Pipeline reference for scband-example18-4956392259876 (READ-ONLY COPY).

The authoritative reference and input builder live on the scoring server;
editing this copy changes nothing except your own understanding.
"""

import jax, jax.numpy as jnp
import numpy as np

VOCAB = 100000
EMBED_DIM = 64

def setup_inputs(seed: int = 0) -> dict:
    key = jax.random.key(seed)
    k_idx, k_tab = jax.random.split(key)
    inputs = jax.random.randint(k_idx, (4096, 50), 0, VOCAB, dtype=jnp.int64 if jax.config.jax_enable_x64 else jnp.int32)
    table = jax.random.normal(k_tab, (VOCAB, EMBED_DIM), dtype=jnp.float32)
    return {"inputs": inputs, "table": table}

def reference(inputs, table):
    # nn.Embedding lookup followed by identity nn.Sequential()
    embeds = jnp.take(table, inputs, axis=0)
    return embeds

if __name__ == "__main__":
    import jax
    _d = setup_inputs()
    print(jax.jit(kernel)(*tuple(_d.values())))

</pallas_src>

<mosaic_0001>
#map = affine_map<(d0, d1) -> (0, 0)>
#map1 = affine_map<(d0, d1) -> (0, 0, 0)>
module attributes {stable_mosaic.version = 14 : i64} {
  func.func @lookup(%arg0: i32, %arg1: i32, %arg2: memref<100000x64xf32, #tpu.memory_space<hbm>>, %arg3: memref<32x50x128xi32, #tpu.memory_space<hbm>>, %arg4: memref<204800x64xf32, #tpu.memory_space<hbm>>, %arg5: memref<50x128xi32, #tpu.memory_space<vmem>>, %arg6: memref<10x128x64xf32, #tpu.memory_space<vmem>>, %arg7: memref<10x!tpu.dma_semaphore, #tpu.memory_space<semaphore_mem>>, %arg8: memref<10x!tpu.dma_semaphore, #tpu.memory_space<semaphore_mem>>) attributes {dimension_semantics = [#tpu.dimension_semantics<core_parallel>, #tpu.dimension_semantics<subcore_parallel>], iteration_bounds = array<i64: 2, 16>, scalar_prefetch = 0 : i64, scratch_operands = 4 : i64, tpu.core_type = #tpu.core_type<sc_vector_subcore>, window_params = [{transform_indices = #map}, {transform_indices = #map1}, {transform_indices = #map}]} {
    %mul3A = arith.constant 2 : i32
    %mul3A_0 = arith.muli %arg1, %mul3A : i32
    %add3A = arith.addi %mul3A_0, %arg0 : i32
    "tpu.region"() ({
      %run_scoped3A_352 = tpu.sem_alloc : memref<!tpu.dma_semaphore, #tpu.memory_space<semaphore_mem>>
      %dma_start3A_353 = arith.constant 0 : i32
      %dma_start3A_354 = arith.constant 0 : i32
      %dma_start3A_355 = tpu.memref_slice %arg3[%add3A, %dma_start3A_353, %dma_start3A_354] : memref<32x50x128xi32, #tpu.memory_space<hbm>> -> memref<1x50x128xi32, #tpu.memory_space<hbm>>
      %dma_start3A_356 = tpu.memref_squeeze %dma_start3A_355 : memref<1x50x128xi32, #tpu.memory_space<hbm>> -> memref<50x128xi32, #tpu.memory_space<hbm>>
      %dma_start3A_357 = arith.constant 0 : i32
      %dma_start3A_358 = arith.constant 0 : i32
      %dma_start3A_359 = tpu.memref_slice %arg3[%add3A, %dma_start3A_357, %dma_start3A_358] : memref<32x50x128xi32, #tpu.memory_space<hbm>> -> memref<1x50x128xi32, #tpu.memory_space<hbm>>
      %dma_start3A_360 = tpu.memref_squeeze %dma_start3A_359 : memref<1x50x128xi32, #tpu.memory_space<hbm>> -> memref<50x128xi32, #tpu.memory_space<hbm>>
      tpu.enqueue_dma source(%dma_start3A_360 : memref<50x128xi32, #tpu.memory_space<hbm>>) target(%arg5 : memref<50x128xi32, #tpu.memory_space<vmem>>) target_semaphore(%run_scoped3A_352 : memref<!tpu.dma_semaphore, #tpu.memory_space<semaphore_mem>>)
      %dma_wait3A_361 = arith.constant 0 : i32
      %dma_wait3A_362 = arith.constant 0 : i32
      %dma_wait3A_363 = tpu.memref_slice %arg3[%add3A, %dma_wait3A_361, %dma_wait3A_362] : memref<32x50x128xi32, #tpu.memory_space<hbm>> -> memref<1x50x128xi32, #tpu.memory_space<hbm>>
      %dma_wait3A_364 = tpu.memref_squeeze %dma_wait3A_363 : memref<1x50x128xi32, #tpu.memory_space<hbm>> -> memref<50x128xi32, #tpu.memory_space<hbm>>
      %dma_wait3A_365 = arith.constant 0 : i32
      %dma_wait3A_366 = arith.constant 0 : i32
      %dma_wait3A_367 = tpu.memref_slice %arg3[%add3A, %dma_wait3A_365, %dma_wait3A_366] : memref<32x50x128xi32, #tpu.memory_space<hbm>> -> memref<1x50x128xi32, #tpu.memory_space<hbm>>
      %dma_wait3A_368 = tpu.memref_squeeze %dma_wait3A_367 : memref<1x50x128xi32, #tpu.memory_space<hbm>> -> memref<50x128xi32, #tpu.memory_space<hbm>>
      tpu.wait_dma2 semaphore(%run_scoped3A_352 : memref<!tpu.dma_semaphore, #tpu.memory_space<semaphore_mem>>) src(%dma_wait3A_368 : memref<50x128xi32, #tpu.memory_space<hbm>>) dst(%arg5 : memref<50x128xi32, #tpu.memory_space<vmem>>)
      tpu.yield
    }) : () -> ()
    %dma_start3A = arith.constant 0 : i32
    %dma_start3A_1 = arith.constant 0 : i32
    %dma_start3A_2 = arith.constant 0 : i32
    %dma_start3A_3 = arith.constant 0 : i32
    %dma_start3A_4 = arith.constant 0 : i32
    %dma_start3A_5 = tpu.memref_slice %arg6[%dma_start3A_1, %dma_start3A_3, %dma_start3A_4] : memref<10x128x64xf32, #tpu.memory_space<vmem>> -> memref<1x128x64xf32, #tpu.memory_space<vmem>>
    %dma_start3A_6 = tpu.memref_squeeze %dma_start3A_5 : memref<1x128x64xf32, #tpu.memory_space<vmem>> -> memref<128x64xf32, #tpu.memory_space<vmem>>
    %dma_start3A_7 = arith.constant 0 : i32
    %dma_start3A_8 = tpu.memref_slice %arg5[%dma_start3A, %dma_start3A_7] : memref<50x128xi32, #tpu.memory_space<vmem>> -> memref<1x128xi32, #tpu.memory_space<vmem>>
    %dma_start3A_9 = tpu.memref_squeeze %dma_start3A_8 : memref<1x128xi32, #tpu.memory_space<vmem>> -> memref<128xi32, #tpu.memory_space<vmem>>
    %dma_start3A_10 = arith.constant 0 : i32
    %dma_start3A_11 = arith.constant 0 : i32
    %dma_start3A_12 = tpu.memref_slice %arg2[%dma_start3A_10, %dma_start3A_11] : memref<100000x64xf32, #tpu.memory_space<hbm>> -> memref<100000x64xf32, #tpu.memory_space<hbm>>
    %dma_start3A_13 = tpu.memref_slice %arg7[%dma_start3A_2] : memref<10x!tpu.dma_semaphore, #tpu.memory_space<semaphore_mem>> -> memref<1x!tpu.dma_semaphore, #tpu.memory_space<semaphore_mem>>
    %dma_start3A_14 = tpu.memref_squeeze %dma_start3A_13 : memref<1x!tpu.dma_semaphore, #tpu.memory_space<semaphore_mem>> -> memref<!tpu.dma_semaphore, #tpu.memory_space<semaphore_mem>>
    tpu.enqueue_indirect_dma source(%dma_start3A_12 : memref<100000x64xf32, #tpu.memory_space<hbm>>) target(%dma_start3A_6 : memref<128x64xf32, #tpu.memory_space<vmem>>) offsets(%dma_start3A_9 : memref<128xi32, #tpu.memory_space<vmem>>) semaphore(%dma_start3A_14 : memref<!tpu.dma_semaphore, #tpu.memory_space<semaphore_mem>>)
    %dma_start3A_15 = arith.constant 1 : i32
    %dma_start3A_16 = arith.constant 1 : i32
    %dma_start3A_17 = arith.constant 1 : i32
    %dma_start3A_18 = arith.constant 0 : i32
    %dma_start3A_19 = arith.constant 0 : i32
    %dma_start3A_20 = tpu.memref_slice %arg6[%dma_start3A_16, %dma_start3A_18, %dma_start3A_19] : memref<10x128x64xf32, #tpu.memory_space<vmem>> -> memref<1x128x64xf32, #tpu.memory_space<vmem>>
    %dma_start3A_21 = tpu.memref_squeeze %dma_start3A_20 : memref<1x128x64xf32, #tpu.memory_space<vmem>> -> memref<128x64xf32, #tpu.memory_space<vmem>>
    %dma_start3A_22 = arith.constant 0 : i32
    %dma_start3A_23 = tpu.memref_slice %arg5[%dma_start3A_15, %dma_start3A_22] : memref<50x128xi32, #tpu.memory_space<vmem>> -> memref<1x128xi32, #tpu.memory_space<vmem>>
    %dma_start3A_24 = tpu.memref_squeeze %dma_start3A_23 : memref<1x128xi32, #tpu.memory_space<vmem>> -> memref<128xi32, #tpu.memory_space<vmem>>
    %dma_start3A_25 = arith.constant 0 : i32
    %dma_start3A_26 = arith.constant 0 : i32
    %dma_start3A_27 = tpu.memref_slice %arg2[%dma_start3A_25, %dma_start3A_26] : memref<100000x64xf32, #tpu.memory_space<hbm>> -> memref<100000x64xf32, #tpu.memory_space<hbm>>
    %dma_start3A_28 = tpu.memref_slice %arg7[%dma_start3A_17] : memref<10x!tpu.dma_semaphore, #tpu.memory_space<semaphore_mem>> -> memref<1x!tpu.dma_semaphore, #tpu.memory_space<semaphore_mem>>
    %dma_start3A_29 = tpu.memref_squeeze %dma_start3A_28 : memref<1x!tpu.dma_semaphore, #tpu.memory_space<semaphore_mem>> -> memref<!tpu.dma_semaphore, #tpu.memory_space<semaphore_mem>>
    tpu.enqueue_indirect_dma source(%dma_start3A_27 : memref<100000x64xf32, #tpu.memory_space<hbm>>) target(%dma_start3A_21 : memref<128x64xf32, #tpu.memory_space<vmem>>) offsets(%dma_start3A_24 : memref<128xi32, #tpu.memory_space<vmem>>) semaphore(%dma_start3A_29 : memref<!tpu.dma_semaphore, #tpu.memory_space<semaphore_mem>>)
    %dma_start3A_30 = arith.constant 2 : i32
    %dma_start3A_31 = arith.constant 2 : i32
    %dma_start3A_32 = arith.constant 2 : i32
    %dma_start3A_33 = arith.constant 0 : i32
    %dma_start3A_34 = arith.constant 0 : i32
    %dma_start3A_35 = tpu.memref_slice %arg6[%dma_start3A_31, %dma_start3A_33, %dma_start3A_34] : memref<10x128x64xf32, #tpu.memory_space<vmem>> -> memref<1x128x64xf32, #tpu.memory_space<vmem>>
    %dma_start3A_36 = tpu.memref_squeeze %dma_start3A_35 : memref<1x128x64xf32, #tpu.memory_space<vmem>> -> memref<128x64xf32, #tpu.memory_space<vmem>>
    %dma_start3A_37 = arith.constant 0 : i32
    %dma_start3A_38 = tpu.memref_slice %arg5[%dma_start3A_30, %dma_start3A_37] : memref<50x128xi32, #tpu.memory_space<vmem>> -> memref<1x128xi32, #tpu.memory_space<vmem>>
    %dma_start3A_39 = tpu.memref_squeeze %dma_start3A_38 : memref<1x128xi32, #tpu.memory_space<vmem>> -> memref<128xi32, #tpu.memory_space<vmem>>
    %dma_start3A_40 = arith.constant 0 : i32
    %dma_start3A_41 = arith.constant 0 : i32
    %dma_start3A_42 = tpu.memref_slice %arg2[%dma_start3A_40, %dma_start3A_41] : memref<100000x64xf32, #tpu.memory_space<hbm>> -> memref<100000x64xf32, #tpu.memory_space<hbm>>
    %dma_start3A_43 = tpu.memref_slice %arg7[%dma_start3A_32] : memref<10x!tpu.dma_semaphore, #tpu.memory_space<semaphore_mem>> -> memref<1x!tpu.dma_semaphore, #tpu.memory_space<semaphore_mem>>
    %dma_start3A_44 = tpu.memref_squeeze %dma_start3A_43 : memref<1x!tpu.dma_semaphore, #tpu.memory_space<semaphore_mem>> -> memref<!tpu.dma_semaphore, #tpu.memory_space<semaphore_mem>>
    tpu.enqueue_indirect_dma source(%dma_start3A_42 : memref<100000x64xf32, #tpu.memory_space<hbm>>) target(%dma_start3A_36 : memref<128x64xf32, #tpu.memory_space<vmem>>) offsets(%dma_start3A_39 : memref<128xi32, #tpu.memory_space<vmem>>) semaphore(%dma_start3A_44 : memref<!tpu.dma_semaphore, #tpu.memory_space<semaphore_mem>>)
    %dma_start3A_45 = arith.constant 3 : i32
    %dma_start3A_46 = arith.constant 3 : i32
    %dma_start3A_47 = arith.constant 3 : i32
    %dma_start3A_48 = arith.constant 0 : i32
    %dma_start3A_49 = arith.constant 0 : i32
    %dma_start3A_50 = tpu.memref_slice %arg6[%dma_start3A_46, %dma_start3A_48, %dma_start3A_49] : memref<10x128x64xf32, #tpu.memory_space<vmem>> -> memref<1x128x64xf32, #tpu.memory_space<vmem>>
    %dma_start3A_51 = tpu.memref_squeeze %dma_start3A_50 : memref<1x128x64xf32, #tpu.memory_space<vmem>> -> memref<128x64xf32, #tpu.memory_space<vmem>>
    %dma_start3A_52 = arith.constant 0 : i32
    %dma_start3A_53 = tpu.memref_slice %arg5[%dma_start3A_45, %dma_start3A_52] : memref<50x128xi32, #tpu.memory_space<vmem>> -> memref<1x128xi32, #tpu.memory_space<vmem>>
    %dma_start3A_54 = tpu.memref_squeeze %dma_start3A_53 : memref<1x128xi32, #tpu.memory_space<vmem>> -> memref<128xi32, #tpu.memory_space<vmem>>
    %dma_start3A_55 = arith.constant 0 : i32
    %dma_start3A_56 = arith.constant 0 : i32
    %dma_start3A_57 = tpu.memref_slice %arg2[%dma_start3A_55, %dma_start3A_56] : memref<100000x64xf32, #tpu.memory_space<hbm>> -> memref<100000x64xf32, #tpu.memory_space<hbm>>
    %dma_start3A_58 = tpu.memref_slice %arg7[%dma_start3A_47] : memref<10x!tpu.dma_semaphore, #tpu.memory_space<semaphore_mem>> -> memref<1x!tpu.dma_semaphore, #tpu.memory_space<semaphore_mem>>
    %dma_start3A_59 = tpu.memref_squeeze %dma_start3A_58 : memref<1x!tpu.dma_semaphore, #tpu.memory_space<semaphore_mem>> -> memref<!tpu.dma_semaphore, #tpu.memory_space<semaphore_mem>>
    tpu.enqueue_indirect_dma source(%dma_start3A_57 : memref<100000x64xf32, #tpu.memory_space<hbm>>) target(%dma_start3A_51 : memref<128x64xf32, #tpu.memory_space<vmem>>) offsets(%dma_start3A_54 : memref<128xi32, #tpu.memory_space<vmem>>) semaphore(%dma_start3A_59 : memref<!tpu.dma_semaphore, #tpu.memory_space<semaphore_mem>>)
    %dma_start3A_60 = arith.constant 4 : i32
    %dma_start3A_61 = arith.constant 4 : i32
    %dma_start3A_62 = arith.constant 4 : i32
    %dma_start3A_63 = arith.constant 0 : i32
    %dma_start3A_64 = arith.constant 0 : i32
    %dma_start3A_65 = tpu.memref_slice %arg6[%dma_start3A_61, %dma_start3A_63, %dma_start3A_64] : memref<10x128x64xf32, #tpu.memory_space<vmem>> -> memref<1x128x64xf32, #tpu.memory_space<vmem>>
    %dma_start3A_66 = tpu.memref_squeeze %dma_start3A_65 : memref<1x128x64xf32, #tpu.memory_space<vmem>> -> memref<128x64xf32, #tpu.memory_space<vmem>>
    %dma_start3A_67 = arith.constant 0 : i32
    %dma_start3A_68 = tpu.memref_slice %arg5[%dma_start3A_60, %dma_start3A_67] : memref<50x128xi32, #tpu.memory_space<vmem>> -> memref<1x128xi32, #tpu.memory_space<vmem>>
    %dma_start3A_69 = tpu.memref_squeeze %dma_start3A_68 : memref<1x128xi32, #tpu.memory_space<vmem>> -> memref<128xi32, #tpu.memory_space<vmem>>
    %dma_start3A_70 = arith.constant 0 : i32
    %dma_start3A_71 = arith.constant 0 : i32
    %dma_start3A_72 = tpu.memref_slice %arg2[%dma_start3A_70, %dma_start3A_71] : memref<100000x64xf32, #tpu.memory_space<hbm>> -> memref<100000x64xf32, #tpu.memory_space<hbm>>
    %dma_start3A_73 = tpu.memref_slice %arg7[%dma_start3A_62] : memref<10x!tpu.dma_semaphore, #tpu.memory_space<semaphore_mem>> -> memref<1x!tpu.dma_semaphore, #tpu.memory_space<semaphore_mem>>
    %dma_start3A_74 = tpu.memref_squeeze %dma_start3A_73 : memref<1x!tpu.dma_semaphore, #tpu.memory_space<semaphore_mem>> -> memref<!tpu.dma_semaphore, #tpu.memory_space<semaphore_mem>>
    tpu.enqueue_indirect_dma source(%dma_start3A_72 : memref<100000x64xf32, #tpu.memory_space<hbm>>) target(%dma_start3A_66 : memref<128x64xf32, #tpu.memory_space<vmem>>) offsets(%dma_start3A_69 : memref<128xi32, #tpu.memory_space<vmem>>) semaphore(%dma_start3A_74 : memref<!tpu.dma_semaphore, #tpu.memory_space<semaphore_mem>>)
    %dma_start3A_75 = arith.constant 5 : i32
    %dma_start3A_76 = arith.constant 5 : i32
    %dma_start3A_77 = arith.constant 5 : i32
    %dma_start3A_78 = arith.constant 0 : i32
    %dma_start3A_79 = arith.constant 0 : i32
    %dma_start3A_80 = tpu.memref_slice %arg6[%dma_start3A_76, %dma_start3A_78, %dma_start3A_79] : memref<10x128x64xf32, #tpu.memory_space<vmem>> -> memref<1x128x64xf32, #tpu.memory_space<vmem>>
    %dma_start3A_81 = tpu.memref_squeeze %dma_start3A_80 : memref<1x128x64xf32, #tpu.memory_space<vmem>> -> memref<128x64xf32, #tpu.memory_space<vmem>>
    %dma_start3A_82 = arith.constant 0 : i32
    %dma_start3A_83 = tpu.memref_slice %arg5[%dma_start3A_75, %dma_start3A_82] : memref<50x128xi32, #tpu.memory_space<vmem>> -> memref<1x128xi32, #tpu.memory_space<vmem>>
    %dma_start3A_84 = tpu.memref_squeeze %dma_start3A_83 : memref<1x128xi32, #tpu.memory_space<vmem>> -> memref<128xi32, #tpu.memory_space<vmem>>
    %dma_start3A_85 = arith.constant 0 : i32
    %dma_start3A_86 = arith.constant 0 : i32
    %dma_start3A_87 = tpu.memref_slice %arg2[%dma_start3A_85, %dma_start3A_86] : memref<100000x64xf32, #tpu.memory_space<hbm>> -> memref<100000x64xf32, #tpu.memory_space<hbm>>
    %dma_start3A_88 = tpu.memref_slice %arg7[%dma_start3A_77] : memref<10x!tpu.dma_semaphore, #tpu.memory_space<semaphore_mem>> -> memref<1x!tpu.dma_semaphore, #tpu.memory_space<semaphore_mem>>
    %dma_start3A_89 = tpu.memref_squeeze %dma_start3A_88 : memref<1x!tpu.dma_semaphore, #tpu.memory_space<semaphore_mem>> -> memref<!tpu.dma_semaphore, #tpu.memory_space<semaphore_mem>>
    tpu.enqueue_indirect_dma source(%dma_start3A_87 : memref<100000x64xf32, #tpu.memory_space<hbm>>) target(%dma_start3A_81 : memref<128x64xf32, #tpu.memory_space<vmem>>) offsets(%dma_start3A_84 : memref<128xi32, #tpu.memory_space<vmem>>) semaphore(%dma_start3A_89 : memref<!tpu.dma_semaphore, #tpu.memory_space<semaphore_mem>>)
    %dma_start3A_90 = arith.constant 6 : i32
    %dma_start3A_91 = arith.constant 6 : i32
    %dma_start3A_92 = arith.constant 6 : i32
    %dma_start3A_93 = arith.constant 0 : i32
    %dma_start3A_94 = arith.constant 0 : i32
    %dma_start3A_95 = tpu.memref_slice %arg6[%dma_start3A_91, %dma_start3A_93, %dma_start3A_94] : memref<10x128x64xf32, #tpu.memory_space<vmem>> -> memref<1x128x64xf32, #tpu.memory_space<vmem>>
    %dma_start3A_96 = tpu.memref_squeeze %dma_start3A_95 : memref<1x128x64xf32, #tpu.memory_space<vmem>> -> memref<128x64xf32, #tpu.memory_space<vmem>>
    %dma_start3A_97 = arith.constant 0 : i32
    %dma_start3A_98 = tpu.memref_slice %arg5[%dma_start3A_90, %dma_start3A_97] : memref<50x128xi32, #tpu.memory_space<vmem>> -> memref<1x128xi32, #tpu.memory_space<vmem>>
    %dma_start3A_99 = tpu.memref_squeeze %dma_start3A_98 : memref<1x128xi32, #tpu.memory_space<vmem>> -> memref<128xi32, #tpu.memory_space<vmem>>
    %dma_start3A_100 = arith.constant 0 : i32
    %dma_start3A_101 = arith.constant 0 : i32
    %dma_start3A_102 = tpu.memref_slice %arg2[%dma_start3A_100, %dma_start3A_101] : memref<100000x64xf32, #tpu.memory_space<hbm>> -> memref<100000x64xf32, #tpu.memory_space<hbm>>
    %dma_start3A_103 = tpu.memref_slice %arg7[%dma_start3A_92] : memref<10x!tpu.dma_semaphore, #tpu.memory_space<semaphore_mem>> -> memref<1x!tpu.dma_semaphore, #tpu.memory_space<semaphore_mem>>
    %dma_start3A_104 = tpu.memref_squeeze %dma_start3A_103 : memref<1x!tpu.dma_semaphore, #tpu.memory_space<semaphore_mem>> -> memref<!tpu.dma_semaphore, #tpu.memory_space<semaphore_mem>>
    tpu.enqueue_indirect_dma source(%dma_start3A_102 : memref<100000x64xf32, #tpu.memory_space<hbm>>) target(%dma_start3A_96 : memref<128x64xf32, #tpu.memory_space<vmem>>) offsets(%dma_start3A_99 : memref<128xi32, #tpu.memory_space<vmem>>) semaphore(%dma_start3A_104 : memref<!tpu.dma_semaphore, #tpu.memory_space<semaphore_mem>>)
    %dma_start3A_105 = arith.constant 7 : i32
    %dma_start3A_106 = arith.constant 7 : i32
    %dma_start3A_107 = arith.constant 7 : i32
    %dma_start3A_108 = arith.constant 0 : i32
    %dma_start3A_109 = arith.constant 0 : i32
    %dma_start3A_110 = tpu.memref_slice %arg6[%dma_start3A_106, %dma_start3A_108, %dma_start3A_109] : memref<10x128x64xf32, #tpu.memory_space<vmem>> -> memref<1x128x64xf32, #tpu.memory_space<vmem>>
    %dma_start3A_111 = tpu.memref_squeeze %dma_start3A_110 : memref<1x128x64xf32, #tpu.memory_space<vmem>> -> memref<128x64xf32, #tpu.memory_space<vmem>>
    %dma_start3A_112 = arith.constant 0 : i32
    %dma_start3A_113 = tpu.memref_slice %arg5[%dma_start3A_105, %dma_start3A_112] : memref<50x128xi32, #tpu.memory_space<vmem>> -> memref<1x128xi32, #tpu.memory_space<vmem>>
    %dma_start3A_114 = tpu.memref_squeeze %dma_start3A_113 : memref<1x128xi32, #tpu.memory_space<vmem>> -> memref<128xi32, #tpu.memory_space<vmem>>
    %dma_start3A_115 = arith.constant 0 : i32
    %dma_start3A_116 = arith.constant 0 : i32
    %dma_start3A_117 = tpu.memref_slice %arg2[%dma_start3A_115, %dma_start3A_116] : memref<100000x64xf32, #tpu.memory_space<hbm>> -> memref<100000x64xf32, #tpu.memory_space<hbm>>
    %dma_start3A_118 = tpu.memref_slice %arg7[%dma_start3A_107] : memref<10x!tpu.dma_semaphore, #tpu.memory_space<semaphore_mem>> -> memref<1x!tpu.dma_semaphore, #tpu.memory_space<semaphore_mem>>
    %dma_start3A_119 = tpu.memref_squeeze %dma_start3A_118 : memref<1x!tpu.dma_semaphore, #tpu.memory_space<semaphore_mem>> -> memref<!tpu.dma_semaphore, #tpu.memory_space<semaphore_mem>>
    tpu.enqueue_indirect_dma source(%dma_start3A_117 : memref<100000x64xf32, #tpu.memory_space<hbm>>) target(%dma_start3A_111 : memref<128x64xf32, #tpu.memory_space<vmem>>) offsets(%dma_start3A_114 : memref<128xi32, #tpu.memory_space<vmem>>) semaphore(%dma_start3A_119 : memref<!tpu.dma_semaphore, #tpu.memory_space<semaphore_mem>>)
    %dma_start3A_120 = arith.constant 8 : i32
    %dma_start3A_121 = arith.constant 8 : i32
    %dma_start3A_122 = arith.constant 8 : i32
    %dma_start3A_123 = arith.constant 0 : i32
    %dma_start3A_124 = arith.constant 0 : i32
    %dma_start3A_125 = tpu.memref_slice %arg6[%dma_start3A_121, %dma_start3A_123, %dma_start3A_124] : memref<10x128x64xf32, #tpu.memory_space<vmem>> -> memref<1x128x64xf32, #tpu.memory_space<vmem>>
    %dma_start3A_126 = tpu.memref_squeeze %dma_start3A_125 : memref<1x128x64xf32, #tpu.memory_space<vmem>> -> memref<128x64xf32, #tpu.memory_space<vmem>>
    %dma_start3A_127 = arith.constant 0 : i32
    %dma_start3A_128 = tpu.memref_slice %arg5[%dma_start3A_120, %dma_start3A_127] : memref<50x128xi32, #tpu.memory_space<vmem>> -> memref<1x128xi32, #tpu.memory_space<vmem>>
    %dma_start3A_129 = tpu.memref_squeeze %dma_start3A_128 : memref<1x128xi32, #tpu.memory_space<vmem>> -> memref<128xi32, #tpu.memory_space<vmem>>
    %dma_start3A_130 = arith.constant 0 : i32
    %dma_start3A_131 = arith.constant 0 : i32
    %dma_start3A_132 = tpu.memref_slice %arg2[%dma_start3A_130, %dma_start3A_131] : memref<100000x64xf32, #tpu.memory_space<hbm>> -> memref<100000x64xf32, #tpu.memory_space<hbm>>
    %dma_start3A_133 = tpu.memref_slice %arg7[%dma_start3A_122] : memref<10x!tpu.dma_semaphore, #tpu.memory_space<semaphore_mem>> -> memref<1x!tpu.dma_semaphore, #tpu.memory_space<semaphore_mem>>
    %dma_start3A_134 = tpu.memref_squeeze %dma_start3A_133 : memref<1x!tpu.dma_semaphore, #tpu.memory_space<semaphore_mem>> -> memref<!tpu.dma_semaphore, #tpu.memory_space<semaphore_mem>>
    tpu.enqueue_indirect_dma source(%dma_start3A_132 : memref<100000x64xf32, #tpu.memory_space<hbm>>) target(%dma_start3A_126 : memref<128x64xf32, #tpu.memory_space<vmem>>) offsets(%dma_start3A_129 : memref<128xi32, #tpu.memory_space<vmem>>) semaphore(%dma_start3A_134 : memref<!tpu.dma_semaphore, #tpu.memory_space<semaphore_mem>>)
    %dma_start3A_135 = arith.constant 9 : i32
    %dma_start3A_136 = arith.constant 9 : i32
    %dma_start3A_137 = arith.constant 9 : i32
    %dma_start3A_138 = arith.constant 0 : i32
    %dma_start3A_139 = arith.constant 0 : i32
    %dma_start3A_140 = tpu.memref_slice %arg6[%dma_start3A_136, %dma_start3A_138, %dma_start3A_139] : memref<10x128x64xf32, #tpu.memory_space<vmem>> -> memref<1x128x64xf32, #tpu.memory_space<vmem>>
    %dma_start3A_141 = tpu.memref_squeeze %dma_start3A_140 : memref<1x128x64xf32, #tpu.memory_space<vmem>> -> memref<128x64xf32, #tpu.memory_space<vmem>>
    %dma_start3A_142 = arith.constant 0 : i32
    %dma_start3A_143 = tpu.memref_slice %arg5[%dma_start3A_135, %dma_start3A_142] : memref<50x128xi32, #tpu.memory_space<vmem>> -> memref<1x128xi32, #tpu.memory_space<vmem>>
    %dma_start3A_144 = tpu.memref_squeeze %dma_start3A_143 : memref<1x128xi32, #tpu.memory_space<vmem>> -> memref<128xi32, #tpu.memory_space<vmem>>
    %dma_start3A_145 = arith.constant 0 : i32
    %dma_start3A_146 = arith.constant 0 : i32
    %dma_start3A_147 = tpu.memref_slice %arg2[%dma_start3A_145, %dma_start3A_146] : memref<100000x64xf32, #tpu.memory_space<hbm>> -> memref<100000x64xf32, #tpu.memory_space<hbm>>
    %dma_start3A_148 = tpu.memref_slice %arg7[%dma_start3A_137] : memref<10x!tpu.dma_semaphore, #tpu.memory_space<semaphore_mem>> -> memref<1x!tpu.dma_semaphore, #tpu.memory_space<semaphore_mem>>
    %dma_start3A_149 = tpu.memref_squeeze %dma_start3A_148 : memref<1x!tpu.dma_semaphore, #tpu.memory_space<semaphore_mem>> -> memref<!tpu.dma_semaphore, #tpu.memory_space<semaphore_mem>>
    tpu.enqueue_indirect_dma source(%dma_start3A_147 : memref<100000x64xf32, #tpu.memory_space<hbm>>) target(%dma_start3A_141 : memref<128x64xf32, #tpu.memory_space<vmem>>) offsets(%dma_start3A_144 : memref<128xi32, #tpu.memory_space<vmem>>) semaphore(%dma_start3A_149 : memref<!tpu.dma_semaphore, #tpu.memory_space<semaphore_mem>>)
    %scan3A = arith.constant 1 : i32
    %scan3A_150 = arith.constant 4 : i32
    %scan3A_151 = arith.addi %scan3A, %scan3A_150 : i32
    %scan3A_152 = arith.constant 1 : i32
    scf.for %scan3A_352 = %scan3A to %scan3A_151 step %scan3A_152  : i32 {
      %sub3A = arith.constant 1 : i32
      %sub3A_353 = arith.subi %scan3A_352, %sub3A : i32
      %mul3A_354 = arith.constant 10 : i32
      %mul3A_355 = arith.muli %sub3A_353, %mul3A_354 : i32
      %mul3A_356 = arith.constant 10 : i32
      %mul3A_357 = arith.muli %scan3A_352, %mul3A_356 : i32
      %add3A_358 = arith.constant 0 : i32
      %add3A_359 = arith.addi %mul3A_355, %add3A_358 : i32
      %dma_wait3A_360 = arith.constant 0 : i32
      %dma_wait3A_361 = arith.constant 0 : i32
      %dma_wait3A_362 = arith.constant 0 : i32
      %dma_wait3A_363 = arith.constant 0 : i32
      %dma_wait3A_364 = tpu.memref_slice %arg6[%dma_wait3A_360, %dma_wait3A_362, %dma_wait3A_363] : memref<10x128x64xf32, #tpu.memory_space<vmem>> -> memref<1x128x64xf32, #tpu.memory_space<vmem>>
      %dma_wait3A_365 = tpu.memref_squeeze %dma_wait3A_364 : memref<1x128x64xf32, #tpu.memory_space<vmem>> -> memref<128x64xf32, #tpu.memory_space<vmem>>
      %dma_wait3A_366 = arith.constant 0 : i32
      %dma_wait3A_367 = tpu.memref_slice %arg5[%add3A_359, %dma_wait3A_366] : memref<50x128xi32, #tpu.memory_space<vmem>> -> memref<1x128xi32, #tpu.memory_space<vmem>>
      %dma_wait3A_368 = tpu.memref_squeeze %dma_wait3A_367 : memref<1x128xi32, #tpu.memory_space<vmem>> -> memref<128xi32, #tpu.memory_space<vmem>>
      %dma_wait3A_369 = arith.constant 0 : i32
      %dma_wait3A_370 = arith.constant 0 : i32
      %dma_wait3A_371 = tpu.memref_slice %arg2[%dma_wait3A_369, %dma_wait3A_370] : memref<100000x64xf32, #tpu.memory_space<hbm>> -> memref<100000x64xf32, #tpu.memory_space<hbm>>
      %dma_wait3A_372 = tpu.memref_slice %arg7[%dma_wait3A_361] : memref<10x!tpu.dma_semaphore, #tpu.memory_space<semaphore_mem>> -> memref<1x!tpu.dma_semaphore, #tpu.memory_space<semaphore_mem>>
      %dma_wait3A_373 = tpu.memref_squeeze %dma_wait3A_372 : memref<1x!tpu.dma_semaphore, #tpu.memory_space<semaphore_mem>> -> memref<!tpu.dma_semaphore, #tpu.memory_space<semaphore_mem>>
      tpu.wait_indirect_dma semaphore(%dma_wait3A_373 : memref<!tpu.dma_semaphore, #tpu.memory_space<semaphore_mem>>) src(%dma_wait3A_371 : memref<100000x64xf32, #tpu.memory_space<hbm>>) dst(%dma_wait3A_365 : memref<128x64xf32, #tpu.memory_space<vmem>>)
      %add3A_374 = arith.constant 0 : i32
      %add3A_375 = arith.addi %mul3A_355, %add3A_374 : i32
      %mul3A_376 = arith.constant 4096 : i32
      %mul3A_377 = arith.muli %add3A_375, %mul3A_376 : i32
      %mul3A_378 = arith.constant 128 : i32
      %mul3A_379 = arith.muli %add3A, %mul3A_378 : i32
      %add3A_380 = arith.addi %mul3A_377, %mul3A_379 : i32
      %dma_start3A_381 = arith.constant 0 : i32
      %dma_start3A_382 = arith.constant 0 : i32
      %dma_start3A_383 = arith.constant 0 : i32
      %dma_start3A_384 = arith.constant 0 : i32
      %dma_start3A_385 = tpu.memref_slice %arg6[%dma_start3A_381, %dma_start3A_383, %dma_start3A_384] : memref<10x128x64xf32, #tpu.memory_space<vmem>> -> memref<1x128x64xf32, #tpu.memory_space<vmem>>
      %dma_start3A_386 = tpu.memref_squeeze %dma_start3A_385 : memref<1x128x64xf32, #tpu.memory_space<vmem>> -> memref<128x64xf32, #tpu.memory_space<vmem>>
      %dma_start3A_387 = arith.constant 0 : i32
      %dma_start3A_388 = tpu.memref_slice %arg4[%add3A_380, %dma_start3A_387] : memref<204800x64xf32, #tpu.memory_space<hbm>> -> memref<128x64xf32, #tpu.memory_space<hbm>>
      %dma_start3A_389 = tpu.memref_slice %arg8[%dma_start3A_382] : memref<10x!tpu.dma_semaphore, #tpu.memory_space<semaphore_mem>> -> memref<1x!tpu.dma_semaphore, #tpu.memory_space<semaphore_mem>>
      %dma_start3A_390 = tpu.memref_squeeze %dma_start3A_389 : memref<1x!tpu.dma_semaphore, #tpu.memory_space<semaphore_mem>> -> memref<!tpu.dma_semaphore, #tpu.memory_space<semaphore_mem>>
      %dma_start3A_391 = arith.constant 0 : i32
      %dma_start3A_392 = tpu.memref_slice %arg4[%add3A_380, %dma_start3A_391] : memref<204800x64xf32, #tpu.memory_space<hbm>> -> memref<128x64xf32, #tpu.memory_space<hbm>>
      %dma_start3A_393 = arith.constant 0 : i32
      %dma_start3A_394 = arith.constant 0 : i32
      %dma_start3A_395 = tpu.memref_slice %arg6[%dma_start3A_381, %dma_start3A_393, %dma_start3A_394] : memref<10x128x64xf32, #tpu.memory_space<vmem>> -> memref<1x128x64xf32, #tpu.memory_space<vmem>>
      %dma_start3A_396 = tpu.memref_squeeze %dma_start3A_395 : memref<1x128x64xf32, #tpu.memory_space<vmem>> -> memref<128x64xf32, #tpu.memory_space<vmem>>
      tpu.enqueue_dma source(%dma_start3A_396 : memref<128x64xf32, #tpu.memory_space<vmem>>) target(%dma_start3A_392 : memref<128x64xf32, #tpu.memory_space<hbm>>) target_semaphore(%dma_start3A_390 : memref<!tpu.dma_semaphore, #tpu.memory_space<semaphore_mem>>)
      %add3A_397 = arith.constant 1 : i32
      %add3A_398 = arith.addi %mul3A_355, %add3A_397 : i32
      %dma_wait3A_399 = arith.constant 1 : i32
      %dma_wait3A_400 = arith.constant 1 : i32
      %dma_wait3A_401 = arith.constant 0 : i32
      %dma_wait3A_402 = arith.constant 0 : i32
      %dma_wait3A_403 = tpu.memref_slice %arg6[%dma_wait3A_399, %dma_wait3A_401, %dma_wait3A_402] : memref<10x128x64xf32, #tpu.memory_space<vmem>> -> memref<1x128x64xf32, #tpu.memory_space<vmem>>
      %dma_wait3A_404 = tpu.memref_squeeze %dma_wait3A_403 : memref<1x128x64xf32, #tpu.memory_space<vmem>> -> memref<128x64xf32, #tpu.memory_space<vmem>>
      %dma_wait3A_405 = arith.constant 0 : i32
      %dma_wait3A_406 = tpu.memref_slice %arg5[%add3A_398, %dma_wait3A_405] : memref<50x128xi32, #tpu.memory_space<vmem>> -> memref<1x128xi32, #tpu.memory_space<vmem>>
      %dma_wait3A_407 = tpu.memref_squeeze %dma_wait3A_406 : memref<1x128xi32, #tpu.memory_space<vmem>> -> memref<128xi32, #tpu.memory_space<vmem>>
      %dma_wait3A_408 = arith.constant 0 : i32
      %dma_wait3A_409 = arith.constant 0 : i32
      %dma_wait3A_410 = tpu.memref_slice %arg2[%dma_wait3A_408, %dma_wait3A_409] : memref<100000x64xf32, #tpu.memory_space<hbm>> -> memref<100000x64xf32, #tpu.memory_space<hbm>>
      %dma_wait3A_411 = tpu.memref_slice %arg7[%dma_wait3A_400] : memref<10x!tpu.dma_semaphore, #tpu.memory_space<semaphore_mem>> -> memref<1x!tpu.dma_semaphore, #tpu.memory_space<semaphore_mem>>
      %dma_wait3A_412 = tpu.memref_squeeze %dma_wait3A_411 : memref<1x!tpu.dma_semaphore, #tpu.memory_space<semaphore_mem>> -> memref<!tpu.dma_semaphore, #tpu.memory_space<semaphore_mem>>
      tpu.wait_indirect_dma semaphore(%dma_wait3A_412 : memref<!tpu.dma_semaphore, #tpu.memory_space<semaphore_mem>>) src(%dma_wait3A_410 : memref<100000x64xf32, #tpu.memory_space<hbm>>) dst(%dma_wait3A_404 : memref<128x64xf32, #tpu.memory_space<vmem>>)
      %add3A_413 = arith.constant 1 : i32
      %add3A_414 = arith.addi %mul3A_355, %add3A_413 : i32
      %mul3A_415 = arith.constant 4096 : i32
      %mul3A_416 = arith.muli %add3A_414, %mul3A_415 : i32
      %mul3A_417 = arith.constant 128 : i32
      %mul3A_418 = arith.muli %add3A, %mul3A_417 : i32
      %add3A_419 = arith.addi %mul3A_416, %mul3A_418 : i32
      %dma_start3A_420 = arith.constant 1 : i32
      %dma_start3A_421 = arith.constant 1 : i32
      %dma_start3A_422 = arith.constant 0 : i32
      %dma_start3A_423 = arith.constant 0 : i32
      %dma_start3A_424 = tpu.memref_slice %arg6[%dma_start3A_420, %dma_start3A_422, %dma_start3A_423] : memref<10x128x64xf32, #tpu.memory_space<vmem>> -> memref<1x128x64xf32, #tpu.memory_space<vmem>>
      %dma_start3A_425 = tpu.memref_squeeze %dma_start3A_424 : memref<1x128x64xf32, #tpu.memory_space<vmem>> -> memref<128x64xf32, #tpu.memory_space<vmem>>
      %dma_start3A_426 = arith.constant 0 : i32
      %dma_start3A_427 = tpu.memref_slice %arg4[%add3A_419, %dma_start3A_426] : memref<204800x64xf32, #tpu.memory_space<hbm>> -> memref<128x64xf32, #tpu.memory_space<hbm>>
      %dma_start3A_428 = tpu.memref_slice %arg8[%dma_start3A_421] : memref<10x!tpu.dma_semaphore, #tpu.memory_space<semaphore_mem>> -> memref<1x!tpu.dma_semaphore, #tpu.memory_space<semaphore_mem>>
      %dma_start3A_429 = tpu.memref_squeeze %dma_start3A_428 : memref<1x!tpu.dma_semaphore, #tpu.memory_space<semaphore_mem>> -> memref<!tpu.dma_semaphore, #tpu.memory_space<semaphore_mem>>
      %dma_start3A_430 = arith.constant 0 : i32
      %dma_start3A_431 = tpu.memref_slice %arg4[%add3A_419, %dma_start3A_430] : memref<204800x64xf32, #tpu.memory_space<hbm>> -> memref<128x64xf32, #tpu.memory_space<hbm>>
      %dma_start3A_432 = arith.constant 0 : i32
      %dma_start3A_433 = arith.constant 0 : i32
      %dma_start3A_434 = tpu.memref_slice %arg6[%dma_start3A_420, %dma_start3A_432, %dma_start3A_433] : memref<10x128x64xf32, #tpu.memory_space<vmem>> -> memref<1x128x64xf32, #tpu.memory_space<vmem>>
      %dma_start3A_435 = tpu.memref_squeeze %dma_start3A_434 : memref<1x128x64xf32, #tpu.memory_space<vmem>> -> memref<128x64xf32, #tpu.memory_space<vmem>>
      tpu.enqueue_dma source(%dma_start3A_435 : memref<128x64xf32, #tpu.memory_space<vmem>>) target(%dma_start3A_431 : memref<128x64xf32, #tpu.memory_space<hbm>>) target_semaphore(%dma_start3A_429 : memref<!tpu.dma_semaphore, #tpu.memory_space<semaphore_mem>>)
      %add3A_436 = arith.constant 2 : i32
      %add3A_437 = arith.addi %mul3A_355, %add3A_436 : i32
      %dma_wait3A_438 = arith.constant 2 : i32
      %dma_wait3A_439 = arith.constant 2 : i32
      %dma_wait3A_440 = arith.constant 0 : i32
      %dma_wait3A_441 = arith.constant 0 : i32
      %dma_wait3A_442 = tpu.memref_slice %arg6[%dma_wait3A_438, %dma_wait3A_440, %dma_wait3A_441] : memref<10x128x64xf32, #tpu.memory_space<vmem>> -> memref<1x128x64xf32, #tpu.memory_space<vmem>>
      %dma_wait3A_443 = tpu.memref_squeeze %dma_wait3A_442 : memref<1x128x64xf32, #tpu.memory_space<vmem>> -> memref<128x64xf32, #tpu.memory_space<vmem>>
      %dma_wait3A_444 = arith.constant 0 : i32
      %dma_wait3A_445 = tpu.memref_slice %arg5[%add3A_437, %dma_wait3A_444] : memref<50x128xi32, #tpu.memory_space<vmem>> -> memref<1x128xi32, #tpu.memory_space<vmem>>
      %dma_wait3A_446 = tpu.memref_squeeze %dma_wait3A_445 : memref<1x128xi32, #tpu.memory_space<vmem>> -> memref<128xi32, #tpu.memory_space<vmem>>
      %dma_wait3A_447 = arith.constant 0 : i32
      %dma_wait3A_448 = arith.constant 0 : i32
      %dma_wait3A_449 = tpu.memref_slice %arg2[%dma_wait3A_447, %dma_wait3A_448] : memref<100000x64xf32, #tpu.memory_space<hbm>> -> memref<100000x64xf32, #tpu.memory_space<hbm>>
      %dma_wait3A_450 = tpu.memref_slice %arg7[%dma_wait3A_439] : memref<10x!tpu.dma_semaphore, #tpu.memory_space<semaphore_mem>> -> memref<1x!tpu.dma_semaphore, #tpu.memory_space<semaphore_mem>>
      %dma_wait3A_451 = tpu.memref_squeeze %dma_wait3A_450 : memref<1x!tpu.dma_semaphore, #tpu.memory_space<semaphore_mem>> -> memref<!tpu.dma_semaphore, #tpu.memory_space<semaphore_mem>>
      tpu.wait_indirect_dma semaphore(%dma_wait3A_451 : memref<!tpu.dma_semaphore, #tpu.memory_space<semaphore_mem>>) src(%dma_wait3A_449 : memref<100000x64xf32, #tpu.memory_space<hbm>>) dst(%dma_wait3A_443 : memref<128x64xf32, #tpu.memory_space<vmem>>)
      %add3A_452 = arith.constant 2 : i32
      %add3A_453 = arith.addi %mul3A_355, %add3A_452 : i32
      %mul3A_454 = arith.constant 4096 : i32
      %mul3A_455 = arith.muli %add3A_453, %mul3A_454 : i32
      %mul3A_456 = arith.constant 128 : i32
      %mul3A_457 = arith.muli %add3A, %mul3A_456 : i32
      %add3A_458 = arith.addi %mul3A_455, %mul3A_457 : i32
      %dma_start3A_459 = arith.constant 2 : i32
      %dma_start3A_460 = arith.constant 2 : i32
      %dma_start3A_461 = arith.constant 0 : i32
      %dma_start3A_462 = arith.constant 0 : i32
      %dma_start3A_463 = tpu.memref_slice %arg6[%dma_start3A_459, %dma_start3A_461, %dma_start3A_462] : memref<10x128x64xf32, #tpu.memory_space<vmem>> -> memref<1x128x64xf32, #tpu.memory_space<vmem>>
      %dma_start3A_464 = tpu.memref_squeeze %dma_start3A_463 : memref<1x128x64xf32, #tpu.memory_space<vmem>> -> memref<128x64xf32, #tpu.memory_space<vmem>>
      %dma_start3A_465 = arith.constant 0 : i32
      %dma_start3A_466 = tpu.memref_slice %arg4[%add3A_458, %dma_start3A_465] : memref<204800x64xf32, #tpu.memory_space<hbm>> -> memref<128x64xf32, #tpu.memory_space<hbm>>
      %dma_start3A_467 = tpu.memref_slice %arg8[%dma_start3A_460] : memref<10x!tpu.dma_semaphore, #tpu.memory_space<semaphore_mem>> -> memref<1x!tpu.dma_semaphore, #tpu.memory_space<semaphore_mem>>
      %dma_start3A_468 = tpu.memref_squeeze %dma_start3A_467 : memref<1x!tpu.dma_semaphore, #tpu.memory_space<semaphore_mem>> -> memref<!tpu.dma_semaphore, #tpu.memory_space<semaphore_mem>>
      %dma_start3A_469 = arith.constant 0 : i32
      %dma_start3A_470 = tpu.memref_slice %arg4[%add3A_458, %dma_start3A_469] : memref<204800x64xf32, #tpu.memory_space<hbm>> -> memref<128x64xf32, #tpu.memory_space<hbm>>
      %dma_start3A_471 = arith.constant 0 : i32
      %dma_start3A_472 = arith.constant 0 : i32
      %dma_start3A_473 = tpu.memref_slice %arg6[%dma_start3A_459, %dma_start3A_471, %dma_start3A_472] : memref<10x128x64xf32, #tpu.memory_space<vmem>> -> memref<1x128x64xf32, #tpu.memory_space<vmem>>
      %dma_start3A_474 = tpu.memref_squeeze %dma_start3A_473 : memref<1x128x64xf32, #tpu.memory_space<vmem>> -> memref<128x64xf32, #tpu.memory_space<vmem>>
      tpu.enqueue_dma source(%dma_start3A_474 : memref<128x64xf32, #tpu.memory_space<vmem>>) target(%dma_start3A_470 : memref<128x64xf32, #tpu.memory_space<hbm>>) target_semaphore(%dma_start3A_468 : memref<!tpu.dma_semaphore, #tpu.memory_space<semaphore_mem>>)
      %add3A_475 = arith.constant 3 : i32
      %add3A_476 = arith.addi %mul3A_355, %add3A_475 : i32
      %dma_wait3A_477 = arith.constant 3 : i32
      %dma_wait3A_478 = arith.constant 3 : i32
      %dma_wait3A_479 = arith.constant 0 : i32
      %dma_wait3A_480 = arith.constant 0 : i32
      %dma_wait3A_481 = tpu.memref_slice %arg6[%dma_wait3A_477, %dma_wait3A_479, %dma_wait3A_480] : memref<10x128x64xf32, #tpu.memory_space<vmem>> -> memref<1x128x64xf32, #tpu.memory_space<vmem>>
      %dma_wait3A_482 = tpu.memref_squeeze %dma_wait3A_481 : memref<1x128x64xf32, #tpu.memory_space<vmem>> -> memref<128x64xf32, #tpu.memory_space<vmem>>
      %dma_wait3A_483 = arith.constant 0 : i32
      %dma_wait3A_484 = tpu.memref_slice %arg5[%add3A_476, %dma_wait3A_483] : memref<50x128xi32, #tpu.memory_space<vmem>> -> memref<1x128xi32, #tpu.memory_space<vmem>>
      %dma_wait3A_485 = tpu.memref_squeeze %dma_wait3A_484 : memref<1x128xi32, #tpu.memory_space<vmem>> -> memref<128xi32, #tpu.memory_space<vmem>>
      %dma_wait3A_486 = arith.constant 0 : i32
      %dma_wait3A_487 = arith.constant 0 : i32
      %dma_wait3A_488 = tpu.memref_slice %arg2[%dma_wait3A_486, %dma_wait3A_487] : memref<100000x64xf32, #tpu.memory_space<hbm>> -> memref<100000x64xf32, #tpu.memory_space<hbm>>
      %dma_wait3A_489 = tpu.memref_slice %arg7[%dma_wait3A_478] : memref<10x!tpu.dma_semaphore, #tpu.memory_space<semaphore_mem>> -> memref<1x!tpu.dma_semaphore, #tpu.memory_space<semaphore_mem>>
      %dma_wait3A_490 = tpu.memref_squeeze %dma_wait3A_489 : memref<1x!tpu.dma_semaphore, #tpu.memory_space<semaphore_mem>> -> memref<!tpu.dma_semaphore, #tpu.memory_space<semaphore_mem>>
      tpu.wait_indirect_dma semaphore(%dma_wait3A_490 : memref<!tpu.dma_semaphore, #tpu.memory_space<semaphore_mem>>) src(%dma_wait3A_488 : memref<100000x64xf32, #tpu.memory_space<hbm>>) dst(%dma_wait3A_482 : memref<128x64xf32, #tpu.memory_space<vmem>>)
      %add3A_491 = arith.constant 3 : i32
      %add3A_492 = arith.addi %mul3A_355, %add3A_491 : i32
      %mul3A_493 = arith.constant 4096 : i32
      %mul3A_494 = arith.muli %add3A_492, %mul3A_493 : i32
      %mul3A_495 = arith.constant 128 : i32
      %mul3A_496 = arith.muli %add3A, %mul3A_495 : i32
      %add3A_497 = arith.addi %mul3A_494, %mul3A_496 : i32
      %dma_start3A_498 = arith.constant 3 : i32
      %dma_start3A_499 = arith.constant 3 : i32
      %dma_start3A_500 = arith.constant 0 : i32
      %dma_start3A_501 = arith.constant 0 : i32
      %dma_start3A_502 = tpu.memref_slice %arg6[%dma_start3A_498, %dma_start3A_500, %dma_start3A_501] : memref<10x128x64xf32, #tpu.memory_space<vmem>> -> memref<1x128x64xf32, #tpu.memory_space<vmem>>
      %dma_start3A_503 = tpu.memref_squeeze %dma_start3A_502 : memref<1x128x64xf32, #tpu.memory_space<vmem>> -> memref<128x64xf32, #tpu.memory_space<vmem>>
      %dma_start3A_504 = arith.constant 0 : i32
      %dma_start3A_505 = tpu.memref_slice %arg4[%add3A_497, %dma_start3A_504] : memref<204800x64xf32, #tpu.memory_space<hbm>> -> memref<128x64xf32, #tpu.memory_space<hbm>>
      %dma_start3A_506 = tpu.memref_slice %arg8[%dma_start3A_499] : memref<10x!tpu.dma_semaphore, #tpu.memory_space<semaphore_mem>> -> memref<1x!tpu.dma_semaphore, #tpu.memory_space<semaphore_mem>>
      %dma_start3A_507 = tpu.memref_squeeze %dma_start3A_506 : memref<1x!tpu.dma_semaphore, #tpu.memory_space<semaphore_mem>> -> memref<!tpu.dma_semaphore, #tpu.memory_space<semaphore_mem>>
      %dma_start3A_508 = arith.constant 0 : i32
      %dma_start3A_509 = tpu.memref_slice %arg4[%add3A_497, %dma_start3A_508] : memref<204800x64xf32, #tpu.memory_space<hbm>> -> memref<128x64xf32, #tpu.memory_space<hbm>>
      %dma_start3A_510 = arith.constant 0 : i32
      %dma_start3A_511 = arith.constant 0 : i32
      %dma_start3A_512 = tpu.memref_slice %arg6[%dma_start3A_498, %dma_start3A_510, %dma_start3A_511] : memref<10x128x64xf32, #tpu.memory_space<vmem>> -> memref<1x128x64xf32, #tpu.memory_space<vmem>>
      %dma_start3A_513 = tpu.memref_squeeze %dma_start3A_512 : memref<1x128x64xf32, #tpu.memory_space<vmem>> -> memref<128x64xf32, #tpu.memory_space<vmem>>
      tpu.enqueue_dma source(%dma_start3A_513 : memref<128x64xf32, #tpu.memory_space<vmem>>) target(%dma_start3A_509 : memref<128x64xf32, #tpu.memory_space<hbm>>) target_semaphore(%dma_start3A_507 : memref<!tpu.dma_semaphore, #tpu.memory_space<semaphore_mem>>)
      %add3A_514 = arith.constant 4 : i32
      %add3A_515 = arith.addi %mul3A_355, %add3A_514 : i32
      %dma_wait3A_516 = arith.constant 4 : i32
      %dma_wait3A_517 = arith.constant 4 : i32
      %dma_wait3A_518 = arith.constant 0 : i32
      %dma_wait3A_519 = arith.constant 0 : i32
      %dma_wait3A_520 = tpu.memref_slice %arg6[%dma_wait3A_516, %dma_wait3A_518, %dma_wait3A_519] : memref<10x128x64xf32, #tpu.memory_space<vmem>> -> memref<1x128x64xf32, #tpu.memory_space<vmem>>
      %dma_wait3A_521 = tpu.memref_squeeze %dma_wait3A_520 : memref<1x128x64xf32, #tpu.memory_space<vmem>> -> memref<128x64xf32, #tpu.memory_space<vmem>>
      %dma_wait3A_522 = arith.constant 0 : i32
      %dma_wait3A_523 = tpu.memref_slice %arg5[%add3A_515, %dma_wait3A_522] : memref<50x128xi32, #tpu.memory_space<vmem>> -> memref<1x128xi32, #tpu.memory_space<vmem>>
      %dma_wait3A_524 = tpu.memref_squeeze %dma_wait3A_523 : memref<1x128xi32, #tpu.memory_space<vmem>> -> memref<128xi32, #tpu.memory_space<vmem>>
      %dma_wait3A_525 = arith.constant 0 : i32
      %dma_wait3A_526 = arith.constant 0 : i32
      %dma_wait3A_527 = tpu.memref_slice %arg2[%dma_wait3A_525, %dma_wait3A_526] : memref<100000x64xf32, #tpu.memory_space<hbm>> -> memref<100000x64xf32, #tpu.memory_space<hbm>>
      %dma_wait3A_528 = tpu.memref_slice %arg7[%dma_wait3A_517] : memref<10x!tpu.dma_semaphore, #tpu.memory_space<semaphore_mem>> -> memref<1x!tpu.dma_semaphore, #tpu.memory_space<semaphore_mem>>
      %dma_wait3A_529 = tpu.memref_squeeze %dma_wait3A_528 : memref<1x!tpu.dma_semaphore, #tpu.memory_space<semaphore_mem>> -> memref<!tpu.dma_semaphore, #tpu.memory_space<semaphore_mem>>
      tpu.wait_indirect_dma semaphore(%dma_wait3A_529 : memref<!tpu.dma_semaphore, #tpu.memory_space<semaphore_mem>>) src(%dma_wait3A_527 : memref<100000x64xf32, #tpu.memory_space<hbm>>) dst(%dma_wait3A_521 : memref<128x64xf32, #tpu.memory_space<vmem>>)
      %add3A_530 = arith.constant 4 : i32
      %add3A_531 = arith.addi %mul3A_355, %add3A_530 : i32
      %mul3A_532 = arith.constant 4096 : i32
      %mul3A_533 = arith.muli %add3A_531, %mul3A_532 : i32
      %mul3A_534 = arith.constant 128 : i32
      %mul3A_535 = arith.muli %add3A, %mul3A_534 : i32
      %add3A_536 = arith.addi %mul3A_533, %mul3A_535 : i32
      %dma_start3A_537 = arith.constant 4 : i32
      %dma_start3A_538 = arith.constant 4 : i32
      %dma_start3A_539 = arith.constant 0 : i32
      %dma_start3A_540 = arith.constant 0 : i32
      %dma_start3A_541 = tpu.memref_slice %arg6[%dma_start3A_537, %dma_start3A_539, %dma_start3A_540] : memref<10x128x64xf32, #tpu.memory_space<vmem>> -> memref<1x128x64xf32, #tpu.memory_space<vmem>>
      %dma_start3A_542 = tpu.memref_squeeze %dma_start3A_541 : memref<1x128x64xf32, #tpu.memory_space<vmem>> -> memref<128x64xf32, #tpu.memory_space<vmem>>
      %dma_start3A_543 = arith.constant 0 : i32
      %dma_start3A_544 = tpu.memref_slice %arg4[%add3A_536, %dma_start3A_543] : memref<204800x64xf32, #tpu.memory_space<hbm>> -> memref<128x64xf32, #tpu.memory_space<hbm>>
      %dma_start3A_545 = tpu.memref_slice %arg8[%dma_start3A_538] : memref<10x!tpu.dma_semaphore, #tpu.memory_space<semaphore_mem>> -> memref<1x!tpu.dma_semaphore, #tpu.memory_space<semaphore_mem>>
      %dma_start3A_546 = tpu.memref_squeeze %dma_start3A_545 : memref<1x!tpu.dma_semaphore, #tpu.memory_space<semaphore_mem>> -> memref<!tpu.dma_semaphore, #tpu.memory_space<semaphore_mem>>
      %dma_start3A_547 = arith.constant 0 : i32
      %dma_start3A_548 = tpu.memref_slice %arg4[%add3A_536, %dma_start3A_547] : memref<204800x64xf32, #tpu.memory_space<hbm>> -> memref<128x64xf32, #tpu.memory_space<hbm>>
      %dma_start3A_549 = arith.constant 0 : i32
      %dma_start3A_550 = arith.constant 0 : i32
      %dma_start3A_551 = tpu.memref_slice %arg6[%dma_start3A_537, %dma_start3A_549, %dma_start3A_550] : memref<10x128x64xf32, #tpu.memory_space<vmem>> -> memref<1x128x64xf32, #tpu.memory_space<vmem>>
      %dma_start3A_552 = tpu.memref_squeeze %dma_start3A_551 : memref<1x128x64xf32, #tpu.memory_space<vmem>> -> memref<128x64xf32, #tpu.memory_space<vmem>>
      tpu.enqueue_dma source(%dma_start3A_552 : memref<128x64xf32, #tpu.memory_space<vmem>>) target(%dma_start3A_548 : memref<128x64xf32, #tpu.memory_space<hbm>>) target_semaphore(%dma_start3A_546 : memref<!tpu.dma_semaphore, #tpu.memory_space<semaphore_mem>>)
      %add3A_553 = arith.constant 5 : i32
      %add3A_554 = arith.addi %mul3A_355, %add3A_553 : i32
      %dma_wait3A_555 = arith.constant 5 : i32
      %dma_wait3A_556 = arith.constant 5 : i32
      %dma_wait3A_557 = arith.constant 0 : i32
      %dma_wait3A_558 = arith.constant 0 : i32
      %dma_wait3A_559 = tpu.memref_slice %arg6[%dma_wait3A_555, %dma_wait3A_557, %dma_wait3A_558] : memref<10x128x64xf32, #tpu.memory_space<vmem>> -> memref<1x128x64xf32, #tpu.memory_space<vmem>>
      %dma_wait3A_560 = tpu.memref_squeeze %dma_wait3A_559 : memref<1x128x64xf32, #tpu.memory_space<vmem>> -> memref<128x64xf32, #tpu.memory_space<vmem>>
      %dma_wait3A_561 = arith.constant 0 : i32
      %dma_wait3A_562 = tpu.memref_slice %arg5[%add3A_554, %dma_wait3A_561] : memref<50x128xi32, #tpu.memory_space<vmem>> -> memref<1x128xi32, #tpu.memory_space<vmem>>
      %dma_wait3A_563 = tpu.memref_squeeze %dma_wait3A_562 : memref<1x128xi32, #tpu.memory_space<vmem>> -> memref<128xi32, #tpu.memory_space<vmem>>
      %dma_wait3A_564 = arith.constant 0 : i32
      %dma_wait3A_565 = arith.constant 0 : i32
      %dma_wait3A_566 = tpu.memref_slice %arg2[%dma_wait3A_564, %dma_wait3A_565] : memref<100000x64xf32, #tpu.memory_space<hbm>> -> memref<100000x64xf32, #tpu.memory_space<hbm>>
      %dma_wait3A_567 = tpu.memref_slice %arg7[%dma_wait3A_556] : memref<10x!tpu.dma_semaphore, #tpu.memory_space<semaphore_mem>> -> memref<1x!tpu.dma_semaphore, #tpu.memory_space<semaphore_mem>>
      %dma_wait3A_568 = tpu.memref_squeeze %dma_wait3A_567 : memref<1x!tpu.dma_semaphore, #tpu.memory_space<semaphore_mem>> -> memref<!tpu.dma_semaphore, #tpu.memory_space<semaphore_mem>>
      tpu.wait_indirect_dma semaphore(%dma_wait3A_568 : memref<!tpu.dma_semaphore, #tpu.memory_space<semaphore_mem>>) src(%dma_wait3A_566 : memref<100000x64xf32, #tpu.memory_space<hbm>>) dst(%dma_wait3A_560 : memref<128x64xf32, #tpu.memory_space<vmem>>)
      %add3A_569 = arith.constant 5 : i32
      %add3A_570 = arith.addi %mul3A_355, %add3A_569 : i32
      %mul3A_571 = arith.constant 4096 : i32
      %mul3A_572 = arith.muli %add3A_570, %mul3A_571 : i32
      %mul3A_573 = arith.constant 128 : i32
      %mul3A_574 = arith.muli %add3A, %mul3A_573 : i32
      %add3A_575 = arith.addi %mul3A_572, %mul3A_574 : i32
      %dma_start3A_576 = arith.constant 5 : i32
      %dma_start3A_577 = arith.constant 5 : i32
      %dma_start3A_578 = arith.constant 0 : i32
      %dma_start3A_579 = arith.constant 0 : i32
      %dma_start3A_580 = tpu.memref_slice %arg6[%dma_start3A_576, %dma_start3A_578, %dma_start3A_579] : memref<10x128x64xf32, #tpu.memory_space<vmem>> -> memref<1x128x64xf32, #tpu.memory_space<vmem>>
      %dma_start3A_581 = tpu.memref_squeeze %dma_start3A_580 : memref<1x128x64xf32, #tpu.memory_space<vmem>> -> memref<128x64xf32, #tpu.memory_space<vmem>>
      %dma_start3A_582 = arith.constant 0 : i32
      %dma_start3A_583 = tpu.memref_slice %arg4[%add3A_575, %dma_start3A_582] : memref<204800x64xf32, #tpu.memory_space<hbm>> -> memref<128x64xf32, #tpu.memory_space<hbm>>
      %dma_start3A_584 = tpu.memref_slice %arg8[%dma_start3A_577] : memref<10x!tpu.dma_semaphore, #tpu.memory_space<semaphore_mem>> -> memref<1x!tpu.dma_semaphore, #tpu.memory_space<semaphore_mem>>
      %dma_start3A_585 = tpu.memref_squeeze %dma_start3A_584 : memref<1x!tpu.dma_semaphore, #tpu.memory_space<semaphore_mem>> -> memref<!tpu.dma_semaphore, #tpu.memory_space<semaphore_mem>>
      %dma_start3A_586 = arith.constant 0 : i32
      %dma_start3A_587 = tpu.memref_slice %arg4[%add3A_575, %dma_start3A_586] : memref<204800x64xf32, #tpu.memory_space<hbm>> -> memref<128x64xf32, #tpu.memory_space<hbm>>
      %dma_start3A_588 = arith.constant 0 : i32
      %dma_start3A_589 = arith.constant 0 : i32
      %dma_start3A_590 = tpu.memref_slice %arg6[%dma_start3A_576, %dma_start3A_588, %dma_start3A_589] : memref<10x128x64xf32, #tpu.memory_space<vmem>> -> memref<1x128x64xf32, #tpu.memory_space<vmem>>
      %dma_start3A_591 = tpu.memref_squeeze %dma_start3A_590 : memref<1x128x64xf32, #tpu.memory_space<vmem>> -> memref<128x64xf32, #tpu.memory_space<vmem>>
      tpu.enqueue_dma source(%dma_start3A_591 : memref<128x64xf32, #tpu.memory_space<vmem>>) target(%dma_start3A_587 : memref<128x64xf32, #tpu.memory_space<hbm>>) target_semaphore(%dma_start3A_585 : memref<!tpu.dma_semaphore, #tpu.memory_space<semaphore_mem>>)
      %add3A_592 = arith.constant 6 : i32
      %add3A_593 = arith.addi %mul3A_355, %add3A_592 : i32
      %dma_wait3A_594 = arith.constant 6 : i32
      %dma_wait3A_595 = arith.constant 6 : i32
      %dma_wait3A_596 = arith.constant 0 : i32
      %dma_wait3A_597 = arith.constant 0 : i32
      %dma_wait3A_598 = tpu.memref_slice %arg6[%dma_wait3A_594, %dma_wait3A_596, %dma_wait3A_597] : memref<10x128x64xf32, #tpu.memory_space<vmem>> -> memref<1x128x64xf32, #tpu.memory_space<vmem>>
      %dma_wait3A_599 = tpu.memref_squeeze %dma_wait3A_598 : memref<1x128x64xf32, #tpu.memory_space<vmem>> -> memref<128x64xf32, #tpu.memory_space<vmem>>
      %dma_wait3A_600 = arith.constant 0 : i32
      %dma_wait3A_601 = tpu.memref_slice %arg5[%add3A_593, %dma_wait3A_600] : memref<50x128xi32, #tpu.memory_space<vmem>> -> memref<1x128xi32, #tpu.memory_space<vmem>>
      %dma_wait3A_602 = tpu.memref_squeeze %dma_wait3A_601 : memref<1x128xi32, #tpu.memory_space<vmem>> -> memref<128xi32, #tpu.memory_space<vmem>>
      %dma_wait3A_603 = arith.constant 0 : i32
      %dma_wait3A_604 = arith.constant 0 : i32
      %dma_wait3A_605 = tpu.memref_slice %arg2[%dma_wait3A_603, %dma_wait3A_604] : memref<100000x64xf32, #tpu.memory_space<hbm>> -> memref<100000x64xf32, #tpu.memory_space<hbm>>
      %dma_wait3A_606 = tpu.memref_slice %arg7[%dma_wait3A_595] : memref<10x!tpu.dma_semaphore, #tpu.memory_space<semaphore_mem>> -> memref<1x!tpu.dma_semaphore, #tpu.memory_space<semaphore_mem>>
      %dma_wait3A_607 = tpu.memref_squeeze %dma_wait3A_606 : memref<1x!tpu.dma_semaphore, #tpu.memory_space<semaphore_mem>> -> memref<!tpu.dma_semaphore, #tpu.memory_space<semaphore_mem>>
      tpu.wait_indirect_dma semaphore(%dma_wait3A_607 : memref<!tpu.dma_semaphore, #tpu.memory_space<semaphore_mem>>) src(%dma_wait3A_605 : memref<100000x64xf32, #tpu.memory_space<hbm>>) dst(%dma_wait3A_599 : memref<128x64xf32, #tpu.memory_space<vmem>>)
      %add3A_608 = arith.constant 6 : i32
      %add3A_609 = arith.addi %mul3A_355, %add3A_608 : i32
      %mul3A_610 = arith.constant 4096 : i32
      %mul3A_611 = arith.muli %add3A_609, %mul3A_610 : i32
      %mul3A_612 = arith.constant 128 : i32
      %mul3A_613 = arith.muli %add3A, %mul3A_612 : i32
      %add3A_614 = arith.addi %mul3A_611, %mul3A_613 : i32
      %dma_start3A_615 = arith.constant 6 : i32
      %dma_start3A_616 = arith.constant 6 : i32
      %dma_start3A_617 = arith.constant 0 : i32
      %dma_start3A_618 = arith.constant 0 : i32
      %dma_start3A_619 = tpu.memref_slice %arg6[%dma_start3A_615, %dma_start3A_617, %dma_start3A_618] : memref<10x128x64xf32, #tpu.memory_space<vmem>> -> memref<1x128x64xf32, #tpu.memory_space<vmem>>
      %dma_start3A_620 = tpu.memref_squeeze %dma_start3A_619 : memref<1x128x64xf32, #tpu.memory_space<vmem>> -> memref<128x64xf32, #tpu.memory_space<vmem>>
      %dma_start3A_621 = arith.constant 0 : i32
      %dma_start3A_622 = tpu.memref_slice %arg4[%add3A_614, %dma_start3A_621] : memref<204800x64xf32, #tpu.memory_space<hbm>> -> memref<128x64xf32, #tpu.memory_space<hbm>>
      %dma_start3A_623 = tpu.memref_slice %arg8[%dma_start3A_616] : memref<10x!tpu.dma_semaphore, #tpu.memory_space<semaphore_mem>> -> memref<1x!tpu.dma_semaphore, #tpu.memory_space<semaphore_mem>>
      %dma_start3A_624 = tpu.memref_squeeze %dma_start3A_623 : memref<1x!tpu.dma_semaphore, #tpu.memory_space<semaphore_mem>> -> memref<!tpu.dma_semaphore, #tpu.memory_space<semaphore_mem>>
      %dma_start3A_625 = arith.constant 0 : i32
      %dma_start3A_626 = tpu.memref_slice %arg4[%add3A_614, %dma_start3A_625] : memref<204800x64xf32, #tpu.memory_space<hbm>> -> memref<128x64xf32, #tpu.memory_space<hbm>>
      %dma_start3A_627 = arith.constant 0 : i32
      %dma_start3A_628 = arith.constant 0 : i32
      %dma_start3A_629 = tpu.memref_slice %arg6[%dma_start3A_615, %dma_start3A_627, %dma_start3A_628] : memref<10x128x64xf32, #tpu.memory_space<vmem>> -> memref<1x128x64xf32, #tpu.memory_space<vmem>>
      %dma_start3A_630 = tpu.memref_squeeze %dma_start3A_629 : memref<1x128x64xf32, #tpu.memory_space<vmem>> -> memref<128x64xf32, #tpu.memory_space<vmem>>
      tpu.enqueue_dma source(%dma_start3A_630 : memref<128x64xf32, #tpu.memory_space<vmem>>) target(%dma_start3A_626 : memref<128x64xf32, #tpu.memory_space<hbm>>) target_semaphore(%dma_start3A_624 : memref<!tpu.dma_semaphore, #tpu.memory_space<semaphore_mem>>)
      %add3A_631 = arith.constant 7 : i32
      %add3A_632 = arith.addi %mul3A_355, %add3A_631 : i32
      %dma_wait3A_633 = arith.constant 7 : i32
      %dma_wait3A_634 = arith.constant 7 : i32
      %dma_wait3A_635 = arith.constant 0 : i32
      %dma_wait3A_636 = arith.constant 0 : i32
      %dma_wait3A_637 = tpu.memref_slice %arg6[%dma_wait3A_633, %dma_wait3A_635, %dma_wait3A_636] : memref<10x128x64xf32, #tpu.memory_space<vmem>> -> memref<1x128x64xf32, #tpu.memory_space<vmem>>
      %dma_wait3A_638 = tpu.memref_squeeze %dma_wait3A_637 : memref<1x128x64xf32, #tpu.memory_space<vmem>> -> memref<128x64xf32, #tpu.memory_space<vmem>>
      %dma_wait3A_639 = arith.constant 0 : i32
      %dma_wait3A_640 = tpu.memref_slice %arg5[%add3A_632, %dma_wait3A_639] : memref<50x128xi32, #tpu.memory_space<vmem>> -> memref<1x128xi32, #tpu.memory_space<vmem>>
      %dma_wait3A_641 = tpu.memref_squeeze %dma_wait3A_640 : memref<1x128xi32, #tpu.memory_space<vmem>> -> memref<128xi32, #tpu.memory_space<vmem>>
      %dma_wait3A_642 = arith.constant 0 : i32
      %dma_wait3A_643 = arith.constant 0 : i32
      %dma_wait3A_644 = tpu.memref_slice %arg2[%dma_wait3A_642, %dma_wait3A_643] : memref<100000x64xf32, #tpu.memory_space<hbm>> -> memref<100000x64xf32, #tpu.memory_space<hbm>>
      %dma_wait3A_645 = tpu.memref_slice %arg7[%dma_wait3A_634] : memref<10x!tpu.dma_semaphore, #tpu.memory_space<semaphore_mem>> -> memref<1x!tpu.dma_semaphore, #tpu.memory_space<semaphore_mem>>
      %dma_wait3A_646 = tpu.memref_squeeze %dma_wait3A_645 : memref<1x!tpu.dma_semaphore, #tpu.memory_space<semaphore_mem>> -> memref<!tpu.dma_semaphore, #tpu.memory_space<semaphore_mem>>
      tpu.wait_indirect_dma semaphore(%dma_wait3A_646 : memref<!tpu.dma_semaphore, #tpu.memory_space<semaphore_mem>>) src(%dma_wait3A_644 : memref<100000x64xf32, #tpu.memory_space<hbm>>) dst(%dma_wait3A_638 : memref<128x64xf32, #tpu.memory_space<vmem>>)
      %add3A_647 = arith.constant 7 : i32
      %add3A_648 = arith.addi %mul3A_355, %add3A_647 : i32
      %mul3A_649 = arith.constant 4096 : i32
      %mul3A_650 = arith.muli %add3A_648, %mul3A_649 : i32
      %mul3A_651 = arith.constant 128 : i32
      %mul3A_652 = arith.muli %add3A, %mul3A_651 : i32
      %add3A_653 = arith.addi %mul3A_650, %mul3A_652 : i32
      %dma_start3A_654 = arith.constant 7 : i32
      %dma_start3A_655 = arith.constant 7 : i32
      %dma_start3A_656 = arith.constant 0 : i32
      %dma_start3A_657 = arith.constant 0 : i32
      %dma_start3A_658 = tpu.memref_slice %arg6[%dma_start3A_654, %dma_start3A_656, %dma_start3A_657] : memref<10x128x64xf32, #tpu.memory_space<vmem>> -> memref<1x128x64xf32, #tpu.memory_space<vmem>>
      %dma_start3A_659 = tpu.memref_squeeze %dma_start3A_658 : memref<1x128x64xf32, #tpu.memory_space<vmem>> -> memref<128x64xf32, #tpu.memory_space<vmem>>
      %dma_start3A_660 = arith.constant 0 : i32
      %dma_start3A_661 = tpu.memref_slice %arg4[%add3A_653, %dma_start3A_660] : memref<204800x64xf32, #tpu.memory_space<hbm>> -> memref<128x64xf32, #tpu.memory_space<hbm>>
      %dma_start3A_662 = tpu.memref_slice %arg8[%dma_start3A_655] : memref<10x!tpu.dma_semaphore, #tpu.memory_space<semaphore_mem>> -> memref<1x!tpu.dma_semaphore, #tpu.memory_space<semaphore_mem>>
      %dma_start3A_663 = tpu.memref_squeeze %dma_start3A_662 : memref<1x!tpu.dma_semaphore, #tpu.memory_space<semaphore_mem>> -> memref<!tpu.dma_semaphore, #tpu.memory_space<semaphore_mem>>
      %dma_start3A_664 = arith.constant 0 : i32
      %dma_start3A_665 = tpu.memref_slice %arg4[%add3A_653, %dma_start3A_664] : memref<204800x64xf32, #tpu.memory_space<hbm>> -> memref<128x64xf32, #tpu.memory_space<hbm>>
      %dma_start3A_666 = arith.constant 0 : i32
      %dma_start3A_667 = arith.constant 0 : i32
      %dma_start3A_668 = tpu.memref_slice %arg6[%dma_start3A_654, %dma_start3A_666, %dma_start3A_667] : memref<10x128x64xf32, #tpu.memory_space<vmem>> -> memref<1x128x64xf32, #tpu.memory_space<vmem>>
      %dma_start3A_669 = tpu.memref_squeeze %dma_start3A_668 : memref<1x128x64xf32, #tpu.memory_space<vmem>> -> memref<128x64xf32, #tpu.memory_space<vmem>>
      tpu.enqueue_dma source(%dma_start3A_669 : memref<128x64xf32, #tpu.memory_space<vmem>>) target(%dma_start3A_665 : memref<128x64xf32, #tpu.memory_space<hbm>>) target_semaphore(%dma_start3A_663 : memref<!tpu.dma_semaphore, #tpu.memory_space<semaphore_mem>>)
      %add3A_670 = arith.constant 8 : i32
      %add3A_671 = arith.addi %mul3A_355, %add3A_670 : i32
      %dma_wait3A_672 = arith.constant 8 : i32
      %dma_wait3A_673 = arith.constant 8 : i32
      %dma_wait3A_674 = arith.constant 0 : i32
      %dma_wait3A_675 = arith.constant 0 : i32
      %dma_wait3A_676 = tpu.memref_slice %arg6[%dma_wait3A_672, %dma_wait3A_674, %dma_wait3A_675] : memref<10x128x64xf32, #tpu.memory_space<vmem>> -> memref<1x128x64xf32, #tpu.memory_space<vmem>>
      %dma_wait3A_677 = tpu.memref_squeeze %dma_wait3A_676 : memref<1x128x64xf32, #tpu.memory_space<vmem>> -> memref<128x64xf32, #tpu.memory_space<vmem>>
      %dma_wait3A_678 = arith.constant 0 : i32
      %dma_wait3A_679 = tpu.memref_slice %arg5[%add3A_671, %dma_wait3A_678] : memref<50x128xi32, #tpu.memory_space<vmem>> -> memref<1x128xi32, #tpu.memory_space<vmem>>
      %dma_wait3A_680 = tpu.memref_squeeze %dma_wait3A_679 : memref<1x128xi32, #tpu.memory_space<vmem>> -> memref<128xi32, #tpu.memory_space<vmem>>
      %dma_wait3A_681 = arith.constant 0 : i32
      %dma_wait3A_682 = arith.constant 0 : i32
      %dma_wait3A_683 = tpu.memref_slice %arg2[%dma_wait3A_681, %dma_wait3A_682] : memref<100000x64xf32, #tpu.memory_space<hbm>> -> memref<100000x64xf32, #tpu.memory_space<hbm>>
      %dma_wait3A_684 = tpu.memref_slice %arg7[%dma_wait3A_673] : memref<10x!tpu.dma_semaphore, #tpu.memory_space<semaphore_mem>> -> memref<1x!tpu.dma_semaphore, #tpu.memory_space<semaphore_mem>>
      %dma_wait3A_685 = tpu.memref_squeeze %dma_wait3A_684 : memref<1x!tpu.dma_semaphore, #tpu.memory_space<semaphore_mem>> -> memref<!tpu.dma_semaphore, #tpu.memory_space<semaphore_mem>>
      tpu.wait_indirect_dma semaphore(%dma_wait3A_685 : memref<!tpu.dma_semaphore, #tpu.memory_space<semaphore_mem>>) src(%dma_wait3A_683 : memref<100000x64xf32, #tpu.memory_space<hbm>>) dst(%dma_wait3A_677 : memref<128x64xf32, #tpu.memory_space<vmem>>)
      %add3A_686 = arith.constant 8 : i32
      %add3A_687 = arith.addi %mul3A_355, %add3A_686 : i32
      %mul3A_688 = arith.constant 4096 : i32
      %mul3A_689 = arith.muli %add3A_687, %mul3A_688 : i32
      %mul3A_690 = arith.constant 128 : i32
      %mul3A_691 = arith.muli %add3A, %mul3A_690 : i32
      %add3A_692 = arith.addi %mul3A_689, %mul3A_691 : i32
      %dma_start3A_693 = arith.constant 8 : i32
      %dma_start3A_694 = arith.constant 8 : i32
      %dma_start3A_695 = arith.constant 0 : i32
      %dma_start3A_696 = arith.constant 0 : i32
      %dma_start3A_697 = tpu.memref_slice %arg6[%dma_start3A_693, %dma_start3A_695, %dma_start3A_696] : memref<10x128x64xf32, #tpu.memory_space<vmem>> -> memref<1x128x64xf32, #tpu.memory_space<vmem>>
      %dma_start3A_698 = tpu.memref_squeeze %dma_start3A_697 : memref<1x128x64xf32, #tpu.memory_space<vmem>> -> memref<128x64xf32, #tpu.memory_space<vmem>>
      %dma_start3A_699 = arith.constant 0 : i32
      %dma_start3A_700 = tpu.memref_slice %arg4[%add3A_692, %dma_start3A_699] : memref<204800x64xf32, #tpu.memory_space<hbm>> -> memref<128x64xf32, #tpu.memory_space<hbm>>
      %dma_start3A_701 = tpu.memref_slice %arg8[%dma_start3A_694] : memref<10x!tpu.dma_semaphore, #tpu.memory_space<semaphore_mem>> -> memref<1x!tpu.dma_semaphore, #tpu.memory_space<semaphore_mem>>
      %dma_start3A_702 = tpu.memref_squeeze %dma_start3A_701 : memref<1x!tpu.dma_semaphore, #tpu.memory_space<semaphore_mem>> -> memref<!tpu.dma_semaphore, #tpu.memory_space<semaphore_mem>>
      %dma_start3A_703 = arith.constant 0 : i32
      %dma_start3A_704 = tpu.memref_slice %arg4[%add3A_692, %dma_start3A_703] : memref<204800x64xf32, #tpu.memory_space<hbm>> -> memref<128x64xf32, #tpu.memory_space<hbm>>
      %dma_start3A_705 = arith.constant 0 : i32
      %dma_start3A_706 = arith.constant 0 : i32
      %dma_start3A_707 = tpu.memref_slice %arg6[%dma_start3A_693, %dma_start3A_705, %dma_start3A_706] : memref<10x128x64xf32, #tpu.memory_space<vmem>> -> memref<1x128x64xf32, #tpu.memory_space<vmem>>
      %dma_start3A_708 = tpu.memref_squeeze %dma_start3A_707 : memref<1x128x64xf32, #tpu.memory_space<vmem>> -> memref<128x64xf32, #tpu.memory_space<vmem>>
      tpu.enqueue_dma source(%dma_start3A_708 : memref<128x64xf32, #tpu.memory_space<vmem>>) target(%dma_start3A_704 : memref<128x64xf32, #tpu.memory_space<hbm>>) target_semaphore(%dma_start3A_702 : memref<!tpu.dma_semaphore, #tpu.memory_space<semaphore_mem>>)
      %add3A_709 = arith.constant 9 : i32
      %add3A_710 = arith.addi %mul3A_355, %add3A_709 : i32
      %dma_wait3A_711 = arith.constant 9 : i32
      %dma_wait3A_712 = arith.constant 9 : i32
      %dma_wait3A_713 = arith.constant 0 : i32
      %dma_wait3A_714 = arith.constant 0 : i32
      %dma_wait3A_715 = tpu.memref_slice %arg6[%dma_wait3A_711, %dma_wait3A_713, %dma_wait3A_714] : memref<10x128x64xf32, #tpu.memory_space<vmem>> -> memref<1x128x64xf32, #tpu.memory_space<vmem>>
      %dma_wait3A_716 = tpu.memref_squeeze %dma_wait3A_715 : memref<1x128x64xf32, #tpu.memory_space<vmem>> -> memref<128x64xf32, #tpu.memory_space<vmem>>
      %dma_wait3A_717 = arith.constant 0 : i32
      %dma_wait3A_718 = tpu.memref_slice %arg5[%add3A_710, %dma_wait3A_717] : memref<50x128xi32, #tpu.memory_space<vmem>> -> memref<1x128xi32, #tpu.memory_space<vmem>>
      %dma_wait3A_719 = tpu.memref_squeeze %dma_wait3A_718 : memref<1x128xi32, #tpu.memory_space<vmem>> -> memref<128xi32, #tpu.memory_space<vmem>>
      %dma_wait3A_720 = arith.constant 0 : i32
      %dma_wait3A_721 = arith.constant 0 : i32
      %dma_wait3A_722 = tpu.memref_slice %arg2[%dma_wait3A_720, %dma_wait3A_721] : memref<100000x64xf32, #tpu.memory_space<hbm>> -> memref<100000x64xf32, #tpu.memory_space<hbm>>
      %dma_wait3A_723 = tpu.memref_slice %arg7[%dma_wait3A_712] : memref<10x!tpu.dma_semaphore, #tpu.memory_space<semaphore_mem>> -> memref<1x!tpu.dma_semaphore, #tpu.memory_space<semaphore_mem>>
      %dma_wait3A_724 = tpu.memref_squeeze %dma_wait3A_723 : memref<1x!tpu.dma_semaphore, #tpu.memory_space<semaphore_mem>> -> memref<!tpu.dma_semaphore, #tpu.memory_space<semaphore_mem>>
      tpu.wait_indirect_dma semaphore(%dma_wait3A_724 : memref<!tpu.dma_semaphore, #tpu.memory_space<semaphore_mem>>) src(%dma_wait3A_722 : memref<100000x64xf32, #tpu.memory_space<hbm>>) dst(%dma_wait3A_716 : memref<128x64xf32, #tpu.memory_space<vmem>>)
      %add3A_725 = arith.constant 9 : i32
      %add3A_726 = arith.addi %mul3A_355, %add3A_725 : i32
      %mul3A_727 = arith.constant 4096 : i32
      %mul3A_728 = arith.muli %add3A_726, %mul3A_727 : i32
      %mul3A_729 = arith.constant 128 : i32
      %mul3A_730 = arith.muli %add3A, %mul3A_729 : i32
      %add3A_731 = arith.addi %mul3A_728, %mul3A_730 : i32
      %dma_start3A_732 = arith.constant 9 : i32
      %dma_start3A_733 = arith.constant 9 : i32
      %dma_start3A_734 = arith.constant 0 : i32
      %dma_start3A_735 = arith.constant 0 : i32
      %dma_start3A_736 = tpu.memref_slice %arg6[%dma_start3A_732, %dma_start3A_734, %dma_start3A_735] : memref<10x128x64xf32, #tpu.memory_space<vmem>> -> memref<1x128x64xf32, #tpu.memory_space<vmem>>
      %dma_start3A_737 = tpu.memref_squeeze %dma_start3A_736 : memref<1x128x64xf32, #tpu.memory_space<vmem>> -> memref<128x64xf32, #tpu.memory_space<vmem>>
      %dma_start3A_738 = arith.constant 0 : i32
      %dma_start3A_739 = tpu.memref_slice %arg4[%add3A_731, %dma_start3A_738] : memref<204800x64xf32, #tpu.memory_space<hbm>> -> memref<128x64xf32, #tpu.memory_space<hbm>>
      %dma_start3A_740 = tpu.memref_slice %arg8[%dma_start3A_733] : memref<10x!tpu.dma_semaphore, #tpu.memory_space<semaphore_mem>> -> memref<1x!tpu.dma_semaphore, #tpu.memory_space<semaphore_mem>>
      %dma_start3A_741 = tpu.memref_squeeze %dma_start3A_740 : memref<1x!tpu.dma_semaphore, #tpu.memory_space<semaphore_mem>> -> memref<!tpu.dma_semaphore, #tpu.memory_space<semaphore_mem>>
      %dma_start3A_742 = arith.constant 0 : i32
      %dma_start3A_743 = tpu.memref_slice %arg4[%add3A_731, %dma_start3A_742] : memref<204800x64xf32, #tpu.memory_space<hbm>> -> memref<128x64xf32, #tpu.memory_space<hbm>>
      %dma_start3A_744 = arith.constant 0 : i32
      %dma_start3A_745 = arith.constant 0 : i32
      %dma_start3A_746 = tpu.memref_slice %arg6[%dma_start3A_732, %dma_start3A_744, %dma_start3A_745] : memref<10x128x64xf32, #tpu.memory_space<vmem>> -> memref<1x128x64xf32, #tpu.memory_space<vmem>>
      %dma_start3A_747 = tpu.memref_squeeze %dma_start3A_746 : memref<1x128x64xf32, #tpu.memory_space<vmem>> -> memref<128x64xf32, #tpu.memory_space<vmem>>
      tpu.enqueue_dma source(%dma_start3A_747 : memref<128x64xf32, #tpu.memory_space<vmem>>) target(%dma_start3A_743 : memref<128x64xf32, #tpu.memory_space<hbm>>) target_semaphore(%dma_start3A_741 : memref<!tpu.dma_semaphore, #tpu.memory_space<semaphore_mem>>)
      %add3A_748 = arith.constant 0 : i32
      %add3A_749 = arith.addi %mul3A_355, %add3A_748 : i32
      %mul3A_750 = arith.constant 4096 : i32
      %mul3A_751 = arith.muli %add3A_749, %mul3A_750 : i32
      %mul3A_752 = arith.constant 128 : i32
      %mul3A_753 = arith.muli %add3A, %mul3A_752 : i32
      %add3A_754 = arith.addi %mul3A_751, %mul3A_753 : i32
      %dma_wait3A_755 = arith.constant 0 : i32
      %dma_wait3A_756 = arith.constant 0 : i32
      %dma_wait3A_757 = arith.constant 0 : i32
      %dma_wait3A_758 = arith.constant 0 : i32
      %dma_wait3A_759 = tpu.memref_slice %arg6[%dma_wait3A_755, %dma_wait3A_757, %dma_wait3A_758] : memref<10x128x64xf32, #tpu.memory_space<vmem>> -> memref<1x128x64xf32, #tpu.memory_space<vmem>>
      %dma_wait3A_760 = tpu.memref_squeeze %dma_wait3A_759 : memref<1x128x64xf32, #tpu.memory_space<vmem>> -> memref<128x64xf32, #tpu.memory_space<vmem>>
      %dma_wait3A_761 = arith.constant 0 : i32
      %dma_wait3A_762 = tpu.memref_slice %arg4[%add3A_754, %dma_wait3A_761] : memref<204800x64xf32, #tpu.memory_space<hbm>> -> memref<128x64xf32, #tpu.memory_space<hbm>>
      %dma_wait3A_763 = tpu.memref_slice %arg8[%dma_wait3A_756] : memref<10x!tpu.dma_semaphore, #tpu.memory_space<semaphore_mem>> -> memref<1x!tpu.dma_semaphore, #tpu.memory_space<semaphore_mem>>
      %dma_wait3A_764 = tpu.memref_squeeze %dma_wait3A_763 : memref<1x!tpu.dma_semaphore, #tpu.memory_space<semaphore_mem>> -> memref<!tpu.dma_semaphore, #tpu.memory_space<semaphore_mem>>
      %dma_wait3A_765 = arith.constant 0 : i32
      %dma_wait3A_766 = tpu.memref_slice %arg4[%add3A_754, %dma_wait3A_765] : memref<204800x64xf32, #tpu.memory_space<hbm>> -> memref<128x64xf32, #tpu.memory_space<hbm>>
      %dma_wait3A_767 = arith.constant 0 : i32
      %dma_wait3A_768 = arith.constant 0 : i32
      %dma_wait3A_769 = tpu.memref_slice %arg6[%dma_wait3A_755, %dma_wait3A_767, %dma_wait3A_768] : memref<10x128x64xf32, #tpu.memory_space<vmem>> -> memref<1x128x64xf32, #tpu.memory_space<vmem>>
      %dma_wait3A_770 = tpu.memref_squeeze %dma_wait3A_769 : memref<1x128x64xf32, #tpu.memory_space<vmem>> -> memref<128x64xf32, #tpu.memory_space<vmem>>
      tpu.wait_dma2 semaphore(%dma_wait3A_764 : memref<!tpu.dma_semaphore, #tpu.memory_space<semaphore_mem>>) src(%dma_wait3A_770 : memref<128x64xf32, #tpu.memory_space<vmem>>) dst(%dma_wait3A_766 : memref<128x64xf32, #tpu.memory_space<hbm>>)
      %add3A_771 = arith.constant 0 : i32
      %add3A_772 = arith.addi %mul3A_357, %add3A_771 : i32
      %dma_start3A_773 = arith.constant 0 : i32
      %dma_start3A_774 = arith.constant 0 : i32
      %dma_start3A_775 = arith.constant 0 : i32
      %dma_start3A_776 = arith.constant 0 : i32
      %dma_start3A_777 = tpu.memref_slice %arg6[%dma_start3A_773, %dma_start3A_775, %dma_start3A_776] : memref<10x128x64xf32, #tpu.memory_space<vmem>> -> memref<1x128x64xf32, #tpu.memory_space<vmem>>
      %dma_start3A_778 = tpu.memref_squeeze %dma_start3A_777 : memref<1x128x64xf32, #tpu.memory_space<vmem>> -> memref<128x64xf32, #tpu.memory_space<vmem>>
      %dma_start3A_779 = arith.constant 0 : i32
      %dma_start3A_780 = tpu.memref_slice %arg5[%add3A_772, %dma_start3A_779] : memref<50x128xi32, #tpu.memory_space<vmem>> -> memref<1x128xi32, #tpu.memory_space<vmem>>
      %dma_start3A_781 = tpu.memref_squeeze %dma_start3A_780 : memref<1x128xi32, #tpu.memory_space<vmem>> -> memref<128xi32, #tpu.memory_space<vmem>>
      %dma_start3A_782 = arith.constant 0 : i32
      %dma_start3A_783 = arith.constant 0 : i32
      %dma_start3A_784 = tpu.memref_slice %arg2[%dma_start3A_782, %dma_start3A_783] : memref<100000x64xf32, #tpu.memory_space<hbm>> -> memref<100000x64xf32, #tpu.memory_space<hbm>>
      %dma_start3A_785 = tpu.memref_slice %arg7[%dma_start3A_774] : memref<10x!tpu.dma_semaphore, #tpu.memory_space<semaphore_mem>> -> memref<1x!tpu.dma_semaphore, #tpu.memory_space<semaphore_mem>>
      %dma_start3A_786 = tpu.memref_squeeze %dma_start3A_785 : memref<1x!tpu.dma_semaphore, #tpu.memory_space<semaphore_mem>> -> memref<!tpu.dma_semaphore, #tpu.memory_space<semaphore_mem>>
      tpu.enqueue_indirect_dma source(%dma_start3A_784 : memref<100000x64xf32, #tpu.memory_space<hbm>>) target(%dma_start3A_778 : memref<128x64xf32, #tpu.memory_space<vmem>>) offsets(%dma_start3A_781 : memref<128xi32, #tpu.memory_space<vmem>>) semaphore(%dma_start3A_786 : memref<!tpu.dma_semaphore, #tpu.memory_space<semaphore_mem>>)
      %add3A_787 = arith.constant 1 : i32
      %add3A_788 = arith.addi %mul3A_355, %add3A_787 : i32
      %mul3A_789 = arith.constant 4096 : i32
      %mul3A_790 = arith.muli %add3A_788, %mul3A_789 : i32
      %mul3A_791 = arith.constant 128 : i32
      %mul3A_792 = arith.muli %add3A, %mul3A_791 : i32
      %add3A_793 = arith.addi %mul3A_790, %mul3A_792 : i32
      %dma_wait3A_794 = arith.constant 1 : i32
      %dma_wait3A_795 = arith.constant 1 : i32
      %dma_wait3A_796 = arith.constant 0 : i32
      %dma_wait3A_797 = arith.constant 0 : i32
      %dma_wait3A_798 = tpu.memref_slice %arg6[%dma_wait3A_794, %dma_wait3A_796, %dma_wait3A_797] : memref<10x128x64xf32, #tpu.memory_space<vmem>> -> memref<1x128x64xf32, #tpu.memory_space<vmem>>
      %dma_wait3A_799 = tpu.memref_squeeze %dma_wait3A_798 : memref<1x128x64xf32, #tpu.memory_space<vmem>> -> memref<128x64xf32, #tpu.memory_space<vmem>>
      %dma_wait3A_800 = arith.constant 0 : i32
      %dma_wait3A_801 = tpu.memref_slice %arg4[%add3A_793, %dma_wait3A_800] : memref<204800x64xf32, #tpu.memory_space<hbm>> -> memref<128x64xf32, #tpu.memory_space<hbm>>
      %dma_wait3A_802 = tpu.memref_slice %arg8[%dma_wait3A_795] : memref<10x!tpu.dma_semaphore, #tpu.memory_space<semaphore_mem>> -> memref<1x!tpu.dma_semaphore, #tpu.memory_space<semaphore_mem>>
      %dma_wait3A_803 = tpu.memref_squeeze %dma_wait3A_802 : memref<1x!tpu.dma_semaphore, #tpu.memory_space<semaphore_mem>> -> memref<!tpu.dma_semaphore, #tpu.memory_space<semaphore_mem>>
      %dma_wait3A_804 = arith.constant 0 : i32
      %dma_wait3A_805 = tpu.memref_slice %arg4[%add3A_793, %dma_wait3A_804] : memref<204800x64xf32, #tpu.memory_space<hbm>> -> memref<128x64xf32, #tpu.memory_space<hbm>>
      %dma_wait3A_806 = arith.constant 0 : i32
      %dma_wait3A_807 = arith.constant 0 : i32
      %dma_wait3A_808 = tpu.memref_slice %arg6[%dma_wait3A_794, %dma_wait3A_806, %dma_wait3A_807] : memref<10x128x64xf32, #tpu.memory_space<vmem>> -> memref<1x128x64xf32, #tpu.memory_space<vmem>>
      %dma_wait3A_809 = tpu.memref_squeeze %dma_wait3A_808 : memref<1x128x64xf32, #tpu.memory_space<vmem>> -> memref<128x64xf32, #tpu.memory_space<vmem>>
      tpu.wait_dma2 semaphore(%dma_wait3A_803 : memref<!tpu.dma_semaphore, #tpu.memory_space<semaphore_mem>>) src(%dma_wait3A_809 : memref<128x64xf32, #tpu.memory_space<vmem>>) dst(%dma_wait3A_805 : memref<128x64xf32, #tpu.memory_space<hbm>>)
      %add3A_810 = arith.constant 1 : i32
      %add3A_811 = arith.addi %mul3A_357, %add3A_810 : i32
      %dma_start3A_812 = arith.constant 1 : i32
      %dma_start3A_813 = arith.constant 1 : i32
      %dma_start3A_814 = arith.constant 0 : i32
      %dma_start3A_815 = arith.constant 0 : i32
      %dma_start3A_816 = tpu.memref_slice %arg6[%dma_start3A_812, %dma_start3A_814, %dma_start3A_815] : memref<10x128x64xf32, #tpu.memory_space<vmem>> -> memref<1x128x64xf32, #tpu.memory_space<vmem>>
      %dma_start3A_817 = tpu.memref_squeeze %dma_start3A_816 : memref<1x128x64xf32, #tpu.memory_space<vmem>> -> memref<128x64xf32, #tpu.memory_space<vmem>>
      %dma_start3A_818 = arith.constant 0 : i32
      %dma_start3A_819 = tpu.memref_slice %arg5[%add3A_811, %dma_start3A_818] : memref<50x128xi32, #tpu.memory_space<vmem>> -> memref<1x128xi32, #tpu.memory_space<vmem>>
      %dma_start3A_820 = tpu.memref_squeeze %dma_start3A_819 : memref<1x128xi32, #tpu.memory_space<vmem>> -> memref<128xi32, #tpu.memory_space<vmem>>
      %dma_start3A_821 = arith.constant 0 : i32
      %dma_start3A_822 = arith.constant 0 : i32
      %dma_start3A_823 = tpu.memref_slice %arg2[%dma_start3A_821, %dma_start3A_822] : memref<100000x64xf32, #tpu.memory_space<hbm>> -> memref<100000x64xf32, #tpu.memory_space<hbm>>
      %dma_start3A_824 = tpu.memref_slice %arg7[%dma_start3A_813] : memref<10x!tpu.dma_semaphore, #tpu.memory_space<semaphore_mem>> -> memref<1x!tpu.dma_semaphore, #tpu.memory_space<semaphore_mem>>
      %dma_start3A_825 = tpu.memref_squeeze %dma_start3A_824 : memref<1x!tpu.dma_semaphore, #tpu.memory_space<semaphore_mem>> -> memref<!tpu.dma_semaphore, #tpu.memory_space<semaphore_mem>>
      tpu.enqueue_indirect_dma source(%dma_start3A_823 : memref<100000x64xf32, #tpu.memory_space<hbm>>) target(%dma_start3A_817 : memref<128x64xf32, #tpu.memory_space<vmem>>) offsets(%dma_start3A_820 : memref<128xi32, #tpu.memory_space<vmem>>) semaphore(%dma_start3A_825 : memref<!tpu.dma_semaphore, #tpu.memory_space<semaphore_mem>>)
      %add3A_826 = arith.constant 2 : i32
      %add3A_827 = arith.addi %mul3A_355, %add3A_826 : i32
      %mul3A_828 = arith.constant 4096 : i32
      %mul3A_829 = arith.muli %add3A_827, %mul3A_828 : i32
      %mul3A_830 = arith.constant 128 : i32
      %mul3A_831 = arith.muli %add3A, %mul3A_830 : i32
      %add3A_832 = arith.addi %mul3A_829, %mul3A_831 : i32
      %dma_wait3A_833 = arith.constant 2 : i32
      %dma_wait3A_834 = arith.constant 2 : i32
      %dma_wait3A_835 = arith.constant 0 : i32
      %dma_wait3A_836 = arith.constant 0 : i32
      %dma_wait3A_837 = tpu.memref_slice %arg6[%dma_wait3A_833, %dma_wait3A_835, %dma_wait3A_836] : memref<10x128x64xf32, #tpu.memory_space<vmem>> -> memref<1x128x64xf32, #tpu.memory_space<vmem>>
      %dma_wait3A_838 = tpu.memref_squeeze %dma_wait3A_837 : memref<1x128x64xf32, #tpu.memory_space<vmem>> -> memref<128x64xf32, #tpu.memory_space<vmem>>
      %dma_wait3A_839 = arith.constant 0 : i32
      %dma_wait3A_840 = tpu.memref_slice %arg4[%add3A_832, %dma_wait3A_839] : memref<204800x64xf32, #tpu.memory_space<hbm>> -> memref<128x64xf32, #tpu.memory_space<hbm>>
      %dma_wait3A_841 = tpu.memref_slice %arg8[%dma_wait3A_834] : memref<10x!tpu.dma_semaphore, #tpu.memory_space<semaphore_mem>> -> memref<1x!tpu.dma_semaphore, #tpu.memory_space<semaphore_mem>>
      %dma_wait3A_842 = tpu.memref_squeeze %dma_wait3A_841 : memref<1x!tpu.dma_semaphore, #tpu.memory_space<semaphore_mem>> -> memref<!tpu.dma_semaphore, #tpu.memory_space<semaphore_mem>>
      %dma_wait3A_843 = arith.constant 0 : i32
      %dma_wait3A_844 = tpu.memref_slice %arg4[%add3A_832, %dma_wait3A_843] : memref<204800x64xf32, #tpu.memory_space<hbm>> -> memref<128x64xf32, #tpu.memory_space<hbm>>
      %dma_wait3A_845 = arith.constant 0 : i32
      %dma_wait3A_846 = arith.constant 0 : i32
      %dma_wait3A_847 = tpu.memref_slice %arg6[%dma_wait3A_833, %dma_wait3A_845, %dma_wait3A_846] : memref<10x128x64xf32, #tpu.memory_space<vmem>> -> memref<1x128x64xf32, #tpu.memory_space<vmem>>
      %dma_wait3A_848 = tpu.memref_squeeze %dma_wait3A_847 : memref<1x128x64xf32, #tpu.memory_space<vmem>> -> memref<128x64xf32, #tpu.memory_space<vmem>>
      tpu.wait_dma2 semaphore(%dma_wait3A_842 : memref<!tpu.dma_semaphore, #tpu.memory_space<semaphore_mem>>) src(%dma_wait3A_848 : memref<128x64xf32, #tpu.memory_space<vmem>>) dst(%dma_wait3A_844 : memref<128x64xf32, #tpu.memory_space<hbm>>)
      %add3A_849 = arith.constant 2 : i32
      %add3A_850 = arith.addi %mul3A_357, %add3A_849 : i32
      %dma_start3A_851 = arith.constant 2 : i32
      %dma_start3A_852 = arith.constant 2 : i32
      %dma_start3A_853 = arith.constant 0 : i32
      %dma_start3A_854 = arith.constant 0 : i32
      %dma_start3A_855 = tpu.memref_slice %arg6[%dma_start3A_851, %dma_start3A_853, %dma_start3A_854] : memref<10x128x64xf32, #tpu.memory_space<vmem>> -> memref<1x128x64xf32, #tpu.memory_space<vmem>>
      %dma_start3A_856 = tpu.memref_squeeze %dma_start3A_855 : memref<1x128x64xf32, #tpu.memory_space<vmem>> -> memref<128x64xf32, #tpu.memory_space<vmem>>
      %dma_start3A_857 = arith.constant 0 : i32
      %dma_start3A_858 = tpu.memref_slice %arg5[%add3A_850, %dma_start3A_857] : memref<50x128xi32, #tpu.memory_space<vmem>> -> memref<1x128xi32, #tpu.memory_space<vmem>>
      %dma_start3A_859 = tpu.memref_squeeze %dma_start3A_858 : memref<1x128xi32, #tpu.memory_space<vmem>> -> memref<128xi32, #tpu.memory_space<vmem>>
      %dma_start3A_860 = arith.constant 0 : i32
      %dma_start3A_861 = arith.constant 0 : i32
      %dma_start3A_862 = tpu.memref_slice %arg2[%dma_start3A_860, %dma_start3A_861] : memref<100000x64xf32, #tpu.memory_space<hbm>> -> memref<100000x64xf32, #tpu.memory_space<hbm>>
      %dma_start3A_863 = tpu.memref_slice %arg7[%dma_start3A_852] : memref<10x!tpu.dma_semaphore, #tpu.memory_space<semaphore_mem>> -> memref<1x!tpu.dma_semaphore, #tpu.memory_space<semaphore_mem>>
      %dma_start3A_864 = tpu.memref_squeeze %dma_start3A_863 : memref<1x!tpu.dma_semaphore, #tpu.memory_space<semaphore_mem>> -> memref<!tpu.dma_semaphore, #tpu.memory_space<semaphore_mem>>
      tpu.enqueue_indirect_dma source(%dma_start3A_862 : memref<100000x64xf32, #tpu.memory_space<hbm>>) target(%dma_start3A_856 : memref<128x64xf32, #tpu.memory_space<vmem>>) offsets(%dma_start3A_859 : memref<128xi32, #tpu.memory_space<vmem>>) semaphore(%dma_start3A_864 : memref<!tpu.dma_semaphore, #tpu.memory_space<semaphore_mem>>)
      %add3A_865 = arith.constant 3 : i32
      %add3A_866 = arith.addi %mul3A_355, %add3A_865 : i32
      %mul3A_867 = arith.constant 4096 : i32
      %mul3A_868 = arith.muli %add3A_866, %mul3A_867 : i32
      %mul3A_869 = arith.constant 128 : i32
      %mul3A_870 = arith.muli %add3A, %mul3A_869 : i32
      %add3A_871 = arith.addi %mul3A_868, %mul3A_870 : i32
      %dma_wait3A_872 = arith.constant 3 : i32
      %dma_wait3A_873 = arith.constant 3 : i32
      %dma_wait3A_874 = arith.constant 0 : i32
      %dma_wait3A_875 = arith.constant 0 : i32
      %dma_wait3A_876 = tpu.memref_slice %arg6[%dma_wait3A_872, %dma_wait3A_874, %dma_wait3A_875] : memref<10x128x64xf32, #tpu.memory_space<vmem>> -> memref<1x128x64xf32, #tpu.memory_space<vmem>>
      %dma_wait3A_877 = tpu.memref_squeeze %dma_wait3A_876 : memref<1x128x64xf32, #tpu.memory_space<vmem>> -> memref<128x64xf32, #tpu.memory_space<vmem>>
      %dma_wait3A_878 = arith.constant 0 : i32
      %dma_wait3A_879 = tpu.memref_slice %arg4[%add3A_871, %dma_wait3A_878] : memref<204800x64xf32, #tpu.memory_space<hbm>> -> memref<128x64xf32, #tpu.memory_space<hbm>>
      %dma_wait3A_880 = tpu.memref_slice %arg8[%dma_wait3A_873] : memref<10x!tpu.dma_semaphore, #tpu.memory_space<semaphore_mem>> -> memref<1x!tpu.dma_semaphore, #tpu.memory_space<semaphore_mem>>
      %dma_wait3A_881 = tpu.memref_squeeze %dma_wait3A_880 : memref<1x!tpu.dma_semaphore, #tpu.memory_space<semaphore_mem>> -> memref<!tpu.dma_semaphore, #tpu.memory_space<semaphore_mem>>
      %dma_wait3A_882 = arith.constant 0 : i32
      %dma_wait3A_883 = tpu.memref_slice %arg4[%add3A_871, %dma_wait3A_882] : memref<204800x64xf32, #tpu.memory_space<hbm>> -> memref<128x64xf32, #tpu.memory_space<hbm>>
      %dma_wait3A_884 = arith.constant 0 : i32
      %dma_wait3A_885 = arith.constant 0 : i32
      %dma_wait3A_886 = tpu.memref_slice %arg6[%dma_wait3A_872, %dma_wait3A_884, %dma_wait3A_885] : memref<10x128x64xf32, #tpu.memory_space<vmem>> -> memref<1x128x64xf32, #tpu.memory_space<vmem>>
      %dma_wait3A_887 = tpu.memref_squeeze %dma_wait3A_886 : memref<1x128x64xf32, #tpu.memory_space<vmem>> -> memref<128x64xf32, #tpu.memory_space<vmem>>
      tpu.wait_dma2 semaphore(%dma_wait3A_881 : memref<!tpu.dma_semaphore, #tpu.memory_space<semaphore_mem>>) src(%dma_wait3A_887 : memref<128x64xf32, #tpu.memory_space<vmem>>) dst(%dma_wait3A_883 : memref<128x64xf32, #tpu.memory_space<hbm>>)
      %add3A_888 = arith.constant 3 : i32
      %add3A_889 = arith.addi %mul3A_357, %add3A_888 : i32
      %dma_start3A_890 = arith.constant 3 : i32
      %dma_start3A_891 = arith.constant 3 : i32
      %dma_start3A_892 = arith.constant 0 : i32
      %dma_start3A_893 = arith.constant 0 : i32
      %dma_start3A_894 = tpu.memref_slice %arg6[%dma_start3A_890, %dma_start3A_892, %dma_start3A_893] : memref<10x128x64xf32, #tpu.memory_space<vmem>> -> memref<1x128x64xf32, #tpu.memory_space<vmem>>
      %dma_start3A_895 = tpu.memref_squeeze %dma_start3A_894 : memref<1x128x64xf32, #tpu.memory_space<vmem>> -> memref<128x64xf32, #tpu.memory_space<vmem>>
      %dma_start3A_896 = arith.constant 0 : i32
      %dma_start3A_897 = tpu.memref_slice %arg5[%add3A_889, %dma_start3A_896] : memref<50x128xi32, #tpu.memory_space<vmem>> -> memref<1x128xi32, #tpu.memory_space<vmem>>
      %dma_start3A_898 = tpu.memref_squeeze %dma_start3A_897 : memref<1x128xi32, #tpu.memory_space<vmem>> -> memref<128xi32, #tpu.memory_space<vmem>>
      %dma_start3A_899 = arith.constant 0 : i32
      %dma_start3A_900 = arith.constant 0 : i32
      %dma_start3A_901 = tpu.memref_slice %arg2[%dma_start3A_899, %dma_start3A_900] : memref<100000x64xf32, #tpu.memory_space<hbm>> -> memref<100000x64xf32, #tpu.memory_space<hbm>>
      %dma_start3A_902 = tpu.memref_slice %arg7[%dma_start3A_891] : memref<10x!tpu.dma_semaphore, #tpu.memory_space<semaphore_mem>> -> memref<1x!tpu.dma_semaphore, #tpu.memory_space<semaphore_mem>>
      %dma_start3A_903 = tpu.memref_squeeze %dma_start3A_902 : memref<1x!tpu.dma_semaphore, #tpu.memory_space<semaphore_mem>> -> memref<!tpu.dma_semaphore, #tpu.memory_space<semaphore_mem>>
      tpu.enqueue_indirect_dma source(%dma_start3A_901 : memref<100000x64xf32, #tpu.memory_space<hbm>>) target(%dma_start3A_895 : memref<128x64xf32, #tpu.memory_space<vmem>>) offsets(%dma_start3A_898 : memref<128xi32, #tpu.memory_space<vmem>>) semaphore(%dma_start3A_903 : memref<!tpu.dma_semaphore, #tpu.memory_space<semaphore_mem>>)
      %add3A_904 = arith.constant 4 : i32
      %add3A_905 = arith.addi %mul3A_355, %add3A_904 : i32
      %mul3A_906 = arith.constant 4096 : i32
      %mul3A_907 = arith.muli %add3A_905, %mul3A_906 : i32
      %mul3A_908 = arith.constant 128 : i32
      %mul3A_909 = arith.muli %add3A, %mul3A_908 : i32
      %add3A_910 = arith.addi %mul3A_907, %mul3A_909 : i32
      %dma_wait3A_911 = arith.constant 4 : i32
      %dma_wait3A_912 = arith.constant 4 : i32
      %dma_wait3A_913 = arith.constant 0 : i32
      %dma_wait3A_914 = arith.constant 0 : i32
      %dma_wait3A_915 = tpu.memref_slice %arg6[%dma_wait3A_911, %dma_wait3A_913, %dma_wait3A_914] : memref<10x128x64xf32, #tpu.memory_space<vmem>> -> memref<1x128x64xf32, #tpu.memory_space<vmem>>
      %dma_wait3A_916 = tpu.memref_squeeze %dma_wait3A_915 : memref<1x128x64xf32, #tpu.memory_space<vmem>> -> memref<128x64xf32, #tpu.memory_space<vmem>>
      %dma_wait3A_917 = arith.constant 0 : i32
      %dma_wait3A_918 = tpu.memref_slice %arg4[%add3A_910, %dma_wait3A_917] : memref<204800x64xf32, #tpu.memory_space<hbm>> -> memref<128x64xf32, #tpu.memory_space<hbm>>
      %dma_wait3A_919 = tpu.memref_slice %arg8[%dma_wait3A_912] : memref<10x!tpu.dma_semaphore, #tpu.memory_space<semaphore_mem>> -> memref<1x!tpu.dma_semaphore, #tpu.memory_space<semaphore_mem>>
      %dma_wait3A_920 = tpu.memref_squeeze %dma_wait3A_919 : memref<1x!tpu.dma_semaphore, #tpu.memory_space<semaphore_mem>> -> memref<!tpu.dma_semaphore, #tpu.memory_space<semaphore_mem>>
      %dma_wait3A_921 = arith.constant 0 : i32
      %dma_wait3A_922 = tpu.memref_slice %arg4[%add3A_910, %dma_wait3A_921] : memref<204800x64xf32, #tpu.memory_space<hbm>> -> memref<128x64xf32, #tpu.memory_space<hbm>>
      %dma_wait3A_923 = arith.constant 0 : i32
      %dma_wait3A_924 = arith.constant 0 : i32
      %dma_wait3A_925 = tpu.memref_slice %arg6[%dma_wait3A_911, %dma_wait3A_923, %dma_wait3A_924] : memref<10x128x64xf32, #tpu.memory_space<vmem>> -> memref<1x128x64xf32, #tpu.memory_space<vmem>>
      %dma_wait3A_926 = tpu.memref_squeeze %dma_wait3A_925 : memref<1x128x64xf32, #tpu.memory_space<vmem>> -> memref<128x64xf32, #tpu.memory_space<vmem>>
      tpu.wait_dma2 semaphore(%dma_wait3A_920 : memref<!tpu.dma_semaphore, #tpu.memory_space<semaphore_mem>>) src(%dma_wait3A_926 : memref<128x64xf32, #tpu.memory_space<vmem>>) dst(%dma_wait3A_922 : memref<128x64xf32, #tpu.memory_space<hbm>>)
      %add3A_927 = arith.constant 4 : i32
      %add3A_928 = arith.addi %mul3A_357, %add3A_927 : i32
      %dma_start3A_929 = arith.constant 4 : i32
      %dma_start3A_930 = arith.constant 4 : i32
      %dma_start3A_931 = arith.constant 0 : i32
      %dma_start3A_932 = arith.constant 0 : i32
      %dma_start3A_933 = tpu.memref_slice %arg6[%dma_start3A_929, %dma_start3A_931, %dma_start3A_932] : memref<10x128x64xf32, #tpu.memory_space<vmem>> -> memref<1x128x64xf32, #tpu.memory_space<vmem>>
      %dma_start3A_934 = tpu.memref_squeeze %dma_start3A_933 : memref<1x128x64xf32, #tpu.memory_space<vmem>> -> memref<128x64xf32, #tpu.memory_space<vmem>>
      %dma_start3A_935 = arith.constant 0 : i32
      %dma_start3A_936 = tpu.memref_slice %arg5[%add3A_928, %dma_start3A_935] : memref<50x128xi32, #tpu.memory_space<vmem>> -> memref<1x128xi32, #tpu.memory_space<vmem>>
      %dma_start3A_937 = tpu.memref_squeeze %dma_start3A_936 : memref<1x128xi32, #tpu.memory_space<vmem>> -> memref<128xi32, #tpu.memory_space<vmem>>
      %dma_start3A_938 = arith.constant 0 : i32
      %dma_start3A_939 = arith.constant 0 : i32
      %dma_start3A_940 = tpu.memref_slice %arg2[%dma_start3A_938, %dma_start3A_939] : memref<100000x64xf32, #tpu.memory_space<hbm>> -> memref<100000x64xf32, #tpu.memory_space<hbm>>
      %dma_start3A_941 = tpu.memref_slice %arg7[%dma_start3A_930] : memref<10x!tpu.dma_semaphore, #tpu.memory_space<semaphore_mem>> -> memref<1x!tpu.dma_semaphore, #tpu.memory_space<semaphore_mem>>
      %dma_start3A_942 = tpu.memref_squeeze %dma_start3A_941 : memref<1x!tpu.dma_semaphore, #tpu.memory_space<semaphore_mem>> -> memref<!tpu.dma_semaphore, #tpu.memory_space<semaphore_mem>>
      tpu.enqueue_indirect_dma source(%dma_start3A_940 : memref<100000x64xf32, #tpu.memory_space<hbm>>) target(%dma_start3A_934 : memref<128x64xf32, #tpu.memory_space<vmem>>) offsets(%dma_start3A_937 : memref<128xi32, #tpu.memory_space<vmem>>) semaphore(%dma_start3A_942 : memref<!tpu.dma_semaphore, #tpu.memory_space<semaphore_mem>>)
      %add3A_943 = arith.constant 5 : i32
      %add3A_944 = arith.addi %mul3A_355, %add3A_943 : i32
      %mul3A_945 = arith.constant 4096 : i32
      %mul3A_946 = arith.muli %add3A_944, %mul3A_945 : i32
      %mul3A_947 = arith.constant 128 : i32
      %mul3A_948 = arith.muli %add3A, %mul3A_947 : i32
      %add3A_949 = arith.addi %mul3A_946, %mul3A_948 : i32
      %dma_wait3A_950 = arith.constant 5 : i32
      %dma_wait3A_951 = arith.constant 5 : i32
      %dma_wait3A_952 = arith.constant 0 : i32
      %dma_wait3A_953 = arith.constant 0 : i32
      %dma_wait3A_954 = tpu.memref_slice %arg6[%dma_wait3A_950, %dma_wait3A_952, %dma_wait3A_953] : memref<10x128x64xf32, #tpu.memory_space<vmem>> -> memref<1x128x64xf32, #tpu.memory_space<vmem>>
      %dma_wait3A_955 = tpu.memref_squeeze %dma_wait3A_954 : memref<1x128x64xf32, #tpu.memory_space<vmem>> -> memref<128x64xf32, #tpu.memory_space<vmem>>
      %dma_wait3A_956 = arith.constant 0 : i32
      %dma_wait3A_957 = tpu.memref_slice %arg4[%add3A_949, %dma_wait3A_956] : memref<204800x64xf32, #tpu.memory_space<hbm>> -> memref<128x64xf32, #tpu.memory_space<hbm>>
      %dma_wait3A_958 = tpu.memref_slice %arg8[%dma_wait3A_951] : memref<10x!tpu.dma_semaphore, #tpu.memory_space<semaphore_mem>> -> memref<1x!tpu.dma_semaphore, #tpu.memory_space<semaphore_mem>>
      %dma_wait3A_959 = tpu.memref_squeeze %dma_wait3A_958 : memref<1x!tpu.dma_semaphore, #tpu.memory_space<semaphore_mem>> -> memref<!tpu.dma_semaphore, #tpu.memory_space<semaphore_mem>>
      %dma_wait3A_960 = arith.constant 0 : i32
      %dma_wait3A_961 = tpu.memref_slice %arg4[%add3A_949, %dma_wait3A_960] : memref<204800x64xf32, #tpu.memory_space<hbm>> -> memref<128x64xf32, #tpu.memory_space<hbm>>
      %dma_wait3A_962 = arith.constant 0 : i32
      %dma_wait3A_963 = arith.constant 0 : i32
      %dma_wait3A_964 = tpu.memref_slice %arg6[%dma_wait3A_950, %dma_wait3A_962, %dma_wait3A_963] : memref<10x128x64xf32, #tpu.memory_space<vmem>> -> memref<1x128x64xf32, #tpu.memory_space<vmem>>
      %dma_wait3A_965 = tpu.memref_squeeze %dma_wait3A_964 : memref<1x128x64xf32, #tpu.memory_space<vmem>> -> memref<128x64xf32, #tpu.memory_space<vmem>>
      tpu.wait_dma2 semaphore(%dma_wait3A_959 : memref<!tpu.dma_semaphore, #tpu.memory_space<semaphore_mem>>) src(%dma_wait3A_965 : memref<128x64xf32, #tpu.memory_space<vmem>>) dst(%dma_wait3A_961 : memref<128x64xf32, #tpu.memory_space<hbm>>)
      %add3A_966 = arith.constant 5 : i32
      %add3A_967 = arith.addi %mul3A_357, %add3A_966 : i32
      %dma_start3A_968 = arith.constant 5 : i32
      %dma_start3A_969 = arith.constant 5 : i32
      %dma_start3A_970 = arith.constant 0 : i32
      %dma_start3A_971 = arith.constant 0 : i32
      %dma_start3A_972 = tpu.memref_slice %arg6[%dma_start3A_968, %dma_start3A_970, %dma_start3A_971] : memref<10x128x64xf32, #tpu.memory_space<vmem>> -> memref<1x128x64xf32, #tpu.memory_space<vmem>>
      %dma_start3A_973 = tpu.memref_squeeze %dma_start3A_972 : memref<1x128x64xf32, #tpu.memory_space<vmem>> -> memref<128x64xf32, #tpu.memory_space<vmem>>
      %dma_start3A_974 = arith.constant 0 : i32
      %dma_start3A_975 = tpu.memref_slice %arg5[%add3A_967, %dma_start3A_974] : memref<50x128xi32, #tpu.memory_space<vmem>> -> memref<1x128xi32, #tpu.memory_space<vmem>>
      %dma_start3A_976 = tpu.memref_squeeze %dma_start3A_975 : memref<1x128xi32, #tpu.memory_space<vmem>> -> memref<128xi32, #tpu.memory_space<vmem>>
      %dma_start3A_977 = arith.constant 0 : i32
      %dma_start3A_978 = arith.constant 0 : i32
      %dma_start3A_979 = tpu.memref_slice %arg2[%dma_start3A_977, %dma_start3A_978] : memref<100000x64xf32, #tpu.memory_space<hbm>> -> memref<100000x64xf32, #tpu.memory_space<hbm>>
      %dma_start3A_980 = tpu.memref_slice %arg7[%dma_start3A_969] : memref<10x!tpu.dma_semaphore, #tpu.memory_space<semaphore_mem>> -> memref<1x!tpu.dma_semaphore, #tpu.memory_space<semaphore_mem>>
      %dma_start3A_981 = tpu.memref_squeeze %dma_start3A_980 : memref<1x!tpu.dma_semaphore, #tpu.memory_space<semaphore_mem>> -> memref<!tpu.dma_semaphore, #tpu.memory_space<semaphore_mem>>
      tpu.enqueue_indirect_dma source(%dma_start3A_979 : memref<100000x64xf32, #tpu.memory_space<hbm>>) target(%dma_start3A_973 : memref<128x64xf32, #tpu.memory_space<vmem>>) offsets(%dma_start3A_976 : memref<128xi32, #tpu.memory_space<vmem>>) semaphore(%dma_start3A_981 : memref<!tpu.dma_semaphore, #tpu.memory_space<semaphore_mem>>)
      %add3A_982 = arith.constant 6 : i32
      %add3A_983 = arith.addi %mul3A_355, %add3A_982 : i32
      %mul3A_984 = arith.constant 4096 : i32
      %mul3A_985 = arith.muli %add3A_983, %mul3A_984 : i32
      %mul3A_986 = arith.constant 128 : i32
      %mul3A_987 = arith.muli %add3A, %mul3A_986 : i32
      %add3A_988 = arith.addi %mul3A_985, %mul3A_987 : i32
      %dma_wait3A_989 = arith.constant 6 : i32
      %dma_wait3A_990 = arith.constant 6 : i32
      %dma_wait3A_991 = arith.constant 0 : i32
      %dma_wait3A_992 = arith.constant 0 : i32
      %dma_wait3A_993 = tpu.memref_slice %arg6[%dma_wait3A_989, %dma_wait3A_991, %dma_wait3A_992] : memref<10x128x64xf32, #tpu.memory_space<vmem>> -> memref<1x128x64xf32, #tpu.memory_space<vmem>>
      %dma_wait3A_994 = tpu.memref_squeeze %dma_wait3A_993 : memref<1x128x64xf32, #tpu.memory_space<vmem>> -> memref<128x64xf32, #tpu.memory_space<vmem>>
      %dma_wait3A_995 = arith.constant 0 : i32
      %dma_wait3A_996 = tpu.memref_slice %arg4[%add3A_988, %dma_wait3A_995] : memref<204800x64xf32, #tpu.memory_space<hbm>> -> memref<128x64xf32, #tpu.memory_space<hbm>>
      %dma_wait3A_997 = tpu.memref_slice %arg8[%dma_wait3A_990] : memref<10x!tpu.dma_semaphore, #tpu.memory_space<semaphore_mem>> -> memref<1x!tpu.dma_semaphore, #tpu.memory_space<semaphore_mem>>
      %dma_wait3A_998 = tpu.memref_squeeze %dma_wait3A_997 : memref<1x!tpu.dma_semaphore, #tpu.memory_space<semaphore_mem>> -> memref<!tpu.dma_semaphore, #tpu.memory_space<semaphore_mem>>
      %dma_wait3A_999 = arith.constant 0 : i32
      %dma_wait3A_1000 = tpu.memref_slice %arg4[%add3A_988, %dma_wait3A_999] : memref<204800x64xf32, #tpu.memory_space<hbm>> -> memref<128x64xf32, #tpu.memory_space<hbm>>
      %dma_wait3A_1001 = arith.constant 0 : i32
      %dma_wait3A_1002 = arith.constant 0 : i32
      %dma_wait3A_1003 = tpu.memref_slice %arg6[%dma_wait3A_989, %dma_wait3A_1001, %dma_wait3A_1002] : memref<10x128x64xf32, #tpu.memory_space<vmem>> -> memref<1x128x64xf32, #tpu.memory_space<vmem>>
      %dma_wait3A_1004 = tpu.memref_squeeze %dma_wait3A_1003 : memref<1x128x64xf32, #tpu.memory_space<vmem>> -> memref<128x64xf32, #tpu.memory_space<vmem>>
      tpu.wait_dma2 semaphore(%dma_wait3A_998 : memref<!tpu.dma_semaphore, #tpu.memory_space<semaphore_mem>>) src(%dma_wait3A_1004 : memref<128x64xf32, #tpu.memory_space<vmem>>) dst(%dma_wait3A_1000 : memref<128x64xf32, #tpu.memory_space<hbm>>)
      %add3A_1005 = arith.constant 6 : i32
      %add3A_1006 = arith.addi %mul3A_357, %add3A_1005 : i32
      %dma_start3A_1007 = arith.constant 6 : i32
      %dma_start3A_1008 = arith.constant 6 : i32
      %dma_start3A_1009 = arith.constant 0 : i32
      %dma_start3A_1010 = arith.constant 0 : i32
      %dma_start3A_1011 = tpu.memref_slice %arg6[%dma_start3A_1007, %dma_start3A_1009, %dma_start3A_1010] : memref<10x128x64xf32, #tpu.memory_space<vmem>> -> memref<1x128x64xf32, #tpu.memory_space<vmem>>
      %dma_start3A_1012 = tpu.memref_squeeze %dma_start3A_1011 : memref<1x128x64xf32, #tpu.memory_space<vmem>> -> memref<128x64xf32, #tpu.memory_space<vmem>>
      %dma_start3A_1013 = arith.constant 0 : i32
      %dma_start3A_1014 = tpu.memref_slice %arg5[%add3A_1006, %dma_start3A_1013] : memref<50x128xi32, #tpu.memory_space<vmem>> -> memref<1x128xi32, #tpu.memory_space<vmem>>
      %dma_start3A_1015 = tpu.memref_squeeze %dma_start3A_1014 : memref<1x128xi32, #tpu.memory_space<vmem>> -> memref<128xi32, #tpu.memory_space<vmem>>
      %dma_start3A_1016 = arith.constant 0 : i32
      %dma_start3A_1017 = arith.constant 0 : i32
      %dma_start3A_1018 = tpu.memref_slice %arg2[%dma_start3A_1016, %dma_start3A_1017] : memref<100000x64xf32, #tpu.memory_space<hbm>> -> memref<100000x64xf32, #tpu.memory_space<hbm>>
      %dma_start3A_1019 = tpu.memref_slice %arg7[%dma_start3A_1008] : memref<10x!tpu.dma_semaphore, #tpu.memory_space<semaphore_mem>> -> memref<1x!tpu.dma_semaphore, #tpu.memory_space<semaphore_mem>>
      %dma_start3A_1020 = tpu.memref_squeeze %dma_start3A_1019 : memref<1x!tpu.dma_semaphore, #tpu.memory_space<semaphore_mem>> -> memref<!tpu.dma_semaphore, #tpu.memory_space<semaphore_mem>>
      tpu.enqueue_indirect_dma source(%dma_start3A_1018 : memref<100000x64xf32, #tpu.memory_space<hbm>>) target(%dma_start3A_1012 : memref<128x64xf32, #tpu.memory_space<vmem>>) offsets(%dma_start3A_1015 : memref<128xi32, #tpu.memory_space<vmem>>) semaphore(%dma_start3A_1020 : memref<!tpu.dma_semaphore, #tpu.memory_space<semaphore_mem>>)
      %add3A_1021 = arith.constant 7 : i32
      %add3A_1022 = arith.addi %mul3A_355, %add3A_1021 : i32
      %mul3A_1023 = arith.constant 4096 : i32
      %mul3A_1024 = arith.muli %add3A_1022, %mul3A_1023 : i32
      %mul3A_1025 = arith.constant 128 : i32
      %mul3A_1026 = arith.muli %add3A, %mul3A_1025 : i32
      %add3A_1027 = arith.addi %mul3A_1024, %mul3A_1026 : i32
      %dma_wait3A_1028 = arith.constant 7 : i32
      %dma_wait3A_1029 = arith.constant 7 : i32
      %dma_wait3A_1030 = arith.constant 0 : i32
      %dma_wait3A_1031 = arith.constant 0 : i32
      %dma_wait3A_1032 = tpu.memref_slice %arg6[%dma_wait3A_1028, %dma_wait3A_1030, %dma_wait3A_1031] : memref<10x128x64xf32, #tpu.memory_space<vmem>> -> memref<1x128x64xf32, #tpu.memory_space<vmem>>
      %dma_wait3A_1033 = tpu.memref_squeeze %dma_wait3A_1032 : memref<1x128x64xf32, #tpu.memory_space<vmem>> -> memref<128x64xf32, #tpu.memory_space<vmem>>
      %dma_wait3A_1034 = arith.constant 0 : i32
      %dma_wait3A_1035 = tpu.memref_slice %arg4[%add3A_1027, %dma_wait3A_1034] : memref<204800x64xf32, #tpu.memory_space<hbm>> -> memref<128x64xf32, #tpu.memory_space<hbm>>
      %dma_wait3A_1036 = tpu.memref_slice %arg8[%dma_wait3A_1029] : memref<10x!tpu.dma_semaphore, #tpu.memory_space<semaphore_mem>> -> memref<1x!tpu.dma_semaphore, #tpu.memory_space<semaphore_mem>>
      %dma_wait3A_1037 = tpu.memref_squeeze %dma_wait3A_1036 : memref<1x!tpu.dma_semaphore, #tpu.memory_space<semaphore_mem>> -> memref<!tpu.dma_semaphore, #tpu.memory_space<semaphore_mem>>
      %dma_wait3A_1038 = arith.constant 0 : i32
      %dma_wait3A_1039 = tpu.memref_slice %arg4[%add3A_1027, %dma_wait3A_1038] : memref<204800x64xf32, #tpu.memory_space<hbm>> -> memref<128x64xf32, #tpu.memory_space<hbm>>
      %dma_wait3A_1040 = arith.constant 0 : i32
      %dma_wait3A_1041 = arith.constant 0 : i32
      %dma_wait3A_1042 = tpu.memref_slice %arg6[%dma_wait3A_1028, %dma_wait3A_1040, %dma_wait3A_1041] : memref<10x128x64xf32, #tpu.memory_space<vmem>> -> memref<1x128x64xf32, #tpu.memory_space<vmem>>
      %dma_wait3A_1043 = tpu.memref_squeeze %dma_wait3A_1042 : memref<1x128x64xf32, #tpu.memory_space<vmem>> -> memref<128x64xf32, #tpu.memory_space<vmem>>
      tpu.wait_dma2 semaphore(%dma_wait3A_1037 : memref<!tpu.dma_semaphore, #tpu.memory_space<semaphore_mem>>) src(%dma_wait3A_1043 : memref<128x64xf32, #tpu.memory_space<vmem>>) dst(%dma_wait3A_1039 : memref<128x64xf32, #tpu.memory_space<hbm>>)
      %add3A_1044 = arith.constant 7 : i32
      %add3A_1045 = arith.addi %mul3A_357, %add3A_1044 : i32
      %dma_start3A_1046 = arith.constant 7 : i32
      %dma_start3A_1047 = arith.constant 7 : i32
      %dma_start3A_1048 = arith.constant 0 : i32
      %dma_start3A_1049 = arith.constant 0 : i32
      %dma_start3A_1050 = tpu.memref_slice %arg6[%dma_start3A_1046, %dma_start3A_1048, %dma_start3A_1049] : memref<10x128x64xf32, #tpu.memory_space<vmem>> -> memref<1x128x64xf32, #tpu.memory_space<vmem>>
      %dma_start3A_1051 = tpu.memref_squeeze %dma_start3A_1050 : memref<1x128x64xf32, #tpu.memory_space<vmem>> -> memref<128x64xf32, #tpu.memory_space<vmem>>
      %dma_start3A_1052 = arith.constant 0 : i32
      %dma_start3A_1053 = tpu.memref_slice %arg5[%add3A_1045, %dma_start3A_1052] : memref<50x128xi32, #tpu.memory_space<vmem>> -> memref<1x128xi32, #tpu.memory_space<vmem>>
      %dma_start3A_1054 = tpu.memref_squeeze %dma_start3A_1053 : memref<1x128xi32, #tpu.memory_space<vmem>> -> memref<128xi32, #tpu.memory_space<vmem>>
      %dma_start3A_1055 = arith.constant 0 : i32
      %dma_start3A_1056 = arith.constant 0 : i32
      %dma_start3A_1057 = tpu.memref_slice %arg2[%dma_start3A_1055, %dma_start3A_1056] : memref<100000x64xf32, #tpu.memory_space<hbm>> -> memref<100000x64xf32, #tpu.memory_space<hbm>>
      %dma_start3A_1058 = tpu.memref_slice %arg7[%dma_start3A_1047] : memref<10x!tpu.dma_semaphore, #tpu.memory_space<semaphore_mem>> -> memref<1x!tpu.dma_semaphore, #tpu.memory_space<semaphore_mem>>
      %dma_start3A_1059 = tpu.memref_squeeze %dma_start3A_1058 : memref<1x!tpu.dma_semaphore, #tpu.memory_space<semaphore_mem>> -> memref<!tpu.dma_semaphore, #tpu.memory_space<semaphore_mem>>
      tpu.enqueue_indirect_dma source(%dma_start3A_1057 : memref<100000x64xf32, #tpu.memory_space<hbm>>) target(%dma_start3A_1051 : memref<128x64xf32, #tpu.memory_space<vmem>>) offsets(%dma_start3A_1054 : memref<128xi32, #tpu.memory_space<vmem>>) semaphore(%dma_start3A_1059 : memref<!tpu.dma_semaphore, #tpu.memory_space<semaphore_mem>>)
      %add3A_1060 = arith.constant 8 : i32
      %add3A_1061 = arith.addi %mul3A_355, %add3A_1060 : i32
      %mul3A_1062 = arith.constant 4096 : i32
      %mul3A_1063 = arith.muli %add3A_1061, %mul3A_1062 : i32
      %mul3A_1064 = arith.constant 128 : i32
      %mul3A_1065 = arith.muli %add3A, %mul3A_1064 : i32
      %add3A_1066 = arith.addi %mul3A_1063, %mul3A_1065 : i32
      %dma_wait3A_1067 = arith.constant 8 : i32
      %dma_wait3A_1068 = arith.constant 8 : i32
      %dma_wait3A_1069 = arith.constant 0 : i32
      %dma_wait3A_1070 = arith.constant 0 : i32
      %dma_wait3A_1071 = tpu.memref_slice %arg6[%dma_wait3A_1067, %dma_wait3A_1069, %dma_wait3A_1070] : memref<10x128x64xf32, #tpu.memory_space<vmem>> -> memref<1x128x64xf32, #tpu.memory_space<vmem>>
      %dma_wait3A_1072 = tpu.memref_squeeze %dma_wait3A_1071 : memref<1x128x64xf32, #tpu.memory_space<vmem>> -> memref<128x64xf32, #tpu.memory_space<vmem>>
      %dma_wait3A_1073 = arith.constant 0 : i32
      %dma_wait3A_1074 = tpu.memref_slice %arg4[%add3A_1066, %dma_wait3A_1073] : memref<204800x64xf32, #tpu.memory_space<hbm>> -> memref<128x64xf32, #tpu.memory_space<hbm>>
      %dma_wait3A_1075 = tpu.memref_slice %arg8[%dma_wait3A_1068] : memref<10x!tpu.dma_semaphore, #tpu.memory_space<semaphore_mem>> -> memref<1x!tpu.dma_semaphore, #tpu.memory_space<semaphore_mem>>
      %dma_wait3A_1076 = tpu.memref_squeeze %dma_wait3A_1075 : memref<1x!tpu.dma_semaphore, #tpu.memory_space<semaphore_mem>> -> memref<!tpu.dma_semaphore, #tpu.memory_space<semaphore_mem>>
      %dma_wait3A_1077 = arith.constant 0 : i32
      %dma_wait3A_1078 = tpu.memref_slice %arg4[%add3A_1066, %dma_wait3A_1077] : memref<204800x64xf32, #tpu.memory_space<hbm>> -> memref<128x64xf32, #tpu.memory_space<hbm>>
      %dma_wait3A_1079 = arith.constant 0 : i32
      %dma_wait3A_1080 = arith.constant 0 : i32
      %dma_wait3A_1081 = tpu.memref_slice %arg6[%dma_wait3A_1067, %dma_wait3A_1079, %dma_wait3A_1080] : memref<10x128x64xf32, #tpu.memory_space<vmem>> -> memref<1x128x64xf32, #tpu.memory_space<vmem>>
      %dma_wait3A_1082 = tpu.memref_squeeze %dma_wait3A_1081 : memref<1x128x64xf32, #tpu.memory_space<vmem>> -> memref<128x64xf32, #tpu.memory_space<vmem>>
      tpu.wait_dma2 semaphore(%dma_wait3A_1076 : memref<!tpu.dma_semaphore, #tpu.memory_space<semaphore_mem>>) src(%dma_wait3A_1082 : memref<128x64xf32, #tpu.memory_space<vmem>>) dst(%dma_wait3A_1078 : memref<128x64xf32, #tpu.memory_space<hbm>>)
      %add3A_1083 = arith.constant 8 : i32
      %add3A_1084 = arith.addi %mul3A_357, %add3A_1083 : i32
      %dma_start3A_1085 = arith.constant 8 : i32
      %dma_start3A_1086 = arith.constant 8 : i32
      %dma_start3A_1087 = arith.constant 0 : i32
      %dma_start3A_1088 = arith.constant 0 : i32
      %dma_start3A_1089 = tpu.memref_slice %arg6[%dma_start3A_1085, %dma_start3A_1087, %dma_start3A_1088] : memref<10x128x64xf32, #tpu.memory_space<vmem>> -> memref<1x128x64xf32, #tpu.memory_space<vmem>>
      %dma_start3A_1090 = tpu.memref_squeeze %dma_start3A_1089 : memref<1x128x64xf32, #tpu.memory_space<vmem>> -> memref<128x64xf32, #tpu.memory_space<vmem>>
      %dma_start3A_1091 = arith.constant 0 : i32
      %dma_start3A_1092 = tpu.memref_slice %arg5[%add3A_1084, %dma_start3A_1091] : memref<50x128xi32, #tpu.memory_space<vmem>> -> memref<1x128xi32, #tpu.memory_space<vmem>>
      %dma_start3A_1093 = tpu.memref_squeeze %dma_start3A_1092 : memref<1x128xi32, #tpu.memory_space<vmem>> -> memref<128xi32, #tpu.memory_space<vmem>>
      %dma_start3A_1094 = arith.constant 0 : i32
      %dma_start3A_1095 = arith.constant 0 : i32
      %dma_start3A_1096 = tpu.memref_slice %arg2[%dma_start3A_1094, %dma_start3A_1095] : memref<100000x64xf32, #tpu.memory_space<hbm>> -> memref<100000x64xf32, #tpu.memory_space<hbm>>
      %dma_start3A_1097 = tpu.memref_slice %arg7[%dma_start3A_1086] : memref<10x!tpu.dma_semaphore, #tpu.memory_space<semaphore_mem>> -> memref<1x!tpu.dma_semaphore, #tpu.memory_space<semaphore_mem>>
      %dma_start3A_1098 = tpu.memref_squeeze %dma_start3A_1097 : memref<1x!tpu.dma_semaphore, #tpu.memory_space<semaphore_mem>> -> memref<!tpu.dma_semaphore, #tpu.memory_space<semaphore_mem>>
      tpu.enqueue_indirect_dma source(%dma_start3A_1096 : memref<100000x64xf32, #tpu.memory_space<hbm>>) target(%dma_start3A_1090 : memref<128x64xf32, #tpu.memory_space<vmem>>) offsets(%dma_start3A_1093 : memref<128xi32, #tpu.memory_space<vmem>>) semaphore(%dma_start3A_1098 : memref<!tpu.dma_semaphore, #tpu.memory_space<semaphore_mem>>)
      %add3A_1099 = arith.constant 9 : i32
      %add3A_1100 = arith.addi %mul3A_355, %add3A_1099 : i32
      %mul3A_1101 = arith.constant 4096 : i32
      %mul3A_1102 = arith.muli %add3A_1100, %mul3A_1101 : i32
      %mul3A_1103 = arith.constant 128 : i32
      %mul3A_1104 = arith.muli %add3A, %mul3A_1103 : i32
      %add3A_1105 = arith.addi %mul3A_1102, %mul3A_1104 : i32
      %dma_wait3A_1106 = arith.constant 9 : i32
      %dma_wait3A_1107 = arith.constant 9 : i32
      %dma_wait3A_1108 = arith.constant 0 : i32
      %dma_wait3A_1109 = arith.constant 0 : i32
      %dma_wait3A_1110 = tpu.memref_slice %arg6[%dma_wait3A_1106, %dma_wait3A_1108, %dma_wait3A_1109] : memref<10x128x64xf32, #tpu.memory_space<vmem>> -> memref<1x128x64xf32, #tpu.memory_space<vmem>>
      %dma_wait3A_1111 = tpu.memref_squeeze %dma_wait3A_1110 : memref<1x128x64xf32, #tpu.memory_space<vmem>> -> memref<128x64xf32, #tpu.memory_space<vmem>>
      %dma_wait3A_1112 = arith.constant 0 : i32
      %dma_wait3A_1113 = tpu.memref_slice %arg4[%add3A_1105, %dma_wait3A_1112] : memref<204800x64xf32, #tpu.memory_space<hbm>> -> memref<128x64xf32, #tpu.memory_space<hbm>>
      %dma_wait3A_1114 = tpu.memref_slice %arg8[%dma_wait3A_1107] : memref<10x!tpu.dma_semaphore, #tpu.memory_space<semaphore_mem>> -> memref<1x!tpu.dma_semaphore, #tpu.memory_space<semaphore_mem>>
      %dma_wait3A_1115 = tpu.memref_squeeze %dma_wait3A_1114 : memref<1x!tpu.dma_semaphore, #tpu.memory_space<semaphore_mem>> -> memref<!tpu.dma_semaphore, #tpu.memory_space<semaphore_mem>>
      %dma_wait3A_1116 = arith.constant 0 : i32
      %dma_wait3A_1117 = tpu.memref_slice %arg4[%add3A_1105, %dma_wait3A_1116] : memref<204800x64xf32, #tpu.memory_space<hbm>> -> memref<128x64xf32, #tpu.memory_space<hbm>>
      %dma_wait3A_1118 = arith.constant 0 : i32
      %dma_wait3A_1119 = arith.constant 0 : i32
      %dma_wait3A_1120 = tpu.memref_slice %arg6[%dma_wait3A_1106, %dma_wait3A_1118, %dma_wait3A_1119] : memref<10x128x64xf32, #tpu.memory_space<vmem>> -> memref<1x128x64xf32, #tpu.memory_space<vmem>>
      %dma_wait3A_1121 = tpu.memref_squeeze %dma_wait3A_1120 : memref<1x128x64xf32, #tpu.memory_space<vmem>> -> memref<128x64xf32, #tpu.memory_space<vmem>>
      tpu.wait_dma2 semaphore(%dma_wait3A_1115 : memref<!tpu.dma_semaphore, #tpu.memory_space<semaphore_mem>>) src(%dma_wait3A_1121 : memref<128x64xf32, #tpu.memory_space<vmem>>) dst(%dma_wait3A_1117 : memref<128x64xf32, #tpu.memory_space<hbm>>)
      %add3A_1122 = arith.constant 9 : i32
      %add3A_1123 = arith.addi %mul3A_357, %add3A_1122 : i32
      %dma_start3A_1124 = arith.constant 9 : i32
      %dma_start3A_1125 = arith.constant 9 : i32
      %dma_start3A_1126 = arith.constant 0 : i32
      %dma_start3A_1127 = arith.constant 0 : i32
      %dma_start3A_1128 = tpu.memref_slice %arg6[%dma_start3A_1124, %dma_start3A_1126, %dma_start3A_1127] : memref<10x128x64xf32, #tpu.memory_space<vmem>> -> memref<1x128x64xf32, #tpu.memory_space<vmem>>
      %dma_start3A_1129 = tpu.memref_squeeze %dma_start3A_1128 : memref<1x128x64xf32, #tpu.memory_space<vmem>> -> memref<128x64xf32, #tpu.memory_space<vmem>>
      %dma_start3A_1130 = arith.constant 0 : i32
      %dma_start3A_1131 = tpu.memref_slice %arg5[%add3A_1123, %dma_start3A_1130] : memref<50x128xi32, #tpu.memory_space<vmem>> -> memref<1x128xi32, #tpu.memory_space<vmem>>
      %dma_start3A_1132 = tpu.memref_squeeze %dma_start3A_1131 : memref<1x128xi32, #tpu.memory_space<vmem>> -> memref<128xi32, #tpu.memory_space<vmem>>
      %dma_start3A_1133 = arith.constant 0 : i32
      %dma_start3A_1134 = arith.constant 0 : i32
      %dma_start3A_1135 = tpu.memref_slice %arg2[%dma_start3A_1133, %dma_start3A_1134] : memref<100000x64xf32, #tpu.memory_space<hbm>> -> memref<100000x64xf32, #tpu.memory_space<hbm>>
      %dma_start3A_1136 = tpu.memref_slice %arg7[%dma_start3A_1125] : memref<10x!tpu.dma_semaphore, #tpu.memory_space<semaphore_mem>> -> memref<1x!tpu.dma_semaphore, #tpu.memory_space<semaphore_mem>>
      %dma_start3A_1137 = tpu.memref_squeeze %dma_start3A_1136 : memref<1x!tpu.dma_semaphore, #tpu.memory_space<semaphore_mem>> -> memref<!tpu.dma_semaphore, #tpu.memory_space<semaphore_mem>>
      tpu.enqueue_indirect_dma source(%dma_start3A_1135 : memref<100000x64xf32, #tpu.memory_space<hbm>>) target(%dma_start3A_1129 : memref<128x64xf32, #tpu.memory_space<vmem>>) offsets(%dma_start3A_1132 : memref<128xi32, #tpu.memory_space<vmem>>) semaphore(%dma_start3A_1137 : memref<!tpu.dma_semaphore, #tpu.memory_space<semaphore_mem>>)
    }
    %scan3A_153 = arith.constant 4 : i32
    %dma_wait3A = arith.constant 40 : i32
    %dma_wait3A_154 = arith.constant 0 : i32
    %dma_wait3A_155 = arith.constant 0 : i32
    %dma_wait3A_156 = arith.constant 0 : i32
    %dma_wait3A_157 = arith.constant 0 : i32
    %dma_wait3A_158 = tpu.memref_slice %arg6[%dma_wait3A_154, %dma_wait3A_156, %dma_wait3A_157] : memref<10x128x64xf32, #tpu.memory_space<vmem>> -> memref<1x128x64xf32, #tpu.memory_space<vmem>>
    %dma_wait3A_159 = tpu.memref_squeeze %dma_wait3A_158 : memref<1x128x64xf32, #tpu.memory_space<vmem>> -> memref<128x64xf32, #tpu.memory_space<vmem>>
    %dma_wait3A_160 = arith.constant 0 : i32
    %dma_wait3A_161 = tpu.memref_slice %arg5[%dma_wait3A, %dma_wait3A_160] : memref<50x128xi32, #tpu.memory_space<vmem>> -> memref<1x128xi32, #tpu.memory_space<vmem>>
    %dma_wait3A_162 = tpu.memref_squeeze %dma_wait3A_161 : memref<1x128xi32, #tpu.memory_space<vmem>> -> memref<128xi32, #tpu.memory_space<vmem>>
    %dma_wait3A_163 = arith.constant 0 : i32
    %dma_wait3A_164 = arith.constant 0 : i32
    %dma_wait3A_165 = tpu.memref_slice %arg2[%dma_wait3A_163, %dma_wait3A_164] : memref<100000x64xf32, #tpu.memory_space<hbm>> -> memref<100000x64xf32, #tpu.memory_space<hbm>>
    %dma_wait3A_166 = tpu.memref_slice %arg7[%dma_wait3A_155] : memref<10x!tpu.dma_semaphore, #tpu.memory_space<semaphore_mem>> -> memref<1x!tpu.dma_semaphore, #tpu.memory_space<semaphore_mem>>
    %dma_wait3A_167 = tpu.memref_squeeze %dma_wait3A_166 : memref<1x!tpu.dma_semaphore, #tpu.memory_space<semaphore_mem>> -> memref<!tpu.dma_semaphore, #tpu.memory_space<semaphore_mem>>
    tpu.wait_indirect_dma semaphore(%dma_wait3A_167 : memref<!tpu.dma_semaphore, #tpu.memory_space<semaphore_mem>>) src(%dma_wait3A_165 : memref<100000x64xf32, #tpu.memory_space<hbm>>) dst(%dma_wait3A_159 : memref<128x64xf32, #tpu.memory_space<vmem>>)
    %mul3A_168 = arith.constant 128 : i32
    %mul3A_169 = arith.muli %add3A, %mul3A_168 : i32
    %add3A_170 = arith.constant 163840 : i32
    %add3A_171 = arith.addi %add3A_170, %mul3A_169 : i32
    %run_scoped3A = arith.constant 0 : i32
    "tpu.region"() ({
      %run_scoped3A_352 = tpu.sem_alloc : memref<!tpu.dma_semaphore, #tpu.memory_space<semaphore_mem>>
      %dma_start3A_353 = arith.constant 0 : i32
      %dma_start3A_354 = arith.constant 0 : i32
      %dma_start3A_355 = tpu.memref_slice %arg6[%run_scoped3A, %dma_start3A_353, %dma_start3A_354] : memref<10x128x64xf32, #tpu.memory_space<vmem>> -> memref<1x128x64xf32, #tpu.memory_space<vmem>>
      %dma_start3A_356 = tpu.memref_squeeze %dma_start3A_355 : memref<1x128x64xf32, #tpu.memory_space<vmem>> -> memref<128x64xf32, #tpu.memory_space<vmem>>
      %dma_start3A_357 = arith.constant 0 : i32
      %dma_start3A_358 = tpu.memref_slice %arg4[%add3A_171, %dma_start3A_357] : memref<204800x64xf32, #tpu.memory_space<hbm>> -> memref<128x64xf32, #tpu.memory_space<hbm>>
      %dma_start3A_359 = arith.constant 0 : i32
      %dma_start3A_360 = tpu.memref_slice %arg4[%add3A_171, %dma_start3A_359] : memref<204800x64xf32, #tpu.memory_space<hbm>> -> memref<128x64xf32, #tpu.memory_space<hbm>>
      %dma_start3A_361 = arith.constant 0 : i32
      %dma_start3A_362 = arith.constant 0 : i32
      %dma_start3A_363 = tpu.memref_slice %arg6[%run_scoped3A, %dma_start3A_361, %dma_start3A_362] : memref<10x128x64xf32, #tpu.memory_space<vmem>> -> memref<1x128x64xf32, #tpu.memory_space<vmem>>
      %dma_start3A_364 = tpu.memref_squeeze %dma_start3A_363 : memref<1x128x64xf32, #tpu.memory_space<vmem>> -> memref<128x64xf32, #tpu.memory_space<vmem>>
      tpu.enqueue_dma source(%dma_start3A_364 : memref<128x64xf32, #tpu.memory_space<vmem>>) target(%dma_start3A_360 : memref<128x64xf32, #tpu.memory_space<hbm>>) target_semaphore(%run_scoped3A_352 : memref<!tpu.dma_semaphore, #tpu.memory_space<semaphore_mem>>)
      %dma_wait3A_365 = arith.constant 0 : i32
      %dma_wait3A_366 = arith.constant 0 : i32
      %dma_wait3A_367 = tpu.memref_slice %arg6[%run_scoped3A, %dma_wait3A_365, %dma_wait3A_366] : memref<10x128x64xf32, #tpu.memory_space<vmem>> -> memref<1x128x64xf32, #tpu.memory_space<vmem>>
      %dma_wait3A_368 = tpu.memref_squeeze %dma_wait3A_367 : memref<1x128x64xf32, #tpu.memory_space<vmem>> -> memref<128x64xf32, #tpu.memory_space<vmem>>
      %dma_wait3A_369 = arith.constant 0 : i32
      %dma_wait3A_370 = tpu.memref_slice %arg4[%add3A_171, %dma_wait3A_369] : memref<204800x64xf32, #tpu.memory_space<hbm>> -> memref<128x64xf32, #tpu.memory_space<hbm>>
      %dma_wait3A_371 = arith.constant 0 : i32
      %dma_wait3A_372 = tpu.memref_slice %arg4[%add3A_171, %dma_wait3A_371] : memref<204800x64xf32, #tpu.memory_space<hbm>> -> memref<128x64xf32, #tpu.memory_space<hbm>>
      %dma_wait3A_373 = arith.constant 0 : i32
      %dma_wait3A_374 = arith.constant 0 : i32
      %dma_wait3A_375 = tpu.memref_slice %arg6[%run_scoped3A, %dma_wait3A_373, %dma_wait3A_374] : memref<10x128x64xf32, #tpu.memory_space<vmem>> -> memref<1x128x64xf32, #tpu.memory_space<vmem>>
      %dma_wait3A_376 = tpu.memref_squeeze %dma_wait3A_375 : memref<1x128x64xf32, #tpu.memory_space<vmem>> -> memref<128x64xf32, #tpu.memory_space<vmem>>
      tpu.wait_dma2 semaphore(%run_scoped3A_352 : memref<!tpu.dma_semaphore, #tpu.memory_space<semaphore_mem>>) src(%dma_wait3A_376 : memref<128x64xf32, #tpu.memory_space<vmem>>) dst(%dma_wait3A_372 : memref<128x64xf32, #tpu.memory_space<hbm>>)
      tpu.yield
    }) : () -> ()
    %dma_wait3A_172 = arith.constant 41 : i32
    %dma_wait3A_173 = arith.constant 1 : i32
    %dma_wait3A_174 = arith.constant 1 : i32
    %dma_wait3A_175 = arith.constant 0 : i32
    %dma_wait3A_176 = arith.constant 0 : i32
    %dma_wait3A_177 = tpu.memref_slice %arg6[%dma_wait3A_173, %dma_wait3A_175, %dma_wait3A_176] : memref<10x128x64xf32, #tpu.memory_space<vmem>> -> memref<1x128x64xf32, #tpu.memory_space<vmem>>
    %dma_wait3A_178 = tpu.memref_squeeze %dma_wait3A_177 : memref<1x128x64xf32, #tpu.memory_space<vmem>> -> memref<128x64xf32, #tpu.memory_space<vmem>>
    %dma_wait3A_179 = arith.constant 0 : i32
    %dma_wait3A_180 = tpu.memref_slice %arg5[%dma_wait3A_172, %dma_wait3A_179] : memref<50x128xi32, #tpu.memory_space<vmem>> -> memref<1x128xi32, #tpu.memory_space<vmem>>
    %dma_wait3A_181 = tpu.memref_squeeze %dma_wait3A_180 : memref<1x128xi32, #tpu.memory_space<vmem>> -> memref<128xi32, #tpu.memory_space<vmem>>
    %dma_wait3A_182 = arith.constant 0 : i32
    %dma_wait3A_183 = arith.constant 0 : i32
    %dma_wait3A_184 = tpu.memref_slice %arg2[%dma_wait3A_182, %dma_wait3A_183] : memref<100000x64xf32, #tpu.memory_space<hbm>> -> memref<100000x64xf32, #tpu.memory_space<hbm>>
    %dma_wait3A_185 = tpu.memref_slice %arg7[%dma_wait3A_174] : memref<10x!tpu.dma_semaphore, #tpu.memory_space<semaphore_mem>> -> memref<1x!tpu.dma_semaphore, #tpu.memory_space<semaphore_mem>>
    %dma_wait3A_186 = tpu.memref_squeeze %dma_wait3A_185 : memref<1x!tpu.dma_semaphore, #tpu.memory_space<semaphore_mem>> -> memref<!tpu.dma_semaphore, #tpu.memory_space<semaphore_mem>>
    tpu.wait_indirect_dma semaphore(%dma_wait3A_186 : memref<!tpu.dma_semaphore, #tpu.memory_space<semaphore_mem>>) src(%dma_wait3A_184 : memref<100000x64xf32, #tpu.memory_space<hbm>>) dst(%dma_wait3A_178 : memref<128x64xf32, #tpu.memory_space<vmem>>)
    %mul3A_187 = arith.constant 128 : i32
    %mul3A_188 = arith.muli %add3A, %mul3A_187 : i32
    %add3A_189 = arith.constant 167936 : i32
    %add3A_190 = arith.addi %add3A_189, %mul3A_188 : i32
    %run_scoped3A_191 = arith.constant 1 : i32
    "tpu.region"() ({
      %run_scoped3A_352 = tpu.sem_alloc : memref<!tpu.dma_semaphore, #tpu.memory_space<semaphore_mem>>
      %dma_start3A_353 = arith.constant 0 : i32
      %dma_start3A_354 = arith.constant 0 : i32
      %dma_start3A_355 = tpu.memref_slice %arg6[%run_scoped3A_191, %dma_start3A_353, %dma_start3A_354] : memref<10x128x64xf32, #tpu.memory_space<vmem>> -> memref<1x128x64xf32, #tpu.memory_space<vmem>>
      %dma_start3A_356 = tpu.memref_squeeze %dma_start3A_355 : memref<1x128x64xf32, #tpu.memory_space<vmem>> -> memref<128x64xf32, #tpu.memory_space<vmem>>
      %dma_start3A_357 = arith.constant 0 : i32
      %dma_start3A_358 = tpu.memref_slice %arg4[%add3A_190, %dma_start3A_357] : memref<204800x64xf32, #tpu.memory_space<hbm>> -> memref<128x64xf32, #tpu.memory_space<hbm>>
      %dma_start3A_359 = arith.constant 0 : i32
      %dma_start3A_360 = tpu.memref_slice %arg4[%add3A_190, %dma_start3A_359] : memref<204800x64xf32, #tpu.memory_space<hbm>> -> memref<128x64xf32, #tpu.memory_space<hbm>>
      %dma_start3A_361 = arith.constant 0 : i32
      %dma_start3A_362 = arith.constant 0 : i32
      %dma_start3A_363 = tpu.memref_slice %arg6[%run_scoped3A_191, %dma_start3A_361, %dma_start3A_362] : memref<10x128x64xf32, #tpu.memory_space<vmem>> -> memref<1x128x64xf32, #tpu.memory_space<vmem>>
      %dma_start3A_364 = tpu.memref_squeeze %dma_start3A_363 : memref<1x128x64xf32, #tpu.memory_space<vmem>> -> memref<128x64xf32, #tpu.memory_space<vmem>>
      tpu.enqueue_dma source(%dma_start3A_364 : memref<128x64xf32, #tpu.memory_space<vmem>>) target(%dma_start3A_360 : memref<128x64xf32, #tpu.memory_space<hbm>>) target_semaphore(%run_scoped3A_352 : memref<!tpu.dma_semaphore, #tpu.memory_space<semaphore_mem>>)
      %dma_wait3A_365 = arith.constant 0 : i32
      %dma_wait3A_366 = arith.constant 0 : i32
      %dma_wait3A_367 = tpu.memref_slice %arg6[%run_scoped3A_191, %dma_wait3A_365, %dma_wait3A_366] : memref<10x128x64xf32, #tpu.memory_space<vmem>> -> memref<1x128x64xf32, #tpu.memory_space<vmem>>
      %dma_wait3A_368 = tpu.memref_squeeze %dma_wait3A_367 : memref<1x128x64xf32, #tpu.memory_space<vmem>> -> memref<128x64xf32, #tpu.memory_space<vmem>>
      %dma_wait3A_369 = arith.constant 0 : i32
      %dma_wait3A_370 = tpu.memref_slice %arg4[%add3A_190, %dma_wait3A_369] : memref<204800x64xf32, #tpu.memory_space<hbm>> -> memref<128x64xf32, #tpu.memory_space<hbm>>
      %dma_wait3A_371 = arith.constant 0 : i32
      %dma_wait3A_372 = tpu.memref_slice %arg4[%add3A_190, %dma_wait3A_371] : memref<204800x64xf32, #tpu.memory_space<hbm>> -> memref<128x64xf32, #tpu.memory_space<hbm>>
      %dma_wait3A_373 = arith.constant 0 : i32
      %dma_wait3A_374 = arith.constant 0 : i32
      %dma_wait3A_375 = tpu.memref_slice %arg6[%run_scoped3A_191, %dma_wait3A_373, %dma_wait3A_374] : memref<10x128x64xf32, #tpu.memory_space<vmem>> -> memref<1x128x64xf32, #tpu.memory_space<vmem>>
      %dma_wait3A_376 = tpu.memref_squeeze %dma_wait3A_375 : memref<1x128x64xf32, #tpu.memory_space<vmem>> -> memref<128x64xf32, #tpu.memory_space<vmem>>
      tpu.wait_dma2 semaphore(%run_scoped3A_352 : memref<!tpu.dma_semaphore, #tpu.memory_space<semaphore_mem>>) src(%dma_wait3A_376 : memref<128x64xf32, #tpu.memory_space<vmem>>) dst(%dma_wait3A_372 : memref<128x64xf32, #tpu.memory_space<hbm>>)
      tpu.yield
    }) : () -> ()
    %dma_wait3A_192 = arith.constant 42 : i32
    %dma_wait3A_193 = arith.constant 2 : i32
    %dma_wait3A_194 = arith.constant 2 : i32
    %dma_wait3A_195 = arith.constant 0 : i32
    %dma_wait3A_196 = arith.constant 0 : i32
    %dma_wait3A_197 = tpu.memref_slice %arg6[%dma_wait3A_193, %dma_wait3A_195, %dma_wait3A_196] : memref<10x128x64xf32, #tpu.memory_space<vmem>> -> memref<1x128x64xf32, #tpu.memory_space<vmem>>
    %dma_wait3A_198 = tpu.memref_squeeze %dma_wait3A_197 : memref<1x128x64xf32, #tpu.memory_space<vmem>> -> memref<128x64xf32, #tpu.memory_space<vmem>>
    %dma_wait3A_199 = arith.constant 0 : i32
    %dma_wait3A_200 = tpu.memref_slice %arg5[%dma_wait3A_192, %dma_wait3A_199] : memref<50x128xi32, #tpu.memory_space<vmem>> -> memref<1x128xi32, #tpu.memory_space<vmem>>
    %dma_wait3A_201 = tpu.memref_squeeze %dma_wait3A_200 : memref<1x128xi32, #tpu.memory_space<vmem>> -> memref<128xi32, #tpu.memory_space<vmem>>
    %dma_wait3A_202 = arith.constant 0 : i32
    %dma_wait3A_203 = arith.constant 0 : i32
    %dma_wait3A_204 = tpu.memref_slice %arg2[%dma_wait3A_202, %dma_wait3A_203] : memref<100000x64xf32, #tpu.memory_space<hbm>> -> memref<100000x64xf32, #tpu.memory_space<hbm>>
    %dma_wait3A_205 = tpu.memref_slice %arg7[%dma_wait3A_194] : memref<10x!tpu.dma_semaphore, #tpu.memory_space<semaphore_mem>> -> memref<1x!tpu.dma_semaphore, #tpu.memory_space<semaphore_mem>>
    %dma_wait3A_206 = tpu.memref_squeeze %dma_wait3A_205 : memref<1x!tpu.dma_semaphore, #tpu.memory_space<semaphore_mem>> -> memref<!tpu.dma_semaphore, #tpu.memory_space<semaphore_mem>>
    tpu.wait_indirect_dma semaphore(%dma_wait3A_206 : memref<!tpu.dma_semaphore, #tpu.memory_space<semaphore_mem>>) src(%dma_wait3A_204 : memref<100000x64xf32, #tpu.memory_space<hbm>>) dst(%dma_wait3A_198 : memref<128x64xf32, #tpu.memory_space<vmem>>)
    %mul3A_207 = arith.constant 128 : i32
    %mul3A_208 = arith.muli %add3A, %mul3A_207 : i32
    %add3A_209 = arith.constant 172032 : i32
    %add3A_210 = arith.addi %add3A_209, %mul3A_208 : i32
    %run_scoped3A_211 = arith.constant 2 : i32
    "tpu.region"() ({
      %run_scoped3A_352 = tpu.sem_alloc : memref<!tpu.dma_semaphore, #tpu.memory_space<semaphore_mem>>
      %dma_start3A_353 = arith.constant 0 : i32
      %dma_start3A_354 = arith.constant 0 : i32
      %dma_start3A_355 = tpu.memref_slice %arg6[%run_scoped3A_211, %dma_start3A_353, %dma_start3A_354] : memref<10x128x64xf32, #tpu.memory_space<vmem>> -> memref<1x128x64xf32, #tpu.memory_space<vmem>>
      %dma_start3A_356 = tpu.memref_squeeze %dma_start3A_355 : memref<1x128x64xf32, #tpu.memory_space<vmem>> -> memref<128x64xf32, #tpu.memory_space<vmem>>
      %dma_start3A_357 = arith.constant 0 : i32
      %dma_start3A_358 = tpu.memref_slice %arg4[%add3A_210, %dma_start3A_357] : memref<204800x64xf32, #tpu.memory_space<hbm>> -> memref<128x64xf32, #tpu.memory_space<hbm>>
      %dma_start3A_359 = arith.constant 0 : i32
      %dma_start3A_360 = tpu.memref_slice %arg4[%add3A_210, %dma_start3A_359] : memref<204800x64xf32, #tpu.memory_space<hbm>> -> memref<128x64xf32, #tpu.memory_space<hbm>>
      %dma_start3A_361 = arith.constant 0 : i32
      %dma_start3A_362 = arith.constant 0 : i32
      %dma_start3A_363 = tpu.memref_slice %arg6[%run_scoped3A_211, %dma_start3A_361, %dma_start3A_362] : memref<10x128x64xf32, #tpu.memory_space<vmem>> -> memref<1x128x64xf32, #tpu.memory_space<vmem>>
      %dma_start3A_364 = tpu.memref_squeeze %dma_start3A_363 : memref<1x128x64xf32, #tpu.memory_space<vmem>> -> memref<128x64xf32, #tpu.memory_space<vmem>>
      tpu.enqueue_dma source(%dma_start3A_364 : memref<128x64xf32, #tpu.memory_space<vmem>>) target(%dma_start3A_360 : memref<128x64xf32, #tpu.memory_space<hbm>>) target_semaphore(%run_scoped3A_352 : memref<!tpu.dma_semaphore, #tpu.memory_space<semaphore_mem>>)
      %dma_wait3A_365 = arith.constant 0 : i32
      %dma_wait3A_366 = arith.constant 0 : i32
      %dma_wait3A_367 = tpu.memref_slice %arg6[%run_scoped3A_211, %dma_wait3A_365, %dma_wait3A_366] : memref<10x128x64xf32, #tpu.memory_space<vmem>> -> memref<1x128x64xf32, #tpu.memory_space<vmem>>
      %dma_wait3A_368 = tpu.memref_squeeze %dma_wait3A_367 : memref<1x128x64xf32, #tpu.memory_space<vmem>> -> memref<128x64xf32, #tpu.memory_space<vmem>>
      %dma_wait3A_369 = arith.constant 0 : i32
      %dma_wait3A_370 = tpu.memref_slice %arg4[%add3A_210, %dma_wait3A_369] : memref<204800x64xf32, #tpu.memory_space<hbm>> -> memref<128x64xf32, #tpu.memory_space<hbm>>
      %dma_wait3A_371 = arith.constant 0 : i32
      %dma_wait3A_372 = tpu.memref_slice %arg4[%add3A_210, %dma_wait3A_371] : memref<204800x64xf32, #tpu.memory_space<hbm>> -> memref<128x64xf32, #tpu.memory_space<hbm>>
      %dma_wait3A_373 = arith.constant 0 : i32
      %dma_wait3A_374 = arith.constant 0 : i32
      %dma_wait3A_375 = tpu.memref_slice %arg6[%run_scoped3A_211, %dma_wait3A_373, %dma_wait3A_374] : memref<10x128x64xf32, #tpu.memory_space<vmem>> -> memref<1x128x64xf32, #tpu.memory_space<vmem>>
      %dma_wait3A_376 = tpu.memref_squeeze %dma_wait3A_375 : memref<1x128x64xf32, #tpu.memory_space<vmem>> -> memref<128x64xf32, #tpu.memory_space<vmem>>
      tpu.wait_dma2 semaphore(%run_scoped3A_352 : memref<!tpu.dma_semaphore, #tpu.memory_space<semaphore_mem>>) src(%dma_wait3A_376 : memref<128x64xf32, #tpu.memory_space<vmem>>) dst(%dma_wait3A_372 : memref<128x64xf32, #tpu.memory_space<hbm>>)
      tpu.yield
    }) : () -> ()
    %dma_wait3A_212 = arith.constant 43 : i32
    %dma_wait3A_213 = arith.constant 3 : i32
    %dma_wait3A_214 = arith.constant 3 : i32
    %dma_wait3A_215 = arith.constant 0 : i32
    %dma_wait3A_216 = arith.constant 0 : i32
    %dma_wait3A_217 = tpu.memref_slice %arg6[%dma_wait3A_213, %dma_wait3A_215, %dma_wait3A_216] : memref<10x128x64xf32, #tpu.memory_space<vmem>> -> memref<1x128x64xf32, #tpu.memory_space<vmem>>
    %dma_wait3A_218 = tpu.memref_squeeze %dma_wait3A_217 : memref<1x128x64xf32, #tpu.memory_space<vmem>> -> memref<128x64xf32, #tpu.memory_space<vmem>>
    %dma_wait3A_219 = arith.constant 0 : i32
    %dma_wait3A_220 = tpu.memref_slice %arg5[%dma_wait3A_212, %dma_wait3A_219] : memref<50x128xi32, #tpu.memory_space<vmem>> -> memref<1x128xi32, #tpu.memory_space<vmem>>
    %dma_wait3A_221 = tpu.memref_squeeze %dma_wait3A_220 : memref<1x128xi32, #tpu.memory_space<vmem>> -> memref<128xi32, #tpu.memory_space<vmem>>
    %dma_wait3A_222 = arith.constant 0 : i32
    %dma_wait3A_223 = arith.constant 0 : i32
    %dma_wait3A_224 = tpu.memref_slice %arg2[%dma_wait3A_222, %dma_wait3A_223] : memref<100000x64xf32, #tpu.memory_space<hbm>> -> memref<100000x64xf32, #tpu.memory_space<hbm>>
    %dma_wait3A_225 = tpu.memref_slice %arg7[%dma_wait3A_214] : memref<10x!tpu.dma_semaphore, #tpu.memory_space<semaphore_mem>> -> memref<1x!tpu.dma_semaphore, #tpu.memory_space<semaphore_mem>>
    %dma_wait3A_226 = tpu.memref_squeeze %dma_wait3A_225 : memref<1x!tpu.dma_semaphore, #tpu.memory_space<semaphore_mem>> -> memref<!tpu.dma_semaphore, #tpu.memory_space<semaphore_mem>>
    tpu.wait_indirect_dma semaphore(%dma_wait3A_226 : memref<!tpu.dma_semaphore, #tpu.memory_space<semaphore_mem>>) src(%dma_wait3A_224 : memref<100000x64xf32, #tpu.memory_space<hbm>>) dst(%dma_wait3A_218 : memref<128x64xf32, #tpu.memory_space<vmem>>)
    %mul3A_227 = arith.constant 128 : i32
    %mul3A_228 = arith.muli %add3A, %mul3A_227 : i32
    %add3A_229 = arith.constant 176128 : i32
    %add3A_230 = arith.addi %add3A_229, %mul3A_228 : i32
    %run_scoped3A_231 = arith.constant 3 : i32
    "tpu.region"() ({
      %run_scoped3A_352 = tpu.sem_alloc : memref<!tpu.dma_semaphore, #tpu.memory_space<semaphore_mem>>
      %dma_start3A_353 = arith.constant 0 : i32
      %dma_start3A_354 = arith.constant 0 : i32
      %dma_start3A_355 = tpu.memref_slice %arg6[%run_scoped3A_231, %dma_start3A_353, %dma_start3A_354] : memref<10x128x64xf32, #tpu.memory_space<vmem>> -> memref<1x128x64xf32, #tpu.memory_space<vmem>>
      %dma_start3A_356 = tpu.memref_squeeze %dma_start3A_355 : memref<1x128x64xf32, #tpu.memory_space<vmem>> -> memref<128x64xf32, #tpu.memory_space<vmem>>
      %dma_start3A_357 = arith.constant 0 : i32
      %dma_start3A_358 = tpu.memref_slice %arg4[%add3A_230, %dma_start3A_357] : memref<204800x64xf32, #tpu.memory_space<hbm>> -> memref<128x64xf32, #tpu.memory_space<hbm>>
      %dma_start3A_359 = arith.constant 0 : i32
      %dma_start3A_360 = tpu.memref_slice %arg4[%add3A_230, %dma_start3A_359] : memref<204800x64xf32, #tpu.memory_space<hbm>> -> memref<128x64xf32, #tpu.memory_space<hbm>>
      %dma_start3A_361 = arith.constant 0 : i32
      %dma_start3A_362 = arith.constant 0 : i32
      %dma_start3A_363 = tpu.memref_slice %arg6[%run_scoped3A_231, %dma_start3A_361, %dma_start3A_362] : memref<10x128x64xf32, #tpu.memory_space<vmem>> -> memref<1x128x64xf32, #tpu.memory_space<vmem>>
      %dma_start3A_364 = tpu.memref_squeeze %dma_start3A_363 : memref<1x128x64xf32, #tpu.memory_space<vmem>> -> memref<128x64xf32, #tpu.memory_space<vmem>>
      tpu.enqueue_dma source(%dma_start3A_364 : memref<128x64xf32, #tpu.memory_space<vmem>>) target(%dma_start3A_360 : memref<128x64xf32, #tpu.memory_space<hbm>>) target_semaphore(%run_scoped3A_352 : memref<!tpu.dma_semaphore, #tpu.memory_space<semaphore_mem>>)
      %dma_wait3A_365 = arith.constant 0 : i32
      %dma_wait3A_366 = arith.constant 0 : i32
      %dma_wait3A_367 = tpu.memref_slice %arg6[%run_scoped3A_231, %dma_wait3A_365, %dma_wait3A_366] : memref<10x128x64xf32, #tpu.memory_space<vmem>> -> memref<1x128x64xf32, #tpu.memory_space<vmem>>
      %dma_wait3A_368 = tpu.memref_squeeze %dma_wait3A_367 : memref<1x128x64xf32, #tpu.memory_space<vmem>> -> memref<128x64xf32, #tpu.memory_space<vmem>>
      %dma_wait3A_369 = arith.constant 0 : i32
      %dma_wait3A_370 = tpu.memref_slice %arg4[%add3A_230, %dma_wait3A_369] : memref<204800x64xf32, #tpu.memory_space<hbm>> -> memref<128x64xf32, #tpu.memory_space<hbm>>
      %dma_wait3A_371 = arith.constant 0 : i32
      %dma_wait3A_372 = tpu.memref_slice %arg4[%add3A_230, %dma_wait3A_371] : memref<204800x64xf32, #tpu.memory_space<hbm>> -> memref<128x64xf32, #tpu.memory_space<hbm>>
      %dma_wait3A_373 = arith.constant 0 : i32
      %dma_wait3A_374 = arith.constant 0 : i32
      %dma_wait3A_375 = tpu.memref_slice %arg6[%run_scoped3A_231, %dma_wait3A_373, %dma_wait3A_374] : memref<10x128x64xf32, #tpu.memory_space<vmem>> -> memref<1x128x64xf32, #tpu.memory_space<vmem>>
      %dma_wait3A_376 = tpu.memref_squeeze %dma_wait3A_375 : memref<1x128x64xf32, #tpu.memory_space<vmem>> -> memref<128x64xf32, #tpu.memory_space<vmem>>
      tpu.wait_dma2 semaphore(%run_scoped3A_352 : memref<!tpu.dma_semaphore, #tpu.memory_space<semaphore_mem>>) src(%dma_wait3A_376 : memref<128x64xf32, #tpu.memory_space<vmem>>) dst(%dma_wait3A_372 : memref<128x64xf32, #tpu.memory_space<hbm>>)
      tpu.yield
    }) : () -> ()
    %dma_wait3A_232 = arith.constant 44 : i32
    %dma_wait3A_233 = arith.constant 4 : i32
    %dma_wait3A_234 = arith.constant 4 : i32
    %dma_wait3A_235 = arith.constant 0 : i32
    %dma_wait3A_236 = arith.constant 0 : i32
    %dma_wait3A_237 = tpu.memref_slice %arg6[%dma_wait3A_233, %dma_wait3A_235, %dma_wait3A_236] : memref<10x128x64xf32, #tpu.memory_space<vmem>> -> memref<1x128x64xf32, #tpu.memory_space<vmem>>
    %dma_wait3A_238 = tpu.memref_squeeze %dma_wait3A_237 : memref<1x128x64xf32, #tpu.memory_space<vmem>> -> memref<128x64xf32, #tpu.memory_space<vmem>>
    %dma_wait3A_239 = arith.constant 0 : i32
    %dma_wait3A_240 = tpu.memref_slice %arg5[%dma_wait3A_232, %dma_wait3A_239] : memref<50x128xi32, #tpu.memory_space<vmem>> -> memref<1x128xi32, #tpu.memory_space<vmem>>
    %dma_wait3A_241 = tpu.memref_squeeze %dma_wait3A_240 : memref<1x128xi32, #tpu.memory_space<vmem>> -> memref<128xi32, #tpu.memory_space<vmem>>
    %dma_wait3A_242 = arith.constant 0 : i32
    %dma_wait3A_243 = arith.constant 0 : i32
    %dma_wait3A_244 = tpu.memref_slice %arg2[%dma_wait3A_242, %dma_wait3A_243] : memref<100000x64xf32, #tpu.memory_space<hbm>> -> memref<100000x64xf32, #tpu.memory_space<hbm>>
    %dma_wait3A_245 = tpu.memref_slice %arg7[%dma_wait3A_234] : memref<10x!tpu.dma_semaphore, #tpu.memory_space<semaphore_mem>> -> memref<1x!tpu.dma_semaphore, #tpu.memory_space<semaphore_mem>>
    %dma_wait3A_246 = tpu.memref_squeeze %dma_wait3A_245 : memref<1x!tpu.dma_semaphore, #tpu.memory_space<semaphore_mem>> -> memref<!tpu.dma_semaphore, #tpu.memory_space<semaphore_mem>>
    tpu.wait_indirect_dma semaphore(%dma_wait3A_246 : memref<!tpu.dma_semaphore, #tpu.memory_space<semaphore_mem>>) src(%dma_wait3A_244 : memref<100000x64xf32, #tpu.memory_space<hbm>>) dst(%dma_wait3A_238 : memref<128x64xf32, #tpu.memory_space<vmem>>)
    %mul3A_247 = arith.constant 128 : i32
    %mul3A_248 = arith.muli %add3A, %mul3A_247 : i32
    %add3A_249 = arith.constant 180224 : i32
    %add3A_250 = arith.addi %add3A_249, %mul3A_248 : i32
    %run_scoped3A_251 = arith.constant 4 : i32
    "tpu.region"() ({
      %run_scoped3A_352 = tpu.sem_alloc : memref<!tpu.dma_semaphore, #tpu.memory_space<semaphore_mem>>
      %dma_start3A_353 = arith.constant 0 : i32
      %dma_start3A_354 = arith.constant 0 : i32
      %dma_start3A_355 = tpu.memref_slice %arg6[%run_scoped3A_251, %dma_start3A_353, %dma_start3A_354] : memref<10x128x64xf32, #tpu.memory_space<vmem>> -> memref<1x128x64xf32, #tpu.memory_space<vmem>>
      %dma_start3A_356 = tpu.memref_squeeze %dma_start3A_355 : memref<1x128x64xf32, #tpu.memory_space<vmem>> -> memref<128x64xf32, #tpu.memory_space<vmem>>
      %dma_start3A_357 = arith.constant 0 : i32
      %dma_start3A_358 = tpu.memref_slice %arg4[%add3A_250, %dma_start3A_357] : memref<204800x64xf32, #tpu.memory_space<hbm>> -> memref<128x64xf32, #tpu.memory_space<hbm>>
      %dma_start3A_359 = arith.constant 0 : i32
      %dma_start3A_360 = tpu.memref_slice %arg4[%add3A_250, %dma_start3A_359] : memref<204800x64xf32, #tpu.memory_space<hbm>> -> memref<128x64xf32, #tpu.memory_space<hbm>>
      %dma_start3A_361 = arith.constant 0 : i32
      %dma_start3A_362 = arith.constant 0 : i32
      %dma_start3A_363 = tpu.memref_slice %arg6[%run_scoped3A_251, %dma_start3A_361, %dma_start3A_362] : memref<10x128x64xf32, #tpu.memory_space<vmem>> -> memref<1x128x64xf32, #tpu.memory_space<vmem>>
      %dma_start3A_364 = tpu.memref_squeeze %dma_start3A_363 : memref<1x128x64xf32, #tpu.memory_space<vmem>> -> memref<128x64xf32, #tpu.memory_space<vmem>>
      tpu.enqueue_dma source(%dma_start3A_364 : memref<128x64xf32, #tpu.memory_space<vmem>>) target(%dma_start3A_360 : memref<128x64xf32, #tpu.memory_space<hbm>>) target_semaphore(%run_scoped3A_352 : memref<!tpu.dma_semaphore, #tpu.memory_space<semaphore_mem>>)
      %dma_wait3A_365 = arith.constant 0 : i32
      %dma_wait3A_366 = arith.constant 0 : i32
      %dma_wait3A_367 = tpu.memref_slice %arg6[%run_scoped3A_251, %dma_wait3A_365, %dma_wait3A_366] : memref<10x128x64xf32, #tpu.memory_space<vmem>> -> memref<1x128x64xf32, #tpu.memory_space<vmem>>
      %dma_wait3A_368 = tpu.memref_squeeze %dma_wait3A_367 : memref<1x128x64xf32, #tpu.memory_space<vmem>> -> memref<128x64xf32, #tpu.memory_space<vmem>>
      %dma_wait3A_369 = arith.constant 0 : i32
      %dma_wait3A_370 = tpu.memref_slice %arg4[%add3A_250, %dma_wait3A_369] : memref<204800x64xf32, #tpu.memory_space<hbm>> -> memref<128x64xf32, #tpu.memory_space<hbm>>
      %dma_wait3A_371 = arith.constant 0 : i32
      %dma_wait3A_372 = tpu.memref_slice %arg4[%add3A_250, %dma_wait3A_371] : memref<204800x64xf32, #tpu.memory_space<hbm>> -> memref<128x64xf32, #tpu.memory_space<hbm>>
      %dma_wait3A_373 = arith.constant 0 : i32
      %dma_wait3A_374 = arith.constant 0 : i32
      %dma_wait3A_375 = tpu.memref_slice %arg6[%run_scoped3A_251, %dma_wait3A_373, %dma_wait3A_374] : memref<10x128x64xf32, #tpu.memory_space<vmem>> -> memref<1x128x64xf32, #tpu.memory_space<vmem>>
      %dma_wait3A_376 = tpu.memref_squeeze %dma_wait3A_375 : memref<1x128x64xf32, #tpu.memory_space<vmem>> -> memref<128x64xf32, #tpu.memory_space<vmem>>
      tpu.wait_dma2 semaphore(%run_scoped3A_352 : memref<!tpu.dma_semaphore, #tpu.memory_space<semaphore_mem>>) src(%dma_wait3A_376 : memref<128x64xf32, #tpu.memory_space<vmem>>) dst(%dma_wait3A_372 : memref<128x64xf32, #tpu.memory_space<hbm>>)
      tpu.yield
    }) : () -> ()
    %dma_wait3A_252 = arith.constant 45 : i32
    %dma_wait3A_253 = arith.constant 5 : i32
    %dma_wait3A_254 = arith.constant 5 : i32
    %dma_wait3A_255 = arith.constant 0 : i32
    %dma_wait3A_256 = arith.constant 0 : i32
    %dma_wait3A_257 = tpu.memref_slice %arg6[%dma_wait3A_253, %dma_wait3A_255, %dma_wait3A_256] : memref<10x128x64xf32, #tpu.memory_space<vmem>> -> memref<1x128x64xf32, #tpu.memory_space<vmem>>
    %dma_wait3A_258 = tpu.memref_squeeze %dma_wait3A_257 : memref<1x128x64xf32, #tpu.memory_space<vmem>> -> memref<128x64xf32, #tpu.memory_space<vmem>>
    %dma_wait3A_259 = arith.constant 0 : i32
    %dma_wait3A_260 = tpu.memref_slice %arg5[%dma_wait3A_252, %dma_wait3A_259] : memref<50x128xi32, #tpu.memory_space<vmem>> -> memref<1x128xi32, #tpu.memory_space<vmem>>
    %dma_wait3A_261 = tpu.memref_squeeze %dma_wait3A_260 : memref<1x128xi32, #tpu.memory_space<vmem>> -> memref<128xi32, #tpu.memory_space<vmem>>
    %dma_wait3A_262 = arith.constant 0 : i32
    %dma_wait3A_263 = arith.constant 0 : i32
    %dma_wait3A_264 = tpu.memref_slice %arg2[%dma_wait3A_262, %dma_wait3A_263] : memref<100000x64xf32, #tpu.memory_space<hbm>> -> memref<100000x64xf32, #tpu.memory_space<hbm>>
    %dma_wait3A_265 = tpu.memref_slice %arg7[%dma_wait3A_254] : memref<10x!tpu.dma_semaphore, #tpu.memory_space<semaphore_mem>> -> memref<1x!tpu.dma_semaphore, #tpu.memory_space<semaphore_mem>>
    %dma_wait3A_266 = tpu.memref_squeeze %dma_wait3A_265 : memref<1x!tpu.dma_semaphore, #tpu.memory_space<semaphore_mem>> -> memref<!tpu.dma_semaphore, #tpu.memory_space<semaphore_mem>>
    tpu.wait_indirect_dma semaphore(%dma_wait3A_266 : memref<!tpu.dma_semaphore, #tpu.memory_space<semaphore_mem>>) src(%dma_wait3A_264 : memref<100000x64xf32, #tpu.memory_space<hbm>>) dst(%dma_wait3A_258 : memref<128x64xf32, #tpu.memory_space<vmem>>)
    %mul3A_267 = arith.constant 128 : i32
    %mul3A_268 = arith.muli %add3A, %mul3A_267 : i32
    %add3A_269 = arith.constant 184320 : i32
    %add3A_270 = arith.addi %add3A_269, %mul3A_268 : i32
    %run_scoped3A_271 = arith.constant 5 : i32
    "tpu.region"() ({
      %run_scoped3A_352 = tpu.sem_alloc : memref<!tpu.dma_semaphore, #tpu.memory_space<semaphore_mem>>
      %dma_start3A_353 = arith.constant 0 : i32
      %dma_start3A_354 = arith.constant 0 : i32
      %dma_start3A_355 = tpu.memref_slice %arg6[%run_scoped3A_271, %dma_start3A_353, %dma_start3A_354] : memref<10x128x64xf32, #tpu.memory_space<vmem>> -> memref<1x128x64xf32, #tpu.memory_space<vmem>>
      %dma_start3A_356 = tpu.memref_squeeze %dma_start3A_355 : memref<1x128x64xf32, #tpu.memory_space<vmem>> -> memref<128x64xf32, #tpu.memory_space<vmem>>
      %dma_start3A_357 = arith.constant 0 : i32
      %dma_start3A_358 = tpu.memref_slice %arg4[%add3A_270, %dma_start3A_357] : memref<204800x64xf32, #tpu.memory_space<hbm>> -> memref<128x64xf32, #tpu.memory_space<hbm>>
      %dma_start3A_359 = arith.constant 0 : i32
      %dma_start3A_360 = tpu.memref_slice %arg4[%add3A_270, %dma_start3A_359] : memref<204800x64xf32, #tpu.memory_space<hbm>> -> memref<128x64xf32, #tpu.memory_space<hbm>>
      %dma_start3A_361 = arith.constant 0 : i32
      %dma_start3A_362 = arith.constant 0 : i32
      %dma_start3A_363 = tpu.memref_slice %arg6[%run_scoped3A_271, %dma_start3A_361, %dma_start3A_362] : memref<10x128x64xf32, #tpu.memory_space<vmem>> -> memref<1x128x64xf32, #tpu.memory_space<vmem>>
      %dma_start3A_364 = tpu.memref_squeeze %dma_start3A_363 : memref<1x128x64xf32, #tpu.memory_space<vmem>> -> memref<128x64xf32, #tpu.memory_space<vmem>>
      tpu.enqueue_dma source(%dma_start3A_364 : memref<128x64xf32, #tpu.memory_space<vmem>>) target(%dma_start3A_360 : memref<128x64xf32, #tpu.memory_space<hbm>>) target_semaphore(%run_scoped3A_352 : memref<!tpu.dma_semaphore, #tpu.memory_space<semaphore_mem>>)
      %dma_wait3A_365 = arith.constant 0 : i32
      %dma_wait3A_366 = arith.constant 0 : i32
      %dma_wait3A_367 = tpu.memref_slice %arg6[%run_scoped3A_271, %dma_wait3A_365, %dma_wait3A_366] : memref<10x128x64xf32, #tpu.memory_space<vmem>> -> memref<1x128x64xf32, #tpu.memory_space<vmem>>
      %dma_wait3A_368 = tpu.memref_squeeze %dma_wait3A_367 : memref<1x128x64xf32, #tpu.memory_space<vmem>> -> memref<128x64xf32, #tpu.memory_space<vmem>>
      %dma_wait3A_369 = arith.constant 0 : i32
      %dma_wait3A_370 = tpu.memref_slice %arg4[%add3A_270, %dma_wait3A_369] : memref<204800x64xf32, #tpu.memory_space<hbm>> -> memref<128x64xf32, #tpu.memory_space<hbm>>
      %dma_wait3A_371 = arith.constant 0 : i32
      %dma_wait3A_372 = tpu.memref_slice %arg4[%add3A_270, %dma_wait3A_371] : memref<204800x64xf32, #tpu.memory_space<hbm>> -> memref<128x64xf32, #tpu.memory_space<hbm>>
      %dma_wait3A_373 = arith.constant 0 : i32
      %dma_wait3A_374 = arith.constant 0 : i32
      %dma_wait3A_375 = tpu.memref_slice %arg6[%run_scoped3A_271, %dma_wait3A_373, %dma_wait3A_374] : memref<10x128x64xf32, #tpu.memory_space<vmem>> -> memref<1x128x64xf32, #tpu.memory_space<vmem>>
      %dma_wait3A_376 = tpu.memref_squeeze %dma_wait3A_375 : memref<1x128x64xf32, #tpu.memory_space<vmem>> -> memref<128x64xf32, #tpu.memory_space<vmem>>
      tpu.wait_dma2 semaphore(%run_scoped3A_352 : memref<!tpu.dma_semaphore, #tpu.memory_space<semaphore_mem>>) src(%dma_wait3A_376 : memref<128x64xf32, #tpu.memory_space<vmem>>) dst(%dma_wait3A_372 : memref<128x64xf32, #tpu.memory_space<hbm>>)
      tpu.yield
    }) : () -> ()
    %dma_wait3A_272 = arith.constant 46 : i32
    %dma_wait3A_273 = arith.constant 6 : i32
    %dma_wait3A_274 = arith.constant 6 : i32
    %dma_wait3A_275 = arith.constant 0 : i32
    %dma_wait3A_276 = arith.constant 0 : i32
    %dma_wait3A_277 = tpu.memref_slice %arg6[%dma_wait3A_273, %dma_wait3A_275, %dma_wait3A_276] : memref<10x128x64xf32, #tpu.memory_space<vmem>> -> memref<1x128x64xf32, #tpu.memory_space<vmem>>
    %dma_wait3A_278 = tpu.memref_squeeze %dma_wait3A_277 : memref<1x128x64xf32, #tpu.memory_space<vmem>> -> memref<128x64xf32, #tpu.memory_space<vmem>>
    %dma_wait3A_279 = arith.constant 0 : i32
    %dma_wait3A_280 = tpu.memref_slice %arg5[%dma_wait3A_272, %dma_wait3A_279] : memref<50x128xi32, #tpu.memory_space<vmem>> -> memref<1x128xi32, #tpu.memory_space<vmem>>
    %dma_wait3A_281 = tpu.memref_squeeze %dma_wait3A_280 : memref<1x128xi32, #tpu.memory_space<vmem>> -> memref<128xi32, #tpu.memory_space<vmem>>
    %dma_wait3A_282 = arith.constant 0 : i32
    %dma_wait3A_283 = arith.constant 0 : i32
    %dma_wait3A_284 = tpu.memref_slice %arg2[%dma_wait3A_282, %dma_wait3A_283] : memref<100000x64xf32, #tpu.memory_space<hbm>> -> memref<100000x64xf32, #tpu.memory_space<hbm>>
    %dma_wait3A_285 = tpu.memref_slice %arg7[%dma_wait3A_274] : memref<10x!tpu.dma_semaphore, #tpu.memory_space<semaphore_mem>> -> memref<1x!tpu.dma_semaphore, #tpu.memory_space<semaphore_mem>>
    %dma_wait3A_286 = tpu.memref_squeeze %dma_wait3A_285 : memref<1x!tpu.dma_semaphore, #tpu.memory_space<semaphore_mem>> -> memref<!tpu.dma_semaphore, #tpu.memory_space<semaphore_mem>>
    tpu.wait_indirect_dma semaphore(%dma_wait3A_286 : memref<!tpu.dma_semaphore, #tpu.memory_space<semaphore_mem>>) src(%dma_wait3A_284 : memref<100000x64xf32, #tpu.memory_space<hbm>>) dst(%dma_wait3A_278 : memref<128x64xf32, #tpu.memory_space<vmem>>)
    %mul3A_287 = arith.constant 128 : i32
    %mul3A_288 = arith.muli %add3A, %mul3A_287 : i32
    %add3A_289 = arith.constant 188416 : i32
    %add3A_290 = arith.addi %add3A_289, %mul3A_288 : i32
    %run_scoped3A_291 = arith.constant 6 : i32
    "tpu.region"() ({
      %run_scoped3A_352 = tpu.sem_alloc : memref<!tpu.dma_semaphore, #tpu.memory_space<semaphore_mem>>
      %dma_start3A_353 = arith.constant 0 : i32
      %dma_start3A_354 = arith.constant 0 : i32
      %dma_start3A_355 = tpu.memref_slice %arg6[%run_scoped3A_291, %dma_start3A_353, %dma_start3A_354] : memref<10x128x64xf32, #tpu.memory_space<vmem>> -> memref<1x128x64xf32, #tpu.memory_space<vmem>>
      %dma_start3A_356 = tpu.memref_squeeze %dma_start3A_355 : memref<1x128x64xf32, #tpu.memory_space<vmem>> -> memref<128x64xf32, #tpu.memory_space<vmem>>
      %dma_start3A_357 = arith.constant 0 : i32
      %dma_start3A_358 = tpu.memref_slice %arg4[%add3A_290, %dma_start3A_357] : memref<204800x64xf32, #tpu.memory_space<hbm>> -> memref<128x64xf32, #tpu.memory_space<hbm>>
      %dma_start3A_359 = arith.constant 0 : i32
      %dma_start3A_360 = tpu.memref_slice %arg4[%add3A_290, %dma_start3A_359] : memref<204800x64xf32, #tpu.memory_space<hbm>> -> memref<128x64xf32, #tpu.memory_space<hbm>>
      %dma_start3A_361 = arith.constant 0 : i32
      %dma_start3A_362 = arith.constant 0 : i32
      %dma_start3A_363 = tpu.memref_slice %arg6[%run_scoped3A_291, %dma_start3A_361, %dma_start3A_362] : memref<10x128x64xf32, #tpu.memory_space<vmem>> -> memref<1x128x64xf32, #tpu.memory_space<vmem>>
      %dma_start3A_364 = tpu.memref_squeeze %dma_start3A_363 : memref<1x128x64xf32, #tpu.memory_space<vmem>> -> memref<128x64xf32, #tpu.memory_space<vmem>>
      tpu.enqueue_dma source(%dma_start3A_364 : memref<128x64xf32, #tpu.memory_space<vmem>>) target(%dma_start3A_360 : memref<128x64xf32, #tpu.memory_space<hbm>>) target_semaphore(%run_scoped3A_352 : memref<!tpu.dma_semaphore, #tpu.memory_space<semaphore_mem>>)
      %dma_wait3A_365 = arith.constant 0 : i32
      %dma_wait3A_366 = arith.constant 0 : i32
      %dma_wait3A_367 = tpu.memref_slice %arg6[%run_scoped3A_291, %dma_wait3A_365, %dma_wait3A_366] : memref<10x128x64xf32, #tpu.memory_space<vmem>> -> memref<1x128x64xf32, #tpu.memory_space<vmem>>
      %dma_wait3A_368 = tpu.memref_squeeze %dma_wait3A_367 : memref<1x128x64xf32, #tpu.memory_space<vmem>> -> memref<128x64xf32, #tpu.memory_space<vmem>>
      %dma_wait3A_369 = arith.constant 0 : i32
      %dma_wait3A_370 = tpu.memref_slice %arg4[%add3A_290, %dma_wait3A_369] : memref<204800x64xf32, #tpu.memory_space<hbm>> -> memref<128x64xf32, #tpu.memory_space<hbm>>
      %dma_wait3A_371 = arith.constant 0 : i32
      %dma_wait3A_372 = tpu.memref_slice %arg4[%add3A_290, %dma_wait3A_371] : memref<204800x64xf32, #tpu.memory_space<hbm>> -> memref<128x64xf32, #tpu.memory_space<hbm>>
      %dma_wait3A_373 = arith.constant 0 : i32
      %dma_wait3A_374 = arith.constant 0 : i32
      %dma_wait3A_375 = tpu.memref_slice %arg6[%run_scoped3A_291, %dma_wait3A_373, %dma_wait3A_374] : memref<10x128x64xf32, #tpu.memory_space<vmem>> -> memref<1x128x64xf32, #tpu.memory_space<vmem>>
      %dma_wait3A_376 = tpu.memref_squeeze %dma_wait3A_375 : memref<1x128x64xf32, #tpu.memory_space<vmem>> -> memref<128x64xf32, #tpu.memory_space<vmem>>
      tpu.wait_dma2 semaphore(%run_scoped3A_352 : memref<!tpu.dma_semaphore, #tpu.memory_space<semaphore_mem>>) src(%dma_wait3A_376 : memref<128x64xf32, #tpu.memory_space<vmem>>) dst(%dma_wait3A_372 : memref<128x64xf32, #tpu.memory_space<hbm>>)
      tpu.yield
    }) : () -> ()
    %dma_wait3A_292 = arith.constant 47 : i32
    %dma_wait3A_293 = arith.constant 7 : i32
    %dma_wait3A_294 = arith.constant 7 : i32
    %dma_wait3A_295 = arith.constant 0 : i32
    %dma_wait3A_296 = arith.constant 0 : i32
    %dma_wait3A_297 = tpu.memref_slice %arg6[%dma_wait3A_293, %dma_wait3A_295, %dma_wait3A_296] : memref<10x128x64xf32, #tpu.memory_space<vmem>> -> memref<1x128x64xf32, #tpu.memory_space<vmem>>
    %dma_wait3A_298 = tpu.memref_squeeze %dma_wait3A_297 : memref<1x128x64xf32, #tpu.memory_space<vmem>> -> memref<128x64xf32, #tpu.memory_space<vmem>>
    %dma_wait3A_299 = arith.constant 0 : i32
    %dma_wait3A_300 = tpu.memref_slice %arg5[%dma_wait3A_292, %dma_wait3A_299] : memref<50x128xi32, #tpu.memory_space<vmem>> -> memref<1x128xi32, #tpu.memory_space<vmem>>
    %dma_wait3A_301 = tpu.memref_squeeze %dma_wait3A_300 : memref<1x128xi32, #tpu.memory_space<vmem>> -> memref<128xi32, #tpu.memory_space<vmem>>
    %dma_wait3A_302 = arith.constant 0 : i32
    %dma_wait3A_303 = arith.constant 0 : i32
    %dma_wait3A_304 = tpu.memref_slice %arg2[%dma_wait3A_302, %dma_wait3A_303] : memref<100000x64xf32, #tpu.memory_space<hbm>> -> memref<100000x64xf32, #tpu.memory_space<hbm>>
    %dma_wait3A_305 = tpu.memref_slice %arg7[%dma_wait3A_294] : memref<10x!tpu.dma_semaphore, #tpu.memory_space<semaphore_mem>> -> memref<1x!tpu.dma_semaphore, #tpu.memory_space<semaphore_mem>>
    %dma_wait3A_306 = tpu.memref_squeeze %dma_wait3A_305 : memref<1x!tpu.dma_semaphore, #tpu.memory_space<semaphore_mem>> -> memref<!tpu.dma_semaphore, #tpu.memory_space<semaphore_mem>>
    tpu.wait_indirect_dma semaphore(%dma_wait3A_306 : memref<!tpu.dma_semaphore, #tpu.memory_space<semaphore_mem>>) src(%dma_wait3A_304 : memref<100000x64xf32, #tpu.memory_space<hbm>>) dst(%dma_wait3A_298 : memref<128x64xf32, #tpu.memory_space<vmem>>)
    %mul3A_307 = arith.constant 128 : i32
    %mul3A_308 = arith.muli %add3A, %mul3A_307 : i32
    %add3A_309 = arith.constant 192512 : i32
    %add3A_310 = arith.addi %add3A_309, %mul3A_308 : i32
    %run_scoped3A_311 = arith.constant 7 : i32
    "tpu.region"() ({
      %run_scoped3A_352 = tpu.sem_alloc : memref<!tpu.dma_semaphore, #tpu.memory_space<semaphore_mem>>
      %dma_start3A_353 = arith.constant 0 : i32
      %dma_start3A_354 = arith.constant 0 : i32
      %dma_start3A_355 = tpu.memref_slice %arg6[%run_scoped3A_311, %dma_start3A_353, %dma_start3A_354] : memref<10x128x64xf32, #tpu.memory_space<vmem>> -> memref<1x128x64xf32, #tpu.memory_space<vmem>>
      %dma_start3A_356 = tpu.memref_squeeze %dma_start3A_355 : memref<1x128x64xf32, #tpu.memory_space<vmem>> -> memref<128x64xf32, #tpu.memory_space<vmem>>
      %dma_start3A_357 = arith.constant 0 : i32
      %dma_start3A_358 = tpu.memref_slice %arg4[%add3A_310, %dma_start3A_357] : memref<204800x64xf32, #tpu.memory_space<hbm>> -> memref<128x64xf32, #tpu.memory_space<hbm>>
      %dma_start3A_359 = arith.constant 0 : i32
      %dma_start3A_360 = tpu.memref_slice %arg4[%add3A_310, %dma_start3A_359] : memref<204800x64xf32, #tpu.memory_space<hbm>> -> memref<128x64xf32, #tpu.memory_space<hbm>>
      %dma_start3A_361 = arith.constant 0 : i32
      %dma_start3A_362 = arith.constant 0 : i32
      %dma_start3A_363 = tpu.memref_slice %arg6[%run_scoped3A_311, %dma_start3A_361, %dma_start3A_362] : memref<10x128x64xf32, #tpu.memory_space<vmem>> -> memref<1x128x64xf32, #tpu.memory_space<vmem>>
      %dma_start3A_364 = tpu.memref_squeeze %dma_start3A_363 : memref<1x128x64xf32, #tpu.memory_space<vmem>> -> memref<128x64xf32, #tpu.memory_space<vmem>>
      tpu.enqueue_dma source(%dma_start3A_364 : memref<128x64xf32, #tpu.memory_space<vmem>>) target(%dma_start3A_360 : memref<128x64xf32, #tpu.memory_space<hbm>>) target_semaphore(%run_scoped3A_352 : memref<!tpu.dma_semaphore, #tpu.memory_space<semaphore_mem>>)
      %dma_wait3A_365 = arith.constant 0 : i32
      %dma_wait3A_366 = arith.constant 0 : i32
      %dma_wait3A_367 = tpu.memref_slice %arg6[%run_scoped3A_311, %dma_wait3A_365, %dma_wait3A_366] : memref<10x128x64xf32, #tpu.memory_space<vmem>> -> memref<1x128x64xf32, #tpu.memory_space<vmem>>
      %dma_wait3A_368 = tpu.memref_squeeze %dma_wait3A_367 : memref<1x128x64xf32, #tpu.memory_space<vmem>> -> memref<128x64xf32, #tpu.memory_space<vmem>>
      %dma_wait3A_369 = arith.constant 0 : i32
      %dma_wait3A_370 = tpu.memref_slice %arg4[%add3A_310, %dma_wait3A_369] : memref<204800x64xf32, #tpu.memory_space<hbm>> -> memref<128x64xf32, #tpu.memory_space<hbm>>
      %dma_wait3A_371 = arith.constant 0 : i32
      %dma_wait3A_372 = tpu.memref_slice %arg4[%add3A_310, %dma_wait3A_371] : memref<204800x64xf32, #tpu.memory_space<hbm>> -> memref<128x64xf32, #tpu.memory_space<hbm>>
      %dma_wait3A_373 = arith.constant 0 : i32
      %dma_wait3A_374 = arith.constant 0 : i32
      %dma_wait3A_375 = tpu.memref_slice %arg6[%run_scoped3A_311, %dma_wait3A_373, %dma_wait3A_374] : memref<10x128x64xf32, #tpu.memory_space<vmem>> -> memref<1x128x64xf32, #tpu.memory_space<vmem>>
      %dma_wait3A_376 = tpu.memref_squeeze %dma_wait3A_375 : memref<1x128x64xf32, #tpu.memory_space<vmem>> -> memref<128x64xf32, #tpu.memory_space<vmem>>
      tpu.wait_dma2 semaphore(%run_scoped3A_352 : memref<!tpu.dma_semaphore, #tpu.memory_space<semaphore_mem>>) src(%dma_wait3A_376 : memref<128x64xf32, #tpu.memory_space<vmem>>) dst(%dma_wait3A_372 : memref<128x64xf32, #tpu.memory_space<hbm>>)
      tpu.yield
    }) : () -> ()
    %dma_wait3A_312 = arith.constant 48 : i32
    %dma_wait3A_313 = arith.constant 8 : i32
    %dma_wait3A_314 = arith.constant 8 : i32
    %dma_wait3A_315 = arith.constant 0 : i32
    %dma_wait3A_316 = arith.constant 0 : i32
    %dma_wait3A_317 = tpu.memref_slice %arg6[%dma_wait3A_313, %dma_wait3A_315, %dma_wait3A_316] : memref<10x128x64xf32, #tpu.memory_space<vmem>> -> memref<1x128x64xf32, #tpu.memory_space<vmem>>
    %dma_wait3A_318 = tpu.memref_squeeze %dma_wait3A_317 : memref<1x128x64xf32, #tpu.memory_space<vmem>> -> memref<128x64xf32, #tpu.memory_space<vmem>>
    %dma_wait3A_319 = arith.constant 0 : i32
    %dma_wait3A_320 = tpu.memref_slice %arg5[%dma_wait3A_312, %dma_wait3A_319] : memref<50x128xi32, #tpu.memory_space<vmem>> -> memref<1x128xi32, #tpu.memory_space<vmem>>
    %dma_wait3A_321 = tpu.memref_squeeze %dma_wait3A_320 : memref<1x128xi32, #tpu.memory_space<vmem>> -> memref<128xi32, #tpu.memory_space<vmem>>
    %dma_wait3A_322 = arith.constant 0 : i32
    %dma_wait3A_323 = arith.constant 0 : i32
    %dma_wait3A_324 = tpu.memref_slice %arg2[%dma_wait3A_322, %dma_wait3A_323] : memref<100000x64xf32, #tpu.memory_space<hbm>> -> memref<100000x64xf32, #tpu.memory_space<hbm>>
    %dma_wait3A_325 = tpu.memref_slice %arg7[%dma_wait3A_314] : memref<10x!tpu.dma_semaphore, #tpu.memory_space<semaphore_mem>> -> memref<1x!tpu.dma_semaphore, #tpu.memory_space<semaphore_mem>>
    %dma_wait3A_326 = tpu.memref_squeeze %dma_wait3A_325 : memref<1x!tpu.dma_semaphore, #tpu.memory_space<semaphore_mem>> -> memref<!tpu.dma_semaphore, #tpu.memory_space<semaphore_mem>>
    tpu.wait_indirect_dma semaphore(%dma_wait3A_326 : memref<!tpu.dma_semaphore, #tpu.memory_space<semaphore_mem>>) src(%dma_wait3A_324 : memref<100000x64xf32, #tpu.memory_space<hbm>>) dst(%dma_wait3A_318 : memref<128x64xf32, #tpu.memory_space<vmem>>)
    %mul3A_327 = arith.constant 128 : i32
    %mul3A_328 = arith.muli %add3A, %mul3A_327 : i32
    %add3A_329 = arith.constant 196608 : i32
    %add3A_330 = arith.addi %add3A_329, %mul3A_328 : i32
    %run_scoped3A_331 = arith.constant 8 : i32
    "tpu.region"() ({
      %run_scoped3A_352 = tpu.sem_alloc : memref<!tpu.dma_semaphore, #tpu.memory_space<semaphore_mem>>
      %dma_start3A_353 = arith.constant 0 : i32
      %dma_start3A_354 = arith.constant 0 : i32
      %dma_start3A_355 = tpu.memref_slice %arg6[%run_scoped3A_331, %dma_start3A_353, %dma_start3A_354] : memref<10x128x64xf32, #tpu.memory_space<vmem>> -> memref<1x128x64xf32, #tpu.memory_space<vmem>>
      %dma_start3A_356 = tpu.memref_squeeze %dma_start3A_355 : memref<1x128x64xf32, #tpu.memory_space<vmem>> -> memref<128x64xf32, #tpu.memory_space<vmem>>
      %dma_start3A_357 = arith.constant 0 : i32
      %dma_start3A_358 = tpu.memref_slice %arg4[%add3A_330, %dma_start3A_357] : memref<204800x64xf32, #tpu.memory_space<hbm>> -> memref<128x64xf32, #tpu.memory_space<hbm>>
      %dma_start3A_359 = arith.constant 0 : i32
      %dma_start3A_360 = tpu.memref_slice %arg4[%add3A_330, %dma_start3A_359] : memref<204800x64xf32, #tpu.memory_space<hbm>> -> memref<128x64xf32, #tpu.memory_space<hbm>>
      %dma_start3A_361 = arith.constant 0 : i32
      %dma_start3A_362 = arith.constant 0 : i32
      %dma_start3A_363 = tpu.memref_slice %arg6[%run_scoped3A_331, %dma_start3A_361, %dma_start3A_362] : memref<10x128x64xf32, #tpu.memory_space<vmem>> -> memref<1x128x64xf32, #tpu.memory_space<vmem>>
      %dma_start3A_364 = tpu.memref_squeeze %dma_start3A_363 : memref<1x128x64xf32, #tpu.memory_space<vmem>> -> memref<128x64xf32, #tpu.memory_space<vmem>>
      tpu.enqueue_dma source(%dma_start3A_364 : memref<128x64xf32, #tpu.memory_space<vmem>>) target(%dma_start3A_360 : memref<128x64xf32, #tpu.memory_space<hbm>>) target_semaphore(%run_scoped3A_352 : memref<!tpu.dma_semaphore, #tpu.memory_space<semaphore_mem>>)
      %dma_wait3A_365 = arith.constant 0 : i32
      %dma_wait3A_366 = arith.constant 0 : i32
      %dma_wait3A_367 = tpu.memref_slice %arg6[%run_scoped3A_331, %dma_wait3A_365, %dma_wait3A_366] : memref<10x128x64xf32, #tpu.memory_space<vmem>> -> memref<1x128x64xf32, #tpu.memory_space<vmem>>
      %dma_wait3A_368 = tpu.memref_squeeze %dma_wait3A_367 : memref<1x128x64xf32, #tpu.memory_space<vmem>> -> memref<128x64xf32, #tpu.memory_space<vmem>>
      %dma_wait3A_369 = arith.constant 0 : i32
      %dma_wait3A_370 = tpu.memref_slice %arg4[%add3A_330, %dma_wait3A_369] : memref<204800x64xf32, #tpu.memory_space<hbm>> -> memref<128x64xf32, #tpu.memory_space<hbm>>
      %dma_wait3A_371 = arith.constant 0 : i32
      %dma_wait3A_372 = tpu.memref_slice %arg4[%add3A_330, %dma_wait3A_371] : memref<204800x64xf32, #tpu.memory_space<hbm>> -> memref<128x64xf32, #tpu.memory_space<hbm>>
      %dma_wait3A_373 = arith.constant 0 : i32
      %dma_wait3A_374 = arith.constant 0 : i32
      %dma_wait3A_375 = tpu.memref_slice %arg6[%run_scoped3A_331, %dma_wait3A_373, %dma_wait3A_374] : memref<10x128x64xf32, #tpu.memory_space<vmem>> -> memref<1x128x64xf32, #tpu.memory_space<vmem>>
      %dma_wait3A_376 = tpu.memref_squeeze %dma_wait3A_375 : memref<1x128x64xf32, #tpu.memory_space<vmem>> -> memref<128x64xf32, #tpu.memory_space<vmem>>
      tpu.wait_dma2 semaphore(%run_scoped3A_352 : memref<!tpu.dma_semaphore, #tpu.memory_space<semaphore_mem>>) src(%dma_wait3A_376 : memref<128x64xf32, #tpu.memory_space<vmem>>) dst(%dma_wait3A_372 : memref<128x64xf32, #tpu.memory_space<hbm>>)
      tpu.yield
    }) : () -> ()
    %dma_wait3A_332 = arith.constant 49 : i32
    %dma_wait3A_333 = arith.constant 9 : i32
    %dma_wait3A_334 = arith.constant 9 : i32
    %dma_wait3A_335 = arith.constant 0 : i32
    %dma_wait3A_336 = arith.constant 0 : i32
    %dma_wait3A_337 = tpu.memref_slice %arg6[%dma_wait3A_333, %dma_wait3A_335, %dma_wait3A_336] : memref<10x128x64xf32, #tpu.memory_space<vmem>> -> memref<1x128x64xf32, #tpu.memory_space<vmem>>
    %dma_wait3A_338 = tpu.memref_squeeze %dma_wait3A_337 : memref<1x128x64xf32, #tpu.memory_space<vmem>> -> memref<128x64xf32, #tpu.memory_space<vmem>>
    %dma_wait3A_339 = arith.constant 0 : i32
    %dma_wait3A_340 = tpu.memref_slice %arg5[%dma_wait3A_332, %dma_wait3A_339] : memref<50x128xi32, #tpu.memory_space<vmem>> -> memref<1x128xi32, #tpu.memory_space<vmem>>
    %dma_wait3A_341 = tpu.memref_squeeze %dma_wait3A_340 : memref<1x128xi32, #tpu.memory_space<vmem>> -> memref<128xi32, #tpu.memory_space<vmem>>
    %dma_wait3A_342 = arith.constant 0 : i32
    %dma_wait3A_343 = arith.constant 0 : i32
    %dma_wait3A_344 = tpu.memref_slice %arg2[%dma_wait3A_342, %dma_wait3A_343] : memref<100000x64xf32, #tpu.memory_space<hbm>> -> memref<100000x64xf32, #tpu.memory_space<hbm>>
    %dma_wait3A_345 = tpu.memref_slice %arg7[%dma_wait3A_334] : memref<10x!tpu.dma_semaphore, #tpu.memory_space<semaphore_mem>> -> memref<1x!tpu.dma_semaphore, #tpu.memory_space<semaphore_mem>>
    %dma_wait3A_346 = tpu.memref_squeeze %dma_wait3A_345 : memref<1x!tpu.dma_semaphore, #tpu.memory_space<semaphore_mem>> -> memref<!tpu.dma_semaphore, #tpu.memory_space<semaphore_mem>>
    tpu.wait_indirect_dma semaphore(%dma_wait3A_346 : memref<!tpu.dma_semaphore, #tpu.memory_space<semaphore_mem>>) src(%dma_wait3A_344 : memref<100000x64xf32, #tpu.memory_space<hbm>>) dst(%dma_wait3A_338 : memref<128x64xf32, #tpu.memory_space<vmem>>)
    %mul3A_347 = arith.constant 128 : i32
    %mul3A_348 = arith.muli %add3A, %mul3A_347 : i32
    %add3A_349 = arith.constant 200704 : i32
    %add3A_350 = arith.addi %add3A_349, %mul3A_348 : i32
    %run_scoped3A_351 = arith.constant 9 : i32
    "tpu.region"() ({
      %run_scoped3A_352 = tpu.sem_alloc : memref<!tpu.dma_semaphore, #tpu.memory_space<semaphore_mem>>
      %dma_start3A_353 = arith.constant 0 : i32
      %dma_start3A_354 = arith.constant 0 : i32
      %dma_start3A_355 = tpu.memref_slice %arg6[%run_scoped3A_351, %dma_start3A_353, %dma_start3A_354] : memref<10x128x64xf32, #tpu.memory_space<vmem>> -> memref<1x128x64xf32, #tpu.memory_space<vmem>>
      %dma_start3A_356 = tpu.memref_squeeze %dma_start3A_355 : memref<1x128x64xf32, #tpu.memory_space<vmem>> -> memref<128x64xf32, #tpu.memory_space<vmem>>
      %dma_start3A_357 = arith.constant 0 : i32
      %dma_start3A_358 = tpu.memref_slice %arg4[%add3A_350, %dma_start3A_357] : memref<204800x64xf32, #tpu.memory_space<hbm>> -> memref<128x64xf32, #tpu.memory_space<hbm>>
      %dma_start3A_359 = arith.constant 0 : i32
      %dma_start3A_360 = tpu.memref_slice %arg4[%add3A_350, %dma_start3A_359] : memref<204800x64xf32, #tpu.memory_space<hbm>> -> memref<128x64xf32, #tpu.memory_space<hbm>>
      %dma_start3A_361 = arith.constant 0 : i32
      %dma_start3A_362 = arith.constant 0 : i32
      %dma_start3A_363 = tpu.memref_slice %arg6[%run_scoped3A_351, %dma_start3A_361, %dma_start3A_362] : memref<10x128x64xf32, #tpu.memory_space<vmem>> -> memref<1x128x64xf32, #tpu.memory_space<vmem>>
      %dma_start3A_364 = tpu.memref_squeeze %dma_start3A_363 : memref<1x128x64xf32, #tpu.memory_space<vmem>> -> memref<128x64xf32, #tpu.memory_space<vmem>>
      tpu.enqueue_dma source(%dma_start3A_364 : memref<128x64xf32, #tpu.memory_space<vmem>>) target(%dma_start3A_360 : memref<128x64xf32, #tpu.memory_space<hbm>>) target_semaphore(%run_scoped3A_352 : memref<!tpu.dma_semaphore, #tpu.memory_space<semaphore_mem>>)
      %dma_wait3A_365 = arith.constant 0 : i32
      %dma_wait3A_366 = arith.constant 0 : i32
      %dma_wait3A_367 = tpu.memref_slice %arg6[%run_scoped3A_351, %dma_wait3A_365, %dma_wait3A_366] : memref<10x128x64xf32, #tpu.memory_space<vmem>> -> memref<1x128x64xf32, #tpu.memory_space<vmem>>
      %dma_wait3A_368 = tpu.memref_squeeze %dma_wait3A_367 : memref<1x128x64xf32, #tpu.memory_space<vmem>> -> memref<128x64xf32, #tpu.memory_space<vmem>>
      %dma_wait3A_369 = arith.constant 0 : i32
      %dma_wait3A_370 = tpu.memref_slice %arg4[%add3A_350, %dma_wait3A_369] : memref<204800x64xf32, #tpu.memory_space<hbm>> -> memref<128x64xf32, #tpu.memory_space<hbm>>
      %dma_wait3A_371 = arith.constant 0 : i32
      %dma_wait3A_372 = tpu.memref_slice %arg4[%add3A_350, %dma_wait3A_371] : memref<204800x64xf32, #tpu.memory_space<hbm>> -> memref<128x64xf32, #tpu.memory_space<hbm>>
      %dma_wait3A_373 = arith.constant 0 : i32
      %dma_wait3A_374 = arith.constant 0 : i32
      %dma_wait3A_375 = tpu.memref_slice %arg6[%run_scoped3A_351, %dma_wait3A_373, %dma_wait3A_374] : memref<10x128x64xf32, #tpu.memory_space<vmem>> -> memref<1x128x64xf32, #tpu.memory_space<vmem>>
      %dma_wait3A_376 = tpu.memref_squeeze %dma_wait3A_375 : memref<1x128x64xf32, #tpu.memory_space<vmem>> -> memref<128x64xf32, #tpu.memory_space<vmem>>
      tpu.wait_dma2 semaphore(%run_scoped3A_352 : memref<!tpu.dma_semaphore, #tpu.memory_space<semaphore_mem>>) src(%dma_wait3A_376 : memref<128x64xf32, #tpu.memory_space<vmem>>) dst(%dma_wait3A_372 : memref<128x64xf32, #tpu.memory_space<hbm>>)
      tpu.yield
    }) : () -> ()
    return
  }
}

</mosaic_0001>

<sc_bundles>
// kernel: kernel.3.cloned.1.call-start
scs
__scs_entry_jumppad:
0x0: {  	(pc) =	sbr.rel $0x88, $3  }
0x1: {  	(tag) =	ssettag $0x0;
	lr =	simm.s32 $0x1  }
0x2: {  	[smem:$0x3F9F] =	sst lr;
	_ =	strace $0xD0000000  }
0x3: {  	_ = 	snop  }
0x4: {  	_ = 	snop  }
0x5: {  	_ = 	snop  }
0x6: {  	_ = 	snop  }
0x7: {  	_ = 	snop  }
__scs_overlays_trampoline_lowered:
0x8: {  	[smem:$0x3FAE] =	sst s0  }
0x9: {  	[smem:$0x3FAF] =	sst s1  }
0xa: {  	[smem:$0x3FB0] =	sst s2  }
0xb: {  	[smem:$0x3FB1] =	sst s3  }
0xc: {  	[smem:$0x3FB2] =	sst s4  }
0xd: {  	[smem:$0x3FB3] =	sst s5  }
0xe: {  	[smem:$0x3FB4] =	sst s6  }
0xf: {  	[smem:$0x3FB5] =	sst s7  }
0x10: {  	[smem:$0x3FB6] =	sst s8  }
0x11: {  	[smem:$0x3FB7] =	sst s9;
	s0 =	simm.s32 @!p0 $0x0  }
0x12: {  	s1 =	sld [smem:$0x3F9D];
	s0 =	simm.s32 @p0 $0x1  }
0x13: {  	[smem:$0x3FB8] =	sst s0;
	s0 =	simm.s32 @!p1 $0x0  }
0x14: {  	s2 =	sld [smem:$0x3F9C];
	s0 =	simm.s32 @p1 $0x1  }
0x15: {  	[smem:$0x3FB9] =	sst s0;
	s0 =	simm.s32 @!p2 $0x0  }
0x16: {  	s3 =	sld [smem:$0x3FDB];
	s0 =	simm.s32 @p2 $0x1  }
0x17: {  	s4 =	simm.s32 $0x1BF5;
	[smem:$0x3FBB] =	sst s0  }
0x18: {  	s0 =	sld [smem:$0x3F9E];
	_ =	swait.ge [sflag:s4], $0x0  }
0x19: {  	s7 =	sld [smem:$0x3F9F]  }
0x1a: {  	s8 =	sadd.s32 $0xFFFFE003, lr  }
0x1b: {  	s9 =	sadd.s32 $0xFFFFFEF7, lr;
	s5 =	simm.s32 $0xFFFFFFFF;
	p2 =	slt.u32 s8, $0xFFFFF086  }
0x1c: {  	p1 =	slt.u32 s9, $0xF7A;
	s5 =	simm.s32 @!p2 $0x0  }
0x1d: {  	s5 =	simm.s32 @p1 $0x1;
	p0 =	seq.s32 s7, s2  }
0x1e: {  	s7 =	smul.u32 @!p0 $0xF7A, s2;
	p2 =	seq.s32 @!p0 s5, $0x0  }
0x1f: {  	s9 =	smul.u32 $0xF7A, s1;
	s8 =	simm.s32 @!p0 $0x1BF5;
	p2 =	por !p2, p0  }
0x20: {  	[sflag:s8] =	ssyncset.s32 @!p0 $0xFFFFF086;
	s6 =	sadd.s32 @!p0 s3, s7;
	s7 =	simm.s32 @!p0 $0x108  }
0x21: {  	s3 =	sadd.s32 s3, s9;
	s6 =	sadd.s32 @!p0 $0x88, s6;
	s7 =	simm.s32 @p2 $0x1082  }
0x22: {  	[simem:s7], [sflag:s8] =	dma.local @!p0 [hbm:s6], $0xF7A  }
0x23: {  	s9 =	sor.u32 $0xD0000000, s2;
	s6 =	simm.s32 $0x108;
	_ =	swait.ge @!p0 [sflag:s8], $0x0  }
0x24: {  	s3 =	sadd.s32 $0x88, s3;
	s6 =	simm.s32 @!p1 $0x1082;
	[sflag:s4] =	ssyncset.s32 $0xFFFFF086  }
0x25: {  	[simem:s6], [sflag:s4] =	dma.local [hbm:s3], $0xF7A  }
0x26: {  	[smem:$0x3F9F] =	sst s1;
	(tag) =	ssettag s2;
	_ =	strace s9  }
0x27: {  	s1 =	sld [smem:$0x3FAF]  }
0x28: {  	s2 =	sld [smem:$0x3FB0]  }
0x29: {  	s4 =	sld [smem:$0x3FB2]  }
0x2a: {  	p0 =	seq.s32 s5, $0x0;
	s5 =	sld [smem:$0x3FB3]  }
0x2b: {  	s6 =	sld [smem:$0x3FB4]  }
0x2c: {  	s7 =	sld [smem:$0x3FB5]  }
0x2d: {  	s3 =	simm.s32 $0x108;
	s8 =	sld [smem:$0x3FB6]  }
0x2e: {  	s3 =	simm.s32 @!p0 $0x1082;
	s9 =	sld [smem:$0x3FB7]  }
0x2f: {  	lr =	sadd.s32 s0, s3;
	s0 =	sld [smem:$0x3FAE]  }
0x30: {  	s3 =	sld [smem:$0x3FB1]  }
0x31: {  	[smem:$0x3FBA] =	sst s10  }
0x32: {  	s10 =	sld [smem:$0x3FB8];
	_ =	sdelay $0x3  }
0x33: {  	p0 =	seq.s32 s10, $0x1;
	s10 =	sld [smem:$0x3FBA];
	_ =	sdelay $0x3  }
0x34: {  	[smem:$0x3FBA] =	sst s10  }
0x35: {  	s10 =	sld [smem:$0x3FB9];
	_ =	sdelay $0x3  }
0x36: {  	p1 =	seq.s32 s10, $0x1;
	s10 =	sld [smem:$0x3FBA];
	_ =	sdelay $0x3  }
0x37: {  	[smem:$0x3FBA] =	sst s10  }
0x38: {  	s10 =	sld [smem:$0x3FBB]  }
0x39: {  	_ = 	snop;
	(pc) =	sbr.ind lr, $3  }
0x3a: {  	_ = 	snop  }
0x3b: {  	_ = 	snop  }
0x3c: {  	p2 =	seq.s32 s10, $0x1;
	s10 =	sld [smem:$0x3FBA]  }
0x3d: {  	_ =	shalt  }
0x3e: {  	_ =	shalt  }
0x3f: {  	_ =	shalt  }
0x40: {  	_ =	shalt  }
0x41: {  	_ =	shalt  }
0x42: {  	_ =	shalt  }
0x43: {  	_ =	shalt  }
0x44: {  	_ =	shalt  }
0x45: {  	_ =	shalt  }
0x46: {  	_ =	shalt  }
0x47: {  	_ =	shalt  }
0x48: {  	_ =	shalt  }
0x49: {  	_ =	shalt  }
0x4a: {  	_ =	shalt  }
0x4b: {  	_ =	shalt  }
0x4c: {  	_ =	shalt  }
0x4d: {  	_ =	shalt  }
0x4e: {  	_ =	shalt  }
0x4f: {  	_ =	shalt  }
0x50: {  	_ =	shalt  }
0x51: {  	_ =	shalt  }
0x52: {  	_ =	shalt  }
0x53: {  	_ =	shalt  }
0x54: {  	_ =	shalt  }
0x55: {  	_ =	shalt  }
0x56: {  	_ =	shalt  }
0x57: {  	_ =	shalt  }
0x58: {  	_ =	shalt  }
0x59: {  	_ =	shalt  }
0x5a: {  	_ =	shalt  }
0x5b: {  	_ =	shalt  }
0x5c: {  	_ =	shalt  }
0x5d: {  	_ =	shalt  }
0x5e: {  	_ =	shalt  }
0x5f: {  	_ =	shalt  }
0x60: {  	_ =	shalt  }
0x61: {  	_ =	shalt  }
0x62: {  	_ =	shalt  }
0x63: {  	_ =	shalt  }
0x64: {  	_ =	shalt  }
0x65: {  	_ =	shalt  }
0x66: {  	_ =	shalt  }
0x67: {  	_ =	shalt  }
0x68: {  	_ =	shalt  }
0x69: {  	_ =	shalt  }
0x6a: {  	_ =	shalt  }
0x6b: {  	_ =	shalt  }
0x6c: {  	_ =	shalt  }
0x6d: {  	_ =	shalt  }
0x6e: {  	_ =	shalt  }
0x6f: {  	_ =	shalt  }
0x70: {  	_ =	shalt  }
0x71: {  	_ =	shalt  }
0x72: {  	_ =	shalt  }
0x73: {  	_ =	shalt  }
0x74: {  	_ =	shalt  }
0x75: {  	_ =	shalt  }
0x76: {  	_ =	shalt  }
0x77: {  	_ =	shalt  }
0x78: {  	_ =	shalt  }
0x79: {  	_ =	shalt  }
0x7a: {  	_ =	shalt  }
0x7b: {  	_ =	shalt  }
0x7c: {  	_ =	shalt  }
0x7d: {  	_ =	shalt  }
0x7e: {  	_ =	shalt  }
0x7f: {  	_ =	shalt  }
0x80: {  	_ =	shalt  }
0x81: {  	_ =	shalt  }
0x82: {  	_ =	shalt  }
0x83: {  	_ =	shalt  }
0x84: {  	_ =	shalt  }
0x85: {  	_ =	shalt  }
0x86: {  	_ =	shalt  }
0x87: {  	_ =	shalt  }
.Lfunc_end0:
.L_simem_size_0:
called_computation.1_lowered:
.L_overlay_start_0:
0x88: {  	s2 =	sld [smem:$0x3FD9]  }
0x89: {  	s3 =	sld [smem:$0x3FFE];
	_ =	sdelay $0x1  }
0x8a: {  	s1 =	srdreg.scid  }
0x8b: {  	s0 =	sand.u32 $0x1, s1  }
0x8c: {  	s17 =	sshll.u32 s0, $0xA;
	s2 =	sadd.s32 s3, s2  }
0x8d: {  	s2 =	sadd.s32 s2, s17  }
0x8e: {  	[smem:$0x3FC6] =	sst s2  }
0x8f: {  	_ = 	snop  }
0x90: {  	s2 =	sld [smem:$0x3FD0];
	(tm) =	ssettm $0x1  }
0x91: {  	s18 =	sld [smem:$0x3FFB];
	_ =	sdelay $0x3  }
0x92: {  	_ =	strace s18  }
0x93: {  	s3 =	sld [smem:$0x3FFC];
	_ =	sdelay $0x3  }
0x94: {  	_ =	strace s3  }
0x95: {  	s3 =	sld [smem:$0x3FFD];
	_ =	sdelay $0x3  }
0x96: {  	_ =	strace s3  }
0x97: {  	_ =	strace $0x8FFFFFFF  }
0x98: {  	s19 =	sld [smem:$0x3FDB];
	_ =	sdelay $0x1  }
0x99: {  	s4 =	simm.s32 $_scs_section_size  }
0x9a: {  	s5 =	simm.s32 $_size__tile_overlayer_lowered;
	s6 =	simm.s32 $_tile_overlayer_lowered  }
0x9b: {  	s22 =	simm.s32 $0x1BFF;
	s21 =	sshll.u32 s6, $0x1;
	s3 =	sadd.s32 s4, s19  }
0x9c: {  	s7 =	simm.s32 $0x0;
	s20 =	sshll.u32 s5, $0x1;
	s5 =	sadd.s32 s21, s3  }
0x9d: {  	[timem:s7], [sflag:s22] =	dma.local [hbm:s5], s20  }
0x9e: {  	_ =	swait.ge [sflag:s22], s20  }
0x9f: {  	s4 =	ssub.s32 $0x0, s20;
	[sflag:s22] =	ssyncset.done $0x0  }
0xa0: {  	[sflag:s22] =	ssyncadd.s32 s4;
	_ =	sdelay $0x1  }
0xa1: {  	s23 =	simm.s32 $0x1B8B  }
0xa2: {  	_ =	swait.ge [sflag:s23], $0x1  }
0xa3: {  	[sflag:s23] =	ssyncset.done $0x0  }
0xa4: {  	s25 =	simm.s32 $0x1B8E;
	s24 =	sld [smem:$0x3FFE];
	[sflag:s23] =	ssyncadd.s32 $0xFFFFFFFF  }
0xa5: {  	s26 =	simm.s32 $execute0_lowered;
	[smem:$0x3FD2] =	sst s25  }
0xa6: {  	s5 =	sshll.u32 s26, $0x1;
	_ =	strace $0x80000046;
	[dreg:$0x1] =	wrdreg $0xFFFFFFFF  }
0xa7: {  	s28 =	simm.s32 $_size_execute0_lowered;
	s3 =	sadd.s32 s3, s5;
	[dreg:$0x0] =	wrdreg $0x0  }
0xa8: {  	s5 =	sshll.u32 s28, $0x1;
	[dreg:$0x2] =	wrdreg s3  }
0xa9: {  	[dreg:$0x3] =	wrdreg s5  }
0xaa: {  	[dreg:$0x4] =	wrdreg $0xC0  }
0xab: {  	_ =	task [dreg:s7], $0x5FFFF  }
0xac: {  	[dreg:$0x1] =	wrdreg $0xFFFFFFFF  }
0xad: {  	[dreg:$0x0] =	wrdreg $0x60  }
0xae: {  	[dreg:$0x2] =	wrdreg s24  }
0xaf: {  	[dreg:$0x3] =	wrdreg s2  }
0xb0: {  	[dreg:$0x4] =	wrdreg $0x9  }
0xb1: {  	_ =	task.clear_ibuf [dreg:s7], $0x5FFFF;
	_ =	strace $0x90000046  }
0xb2: {  	s29 =	simm.s32 $0x9;
	_ =	strace $0x80000048  }
0xb3: {  	_ =	swait.ge [sflag:s29], $0x1  }
0xb4: {  	[sflag:s29] =	ssyncadd.s32 $0xFFFFFFFF  }
0xb5: {  	_ =	strace $0x90000048  }
0xb6: {  	_ =	sfence  }
0xb7: {  	s30 =	sld [smem:$0x0];
	_ =	sdelay $0x2  }
0xb8: {  	s31 =	sshll.u32 s1, $0xD;
	s1 =	sshrl.u32 s1, $0x2  }
0xb9: {  	s3 =	sand.u32 $0x4000, s31;
	s1 =	sadd.s32 s1, s30  }
0xba: {  	s0 =	sor.u32 s3, s0;
	s1 =	sshll.u32 s1, $0x11  }
0xbb: {  	s0 =	sor.u32 s1, s0  }
0xbc: {  	s0 =	sadd.s32 $0x8F2B, s0  }
0xbd: {  	[sflag:s0] =	ssyncadd.remote.s32 $0x1  }
0xbe: {  	_ =	sfence.sel $0xFFFF  }
0xbf: {  	[dreg:$0x0] =	wrdreg $0xFFFFFFFF;
	(pc) =	sbr.abs _section_cstart, $3  }
0xc0: {  	[dreg:$0x1] =	wrdreg $0xFFFFFFFF  }
0xc1: {  	_ =	task.clear_ibuf [dreg:s7], $0x2FFFF;
	_ =	strace $0x9FFFFFFF  }
0xc2: {  	(tm) =	ssettm $0x7FFFFFFF  }
0xc3: {  	_ =	shalt  }
tec
execute0_lowered:
.L_overlay_start_1:
0x0: {  	(tag) =	ssettag $0x1  }
0x1: {  	s1 =	srdreg.scid;
	s8 =	stileid.u32  }
0x2: {  	s0 =	rddreg [dreg:$0x0];
	s1 =	sand.u32 $0x1, s1;
	s3 =	sshll.u32 s8, $0x1  }
0x3: {  	s4 =	rddreg [dreg:$0x1];
	s2 =	simm.s32 $0x0;
	s5 =	sor.u32 s1, s3  }
0x4: {  	[smem:$0x7FF] =	sst s2;
	s6 =	smul.u32 $0x320, s5;
	s5 =	sshll.u32 s5, $0xA  }
0x5: {  	s9 =	sadd.s32 $0x8000, s4;
	s10 =	sshll.u32 s8, $0xB;
	s11 =	sadd.s32 s5, s4  }
0x6: {  	_ =	strace $0x80000047;
	[dreg:$0x3] =	wrdreg s9;
	s5 =	sadd.s32 $0x140000, s11  }
0x7: {  	s7 =	ssub.s32 $0x2, s1;
	s12 =	sadd.s32 $0x148000, s11;
	[dreg:$0xe] =	wrdreg s5  }
0x8: {  	s1 =	sshll.u32 s1, $0xA;
	s14 =	sadd.s32 $0x150000, s11;
	[dreg:$0xf] =	wrdreg s12  }
0x9: {  	s31 =	sor.u32 s1, s10;
	s15 =	sadd.s32 $0x158000, s11;
	[dreg:$0x10] =	wrdreg s14  }
0xa: {  	s13 =	sadd.s32 s31, s4;
	s9 =	sadd.s32 $0x160000, s11;
	[dreg:$0x11] =	wrdreg s15  }
0xb: {  	s16 =	sadd.s32 $0x48000, s13;
	[dreg:$0x12] =	wrdreg s9  }
0xc: {  	s18 =	sadd.s32 $0x168000, s11;
	[dreg:$0x4] =	wrdreg s16  }
0xd: {  	s17 =	sadd.s32 $0x40000, s13;
	[dreg:$0x13] =	wrdreg s18  }
0xe: {  	s20 =	sadd.s32 $0x170000, s11;
	[dreg:$0x5] =	wrdreg s17  }
0xf: {  	s3 =	sadd.s32 $0x6C00, s0;
	s19 =	sadd.s32 $0x38000, s13;
	[dreg:$0x14] =	wrdreg s20  }
0x10: {  	s30 =	sshrl.u32 s7, $0x1;
	s22 =	sadd.s32 $0x178000, s11;
	[dreg:$0x6] =	wrdreg s19  }
0x11: {  	s4 =	sadd.s32 s10, s4;
	s21 =	sadd.s32 $0x30000, s13;
	[dreg:$0x15] =	wrdreg s22  }
0x12: {  	s10 =	simm.s32 $0xA;
	s24 =	sadd.s32 $0x180000, s11;
	[dreg:$0x7] =	wrdreg s21  }
0x13: {  	s0 =	sadd.s32 s6, s0;
	s23 =	sadd.s32 $0x28000, s13;
	[dreg:$0x16] =	wrdreg s24  }
0x14: {  	s6 =	ssub.s32 s7, s30;
	s25 =	sadd.s32 $0x20000, s13;
	[dreg:$0x8] =	wrdreg s23  }
0x15: {  	s26 =	sadd.s32 $0x18000, s13;
	s28 =	sadd.s32 $0x10000, s13;
	[dreg:$0x9] =	wrdreg s25  }
0x16: {  	s30 =	sadd.s32 s1, s4;
	s13 =	simm.s32 $0xD;
	[dreg:$0xa] =	wrdreg s26  }
0x17: {  	s1 =	simm.s32 $0x0;
	s0 =	sadd.s32 $0x800, s0;
	[dreg:$0xb] =	wrdreg s28  }
0x18: {  	s29 =	smax.u32 s6, $0x1;
	[dreg:$0xc] =	wrdreg s30;
	s24 =	simm.s32 $0x15  }
0x19: {  	s18 =	simm.s32 $0x80;
	s9 =	simm.s32 $0x9;
	s12 =	simm.s32 $0xC  }
0x1a: {  	s14 =	simm.s32 $0xE;
	s15 =	simm.s32 $0xF;
	s16 =	simm.s32 $0x10  }
0x1b: {  	s17 =	simm.s32 $0x11;
	s5 =	simm.s32 $0x12;
	[dreg:$0xd] =	wrdreg s0  }
0x1c: {  	s19 =	simm.s32 $0x13;
	s0 =	sadd.s32 $0x188000, s11;
	[dreg:$0x18] =	wrdreg s29  }
0x1d: {  	s20 =	simm.s32 $0x14;
	s11 =	simm.s32 $0xB;
	[dreg:$0x17] =	wrdreg s0  }
.LBB2_1:
0x1e: {  	[dreg:$0x19] =	wrdreg s1  }
0x1f: {  	s22 =	rddreg [dreg:$0xd]  }
0x20: {  	[tilespmem:s2], [sflag:$0x15] =	stream.linear.gather [hbm4b:s22+s2], $0x1900, $0x38;
	[tilespmem:$0x15900] =	vst v63  }
0x21: {  	_ =	swait.ge [sflag:s24], $0x1900  }
0x22: {  	[sflag:s24] =	ssyncset.done $0x0  }
0x23: {  	s0 =	simm.s32 $0x1900;
	[sflag:s24] =	ssyncadd.s32 $0xFFFFE700  }
0x24: {  	[tilespmem:s0], [sflag:$0x1] =	stream.indirect.gather [hbm4b:s3+s18], $0x40, s2, s18, $0xb8;
	[tilespmem:$0x15900] =	vst v63  }
0x25: {  	s23 =	simm.s32 $0x3900  }
0x26: {  	[tilespmem:s23], [sflag:$0x2] =	stream.indirect.gather [hbm4b:s3+s18], $0x40, s18, s18, $0xb8;
	[tilespmem:$0x15900] =	vst v63  }
0x27: {  	s29 =	simm.s32 $0x100;
	s1 =	simm.s32 $0x5900  }
0x28: {  	[tilespmem:s1], [sflag:$0x3] =	stream.indirect.gather [hbm4b:s3+s18], $0x40, s29, s18, $0xb8;
	[tilespmem:$0x15900] =	vst v63  }
0x29: {  	s30 =	simm.s32 $0x180;
	s21 =	simm.s32 $0x7900  }
0x2a: {  	[tilespmem:s21], [sflag:$0x4] =	stream.indirect.gather [hbm4b:s3+s18], $0x40, s30, s18, $0xb8;
	[tilespmem:$0x15900] =	vst v63  }
0x2b: {  	s4 =	simm.s32 $0x200;
	s25 =	simm.s32 $0x9900  }
0x2c: {  	[tilespmem:s25], [sflag:$0x5] =	stream.indirect.gather [hbm4b:s3+s18], $0x40, s4, s18, $0xb8;
	[tilespmem:$0x15900] =	vst v63  }
0x2d: {  	s6 =	simm.s32 $0x280;
	s4 =	simm.s32 $0xB900  }
0x2e: {  	[tilespmem:s4], [sflag:$0x6] =	stream.indirect.gather [hbm4b:s3+s18], $0x40, s6, s18, $0xb8;
	[tilespmem:$0x15900] =	vst v63  }
0x2f: {  	s7 =	simm.s32 $0x300;
	s6 =	simm.s32 $0xD900  }
0x30: {  	[tilespmem:s6], [sflag:$0x7] =	stream.indirect.gather [hbm4b:s3+s18], $0x40, s7, s18, $0xb8;
	[tilespmem:$0x15900] =	vst v63  }
0x31: {  	s8 =	simm.s32 $0x380;
	s26 =	simm.s32 $0xF900  }
0x32: {  	[tilespmem:s26], [sflag:$0x8] =	stream.indirect.gather [hbm4b:s3+s18], $0x40, s8, s18, $0xb8;
	[tilespmem:$0x15900] =	vst v63  }
0x33: {  	s28 =	simm.s32 $0x11900;
	s7 =	simm.s32 $0x400  }
0x34: {  	[tilespmem:s28], [sflag:$0x9] =	stream.indirect.gather [hbm4b:s3+s18], $0x40, s7, s18, $0xb8;
	[tilespmem:$0x15900] =	vst v63  }
0x35: {  	s24 =	simm.s32 $0x480;
	s29 =	simm.s32 $0x1;
	s8 =	simm.s32 $0x13900  }
0x36: {  	[tilespmem:s8], [sflag:$0xA] =	stream.indirect.gather [hbm4b:s3+s18], $0x40, s24, s18, $0xb8;
	[tilespmem:$0x15900] =	vst v63  }
0x37: {  	_ =	swait.ge [sflag:s29], $0x2000  }
0x38: {  	s30 =	rddreg [dreg:$0xc];
	[sflag:s29] =	ssyncset.done $0x0  }
0x39: {  	[sflag:s29] =	ssyncadd.s32 $0xFFFFE000;
	s22 =	sadd.s32 $0x0, s30  }
0x3a: {  	[hbm4b:s22+s2] =	stream.linear.scatter [tilespmem:s0], [sflag:$0xB], $0x2000, $0x38;
	[tilespmem:$0x15900] =	vst v63  }
0x3b: {  	s22 =	simm.s32 $0x2  }
0x3c: {  	s30 =	sadd.s32 $0x0, s31;
	_ =	swait.ge [sflag:s22], $0x2000  }
0x3d: {  	s24 =	sand.u32 $0x1FFF7C00, s30;
	s29 =	rddreg [dreg:$0x3];
	[sflag:s22] =	ssyncset.done $0x0  }
0x3e: {  	[sflag:s22] =	ssyncadd.s32 $0xFFFFE000;
	s22 =	sadd.s32 s24, s29  }
0x3f: {  	[hbm4b:s22+s2] =	stream.linear.scatter [tilespmem:s23], [sflag:$0xC], $0x2000, $0x38;
	[tilespmem:$0x15900] =	vst v63  }
0x40: {  	s22 =	simm.s32 $0x3  }
0x41: {  	_ =	swait.ge [sflag:s22], $0x2000  }
0x42: {  	s24 =	rddreg [dreg:$0xb];
	[sflag:s22] =	ssyncset.done $0x0  }
0x43: {  	s29 =	simm.s32 $0x4;
	[sflag:s22] =	ssyncadd.s32 $0xFFFFE000;
	s22 =	sadd.s32 $0x0, s24  }
0x44: {  	[hbm4b:s22+s2] =	stream.linear.scatter [tilespmem:s1], [sflag:$0xD], $0x2000, $0x38;
	[tilespmem:$0x15900] =	vst v63  }
0x45: {  	_ =	swait.ge [sflag:s29], $0x2000  }
0x46: {  	s30 =	rddreg [dreg:$0xa];
	[sflag:s29] =	ssyncset.done $0x0  }
0x47: {  	[sflag:s29] =	ssyncadd.s32 $0xFFFFE000;
	s22 =	sadd.s32 $0x0, s30  }
0x48: {  	[hbm4b:s22+s2] =	stream.linear.scatter [tilespmem:s21], [sflag:$0xE], $0x2000, $0x38;
	[tilespmem:$0x15900] =	vst v63  }
0x49: {  	s22 =	simm.s32 $0x5  }
0x4a: {  	_ =	swait.ge [sflag:s22], $0x2000  }
0x4b: {  	s24 =	rddreg [dreg:$0x9];
	[sflag:s22] =	ssyncset.done $0x0  }
0x4c: {  	s29 =	simm.s32 $0x6;
	[sflag:s22] =	ssyncadd.s32 $0xFFFFE000;
	s22 =	sadd.s32 $0x0, s24  }
0x4d: {  	[hbm4b:s22+s2] =	stream.linear.scatter [tilespmem:s25], [sflag:$0xF], $0x2000, $0x38;
	[tilespmem:$0x15900] =	vst v63  }
0x4e: {  	_ =	swait.ge [sflag:s29], $0x2000  }
0x4f: {  	s30 =	rddreg [dreg:$0x8];
	[sflag:s29] =	ssyncset.done $0x0  }
0x50: {  	[sflag:s29] =	ssyncadd.s32 $0xFFFFE000;
	s22 =	sadd.s32 $0x0, s30  }
0x51: {  	[hbm4b:s22+s2] =	stream.linear.scatter [tilespmem:s4], [sflag:$0x10], $0x2000, $0x38;
	[tilespmem:$0x15900] =	vst v63  }
0x52: {  	s22 =	simm.s32 $0x7  }
0x53: {  	_ =	swait.ge [sflag:s22], $0x2000  }
0x54: {  	s24 =	rddreg [dreg:$0x7];
	[sflag:s22] =	ssyncset.done $0x0  }
0x55: {  	s29 =	simm.s32 $0x8;
	[sflag:s22] =	ssyncadd.s32 $0xFFFFE000;
	s22 =	sadd.s32 $0x0, s24  }
0x56: {  	[hbm4b:s22+s2] =	stream.linear.scatter [tilespmem:s6], [sflag:$0x11], $0x2000, $0x38;
	[tilespmem:$0x15900] =	vst v63  }
0x57: {  	_ =	swait.ge [sflag:s29], $0x2000  }
0x58: {  	s30 =	rddreg [dreg:$0x6];
	[sflag:s29] =	ssyncset.done $0x0  }
0x59: {  	[sflag:s29] =	ssyncadd.s32 $0xFFFFE000;
	s22 =	sadd.s32 $0x0, s30  }
0x5a: {  	[hbm4b:s22+s2] =	stream.linear.scatter [tilespmem:s26], [sflag:$0x12], $0x2000, $0x38;
	[tilespmem:$0x15900] =	vst v63  }
0x5b: {  	_ =	swait.ge [sflag:s9], $0x2000  }
0x5c: {  	s24 =	rddreg [dreg:$0x5];
	[sflag:s9] =	ssyncset.done $0x0  }
0x5d: {  	[sflag:s9] =	ssyncadd.s32 $0xFFFFE000;
	s22 =	sadd.s32 $0x0, s24  }
0x5e: {  	[hbm4b:s22+s2] =	stream.linear.scatter [tilespmem:s28], [sflag:$0x13], $0x2000, $0x38;
	[tilespmem:$0x15900] =	vst v63  }
0x5f: {  	_ =	swait.ge [sflag:s10], $0x2000  }
0x60: {  	s29 =	rddreg [dreg:$0x4];
	[sflag:s10] =	ssyncset.done $0x0  }
0x61: {  	[sflag:s10] =	ssyncadd.s32 $0xFFFFE000;
	s22 =	sadd.s32 $0x0, s29  }
0x62: {  	[hbm4b:s22+s2] =	stream.linear.scatter [tilespmem:s8], [sflag:$0x14], $0x2000, $0x38;
	[tilespmem:$0x15900] =	vst v63  }
0x63: {  	_ =	swait.ge [sflag:s11], $0x2000  }
0x64: {  	[sflag:s11] =	ssyncset.done $0x0  }
0x65: {  	s30 =	simm.s32 $0x500;
	[sflag:s11] =	ssyncadd.s32 $0xFFFFE000  }
0x66: {  	[tilespmem:s0], [sflag:$0x1] =	stream.indirect.gather [hbm4b:s3+s18], $0x40, s30, s18, $0xb8;
	[tilespmem:$0x15900] =	vst v63  }
0x67: {  	_ =	swait.ge [sflag:s12], $0x2000  }
0x68: {  	[sflag:s12] =	ssyncset.done $0x0  }
0x69: {  	s0 =	simm.s32 $0x580;
	[sflag:s12] =	ssyncadd.s32 $0xFFFFE000  }
0x6a: {  	[tilespmem:s23], [sflag:$0x2] =	stream.indirect.gather [hbm4b:s3+s18], $0x40, s0, s18, $0xb8;
	[tilespmem:$0x15900] =	vst v63  }
0x6b: {  	_ =	swait.ge [sflag:s13], $0x2000  }
0x6c: {  	[sflag:s13] =	ssyncset.done $0x0  }
0x6d: {  	s7 =	simm.s32 $0x600;
	[sflag:s13] =	ssyncadd.s32 $0xFFFFE000  }
0x6e: {  	[tilespmem:s1], [sflag:$0x3] =	stream.indirect.gather [hbm4b:s3+s18], $0x40, s7, s18, $0xb8;
	[tilespmem:$0x15900] =	vst v63  }
0x6f: {  	_ =	swait.ge [sflag:s14], $0x2000  }
0x70: {  	[sflag:s14] =	ssyncset.done $0x0  }
0x71: {  	s8 =	simm.s32 $0x680;
	[sflag:s14] =	ssyncadd.s32 $0xFFFFE000  }
0x72: {  	[tilespmem:s21], [sflag:$0x4] =	stream.indirect.gather [hbm4b:s3+s18], $0x40, s8, s18, $0xb8;
	[tilespmem:$0x15900] =	vst v63  }
0x73: {  	_ =	swait.ge [sflag:s15], $0x2000  }
0x74: {  	[sflag:s15] =	ssyncset.done $0x0  }
0x75: {  	s23 =	simm.s32 $0x700;
	[sflag:s15] =	ssyncadd.s32 $0xFFFFE000  }
0x76: {  	[tilespmem:s25], [sflag:$0x5] =	stream.indirect.gather [hbm4b:s3+s18], $0x40, s23, s18, $0xb8;
	[tilespmem:$0x15900] =	vst v63  }
0x77: {  	_ =	swait.ge [sflag:s16], $0x2000  }
0x78: {  	[sflag:s16] =	ssyncset.done $0x0  }
0x79: {  	s24 =	simm.s32 $0x780;
	[sflag:s16] =	ssyncadd.s32 $0xFFFFE000  }
0x7a: {  	[tilespmem:s4], [sflag:$0x6] =	stream.indirect.gather [hbm4b:s3+s18], $0x40, s24, s18, $0xb8;
	[tilespmem:$0x15900] =	vst v63  }
0x7b: {  	_ =	swait.ge [sflag:s17], $0x2000  }
0x7c: {  	[sflag:s17] =	ssyncset.done $0x0  }
0x7d: {  	s25 =	simm.s32 $0x800;
	[sflag:s17] =	ssyncadd.s32 $0xFFFFE000  }
0x7e: {  	[tilespmem:s6], [sflag:$0x7] =	stream.indirect.gather [hbm4b:s3+s18], $0x40, s25, s18, $0xb8;
	[tilespmem:$0x15900] =	vst v63  }
0x7f: {  	_ =	swait.ge [sflag:s5], $0x2000  }
0x80: {  	[sflag:s5] =	ssyncset.done $0x0  }
0x81: {  	s29 =	simm.s32 $0x880;
	[sflag:s5] =	ssyncadd.s32 $0xFFFFE000  }
0x82: {  	[tilespmem:s26], [sflag:$0x8] =	stream.indirect.gather [hbm4b:s3+s18], $0x40, s29, s18, $0xb8;
	[tilespmem:$0x15900] =	vst v63  }
0x83: {  	_ =	swait.ge [sflag:s19], $0x2000  }
0x84: {  	[sflag:s19] =	ssyncset.done $0x0  }
0x85: {  	s30 =	simm.s32 $0x900;
	[sflag:s19] =	ssyncadd.s32 $0xFFFFE000  }
0x86: {  	[tilespmem:s28], [sflag:$0x9] =	stream.indirect.gather [hbm4b:s3+s18], $0x40, s30, s18, $0xb8;
	[tilespmem:$0x15900] =	vst v63  }
0x87: {  	_ =	swait.ge [sflag:s20], $0x2000  }
0x88: {  	s22 =	simm.s32 $0x1400;
	[sflag:s20] =	ssyncset.done $0x0  }
0x89: {  	s24 =	simm.s32 $0x50000;
	s26 =	simm.s32 $0x980;
	[sflag:s20] =	ssyncadd.s32 $0xFFFFE000  }
.LBB2_2:
0x8a: {  	s1 =	simm.s32 $0x13900;
	s0 =	simm.s32 $0x1  }
0x8b: {  	[tilespmem:s1], [sflag:$0xA] =	stream.indirect.gather [hbm4b:s3+s18], $0x40, s26, s18, $0xb8;
	[tilespmem:$0x15900] =	vst v63  }
0x8c: {  	_ =	swait.ge [sflag:s0], $0x2000  }
0x8d: {  	s23 =	simm.s32 $0x1900;
	s29 =	rddreg [dreg:$0xc];
	[sflag:s0] =	ssyncset.done $0x0  }
0x8e: {  	s4 =	simm.s32 $0x2;
	[sflag:s0] =	ssyncadd.s32 $0xFFFFE000;
	s29 =	sadd.s32 s24, s29  }
0x8f: {  	[hbm4b:s29+s2] =	stream.linear.scatter [tilespmem:s23], [sflag:$0xB], $0x2000, $0x38;
	[tilespmem:$0x15900] =	vst v63  }
0x90: {  	s6 =	sadd.s32 s24, s31;
	s7 =	simm.s32 $0x3;
	_ =	swait.ge [sflag:s4], $0x2000  }
0x91: {  	s0 =	sand.u32 $0x1FFF7C00, s6;
	s25 =	rddreg [dreg:$0x3];
	[sflag:s4] =	ssyncset.done $0x0  }
0x92: {  	[sflag:s4] =	ssyncadd.s32 $0xFFFFE000;
	s29 =	sadd.s32 s0, s25;
	s0 =	simm.s32 $0x3900  }
0x93: {  	[hbm4b:s29+s2] =	stream.linear.scatter [tilespmem:s0], [sflag:$0xC], $0x2000, $0x38;
	[tilespmem:$0x15900] =	vst v63  }
0x94: {  	_ =	swait.ge [sflag:s7], $0x2000  }
0x95: {  	s30 =	simm.s32 $0x5900;
	s8 =	rddreg [dreg:$0xb];
	[sflag:s7] =	ssyncset.done $0x0  }
0x96: {  	s21 =	simm.s32 $0x4;
	[sflag:s7] =	ssyncadd.s32 $0xFFFFE000;
	s29 =	sadd.s32 s24, s8  }
0x97: {  	[hbm4b:s29+s2] =	stream.linear.scatter [tilespmem:s30], [sflag:$0xD], $0x2000, $0x38;
	[tilespmem:$0x15900] =	vst v63  }
0x98: {  	_ =	swait.ge [sflag:s21], $0x2000  }
0x99: {  	s6 =	simm.s32 $0x5;
	s25 =	rddreg [dreg:$0xa];
	[sflag:s21] =	ssyncset.done $0x0  }
0x9a: {  	[sflag:s21] =	ssyncadd.s32 $0xFFFFE000;
	s29 =	sadd.s32 s24, s25;
	s21 =	simm.s32 $0x7900  }
0x9b: {  	[hbm4b:s29+s2] =	stream.linear.scatter [tilespmem:s21], [sflag:$0xE], $0x2000, $0x38;
	[tilespmem:$0x15900] =	vst v63  }
0x9c: {  	_ =	swait.ge [sflag:s6], $0x2000  }
0x9d: {  	s8 =	simm.s32 $0x6;
	s7 =	rddreg [dreg:$0x9];
	[sflag:s6] =	ssyncset.done $0x0  }
0x9e: {  	s25 =	simm.s32 $0x9900;
	[sflag:s6] =	ssyncadd.s32 $0xFFFFE000;
	s29 =	sadd.s32 s24, s7  }
0x9f: {  	[hbm4b:s29+s2] =	stream.linear.scatter [tilespmem:s25], [sflag:$0xF], $0x2000, $0x38;
	[tilespmem:$0x15900] =	vst v63  }
0xa0: {  	_ =	swait.ge [sflag:s8], $0x2000  }
0xa1: {  	s4 =	simm.s32 $0xB900;
	s6 =	rddreg [dreg:$0x8];
	[sflag:s8] =	ssyncset.done $0x0  }
0xa2: {  	[sflag:s8] =	ssyncadd.s32 $0xFFFFE000;
	s29 =	sadd.s32 s24, s6;
	s6 =	simm.s32 $0x7  }
0xa3: {  	[hbm4b:s29+s2] =	stream.linear.scatter [tilespmem:s4], [sflag:$0x10], $0x2000, $0x38;
	[tilespmem:$0x15900] =	vst v63  }
0xa4: {  	_ =	swait.ge [sflag:s6], $0x2000  }
0xa5: {  	[sflag:s6] =	ssyncset.done $0x0  }
0xa6: {  	s7 =	rddreg [dreg:$0x7];
	[sflag:s6] =	ssyncadd.s32 $0xFFFFE000  }
0xa7: {  	s29 =	sadd.s32 s24, s7;
	s6 =	simm.s32 $0xD900;
	s7 =	simm.s32 $0x8  }
0xa8: {  	[hbm4b:s29+s2] =	stream.linear.scatter [tilespmem:s6], [sflag:$0x11], $0x2000, $0x38;
	[tilespmem:$0x15900] =	vst v63  }
0xa9: {  	_ =	swait.ge [sflag:s7], $0x2000  }
0xaa: {  	s8 =	rddreg [dreg:$0x6];
	[sflag:s7] =	ssyncset.done $0x0  }
0xab: {  	[sflag:s7] =	ssyncadd.s32 $0xFFFFE000;
	s29 =	sadd.s32 s24, s8;
	s7 =	simm.s32 $0xF900  }
0xac: {  	[hbm4b:s29+s2] =	stream.linear.scatter [tilespmem:s7], [sflag:$0x12], $0x2000, $0x38;
	[tilespmem:$0x15900] =	vst v63  }
0xad: {  	_ =	swait.ge [sflag:s9], $0x2000  }
0xae: {  	s8 =	rddreg [dreg:$0x5];
	[sflag:s9] =	ssyncset.done $0x0  }
0xaf: {  	[sflag:s9] =	ssyncadd.s32 $0xFFFFE000;
	s29 =	sadd.s32 s24, s8;
	s8 =	simm.s32 $0x11900  }
0xb0: {  	[hbm4b:s29+s2] =	stream.linear.scatter [tilespmem:s8], [sflag:$0x13], $0x2000, $0x38;
	[tilespmem:$0x15900] =	vst v63  }
0xb1: {  	_ =	swait.ge [sflag:s10], $0x2000  }
0xb2: {  	s29 =	rddreg [dreg:$0x4];
	[sflag:s10] =	ssyncset.done $0x0  }
0xb3: {  	[sflag:s10] =	ssyncadd.s32 $0xFFFFE000;
	s29 =	sadd.s32 s24, s29  }
0xb4: {  	[hbm4b:s29+s2] =	stream.linear.scatter [tilespmem:s1], [sflag:$0x14], $0x2000, $0x38;
	[tilespmem:$0x15900] =	vst v63  }
0xb5: {  	s26 =	smov.u32 s22;
	_ =	swait.ge [sflag:s11], $0x2000  }
0xb6: {  	s26 =	sshra.s32 s26, $0x2;
	[sflag:s11] =	ssyncset.done $0x0  }
0xb7: {  	s1 =	sadd.s32 $0x500, s26;
	[sflag:s11] =	ssyncadd.s32 $0xFFFFE000  }
0xb8: {  	[tilespmem:s23], [sflag:$0x1] =	stream.indirect.gather [hbm4b:s3+s18], $0x40, s1, s18, $0xb8;
	[tilespmem:$0x15900] =	vst v63  }
0xb9: {  	_ =	swait.ge [sflag:s12], $0x2000  }
0xba: {  	[sflag:s12] =	ssyncset.done $0x0  }
0xbb: {  	s1 =	sadd.s32 $0x580, s26;
	[sflag:s12] =	ssyncadd.s32 $0xFFFFE000  }
0xbc: {  	[tilespmem:s0], [sflag:$0x2] =	stream.indirect.gather [hbm4b:s3+s18], $0x40, s1, s18, $0xb8;
	[tilespmem:$0x15900] =	vst v63  }
0xbd: {  	_ =	swait.ge [sflag:s13], $0x2000  }
0xbe: {  	[sflag:s13] =	ssyncset.done $0x0  }
0xbf: {  	s0 =	sadd.s32 $0x600, s26;
	[sflag:s13] =	ssyncadd.s32 $0xFFFFE000  }
0xc0: {  	[tilespmem:s30], [sflag:$0x3] =	stream.indirect.gather [hbm4b:s3+s18], $0x40, s0, s18, $0xb8;
	[tilespmem:$0x15900] =	vst v63  }
0xc1: {  	_ =	swait.ge [sflag:s14], $0x2000  }
0xc2: {  	[sflag:s14] =	ssyncset.done $0x0  }
0xc3: {  	s0 =	sadd.s32 $0x680, s26;
	[sflag:s14] =	ssyncadd.s32 $0xFFFFE000  }
0xc4: {  	[tilespmem:s21], [sflag:$0x4] =	stream.indirect.gather [hbm4b:s3+s18], $0x40, s0, s18, $0xb8;
	[tilespmem:$0x15900] =	vst v63  }
0xc5: {  	_ =	swait.ge [sflag:s15], $0x2000  }
0xc6: {  	[sflag:s15] =	ssyncset.done $0x0  }
0xc7: {  	s0 =	sadd.s32 $0x700, s26;
	[sflag:s15] =	ssyncadd.s32 $0xFFFFE000  }
0xc8: {  	[tilespmem:s25], [sflag:$0x5] =	stream.indirect.gather [hbm4b:s3+s18], $0x40, s0, s18, $0xb8;
	[tilespmem:$0x15900] =	vst v63  }
0xc9: {  	_ =	swait.ge [sflag:s16], $0x2000  }
0xca: {  	[sflag:s16] =	ssyncset.done $0x0  }
0xcb: {  	s0 =	sadd.s32 $0x780, s26;
	[sflag:s16] =	ssyncadd.s32 $0xFFFFE000  }
0xcc: {  	[tilespmem:s4], [sflag:$0x6] =	stream.indirect.gather [hbm4b:s3+s18], $0x40, s0, s18, $0xb8;
	[tilespmem:$0x15900] =	vst v63  }
0xcd: {  	_ =	swait.ge [sflag:s17], $0x2000  }
0xce: {  	[sflag:s17] =	ssyncset.done $0x0  }
0xcf: {  	s0 =	sadd.s32 $0x800, s26;
	[sflag:s17] =	ssyncadd.s32 $0xFFFFE000  }
0xd0: {  	[tilespmem:s6], [sflag:$0x7] =	stream.indirect.gather [hbm4b:s3+s18], $0x40, s0, s18, $0xb8;
	[tilespmem:$0x15900] =	vst v63  }
0xd1: {  	_ =	swait.ge [sflag:s5], $0x2000  }
0xd2: {  	p0 =	sne.s32 s22, $0x3C00;
	s28 =	simm.s32 $0x1900;
	[sflag:s5] =	ssyncset.done $0x0  }
0xd3: {  	s22 =	sadd.s32 $0x1400, s22;
	s0 =	sadd.s32 $0x880, s26;
	[sflag:s5] =	ssyncadd.s32 $0xFFFFE000  }
0xd4: {  	[tilespmem:s7], [sflag:$0x8] =	stream.indirect.gather [hbm4b:s3+s18], $0x40, s0, s18, $0xb8;
	[tilespmem:$0x15900] =	vst v63  }
0xd5: {  	s24 =	sadd.s32 $0x50000, s24;
	s23 =	simm.s32 $0x3900;
	_ =	swait.ge [sflag:s19], $0x2000  }
0xd6: {  	s1 =	simm.s32 $0x5900;
	s30 =	simm.s32 $0x7900;
	[sflag:s19] =	ssyncset.done $0x0  }
.Ltmp0:
0xd7: {  	s0 =	sadd.s32 $0x900, s26;
	[sflag:s19] =	ssyncadd.s32 $0xFFFFE000;
	(pc) =	sbr.rel @p0 .LBB2_2-.Ltmp0, $4  }
0xd8: {  	[tilespmem:s8], [sflag:$0x9] =	stream.indirect.gather [hbm4b:s3+s18], $0x40, s0, s18, $0xb8;
	[tilespmem:$0x15900] =	vst v63  }
0xd9: {  	s21 =	simm.s32 $0x9900;
	s25 =	simm.s32 $0xB900;
	_ =	swait.ge [sflag:s20], $0x2000  }
0xda: {  	s4 =	simm.s32 $0xD900;
	s6 =	simm.s32 $0xF900;
	[sflag:s20] =	ssyncset.done $0x0  }
0xdb: {  	s7 =	simm.s32 $0x11900;
	s26 =	sadd.s32 $0x980, s26;
	[sflag:s20] =	ssyncadd.s32 $0xFFFFE000  }
0xdc: {  	s8 =	simm.s32 $0x13900;
	s0 =	simm.s32 $0x1  }
0xdd: {  	[tilespmem:s8], [sflag:$0xA] =	stream.indirect.gather [hbm4b:s3+s18], $0x40, s26, s18, $0xb8;
	[tilespmem:$0x15900] =	vst v63  }
0xde: {  	_ =	swait.ge [sflag:s0], $0x2000  }
0xdf: {  	[sflag:s0] =	ssyncset.done $0x0  }
0xe0: {  	s24 =	rddreg [dreg:$0xe];
	[sflag:s0] =	ssyncadd.s32 $0xFFFFE000  }
0xe1: {  	[hbm4b:s24+s2] =	stream.linear.scatter [tilespmem:s28], [sflag:$0x15], $0x2000, $0x38;
	[tilespmem:$0x15900] =	vst v63  }
0xe2: {  	s24 =	simm.s32 $0x15  }
0xe3: {  	_ =	swait.ge [sflag:s24], $0x2000  }
0xe4: {  	[sflag:s24] =	ssyncset.done $0x0  }
0xe5: {  	s26 =	simm.s32 $0x2;
	[sflag:s24] =	ssyncadd.s32 $0xFFFFE000  }
0xe6: {  	_ =	swait.ge [sflag:s26], $0x2000  }
0xe7: {  	[sflag:s26] =	ssyncset.done $0x0  }
0xe8: {  	s28 =	rddreg [dreg:$0xf];
	[sflag:s26] =	ssyncadd.s32 $0xFFFFE000  }
0xe9: {  	[hbm4b:s28+s2] =	stream.linear.scatter [tilespmem:s23], [sflag:$0x15], $0x2000, $0x38;
	[tilespmem:$0x15900] =	vst v63  }
0xea: {  	_ =	swait.ge [sflag:s24], $0x2000  }
0xeb: {  	[sflag:s24] =	ssyncset.done $0x0  }
0xec: {  	s29 =	simm.s32 $0x3;
	[sflag:s24] =	ssyncadd.s32 $0xFFFFE000  }
0xed: {  	_ =	swait.ge [sflag:s29], $0x2000  }
0xee: {  	[sflag:s29] =	ssyncset.done $0x0  }
0xef: {  	s22 =	rddreg [dreg:$0x10];
	[sflag:s29] =	ssyncadd.s32 $0xFFFFE000  }
0xf0: {  	[hbm4b:s22+s2] =	stream.linear.scatter [tilespmem:s1], [sflag:$0x15], $0x2000, $0x38;
	[tilespmem:$0x15900] =	vst v63  }
0xf1: {  	_ =	swait.ge [sflag:s24], $0x2000  }
0xf2: {  	[sflag:s24] =	ssyncset.done $0x0  }
0xf3: {  	s23 =	simm.s32 $0x4;
	[sflag:s24] =	ssyncadd.s32 $0xFFFFE000  }
0xf4: {  	_ =	swait.ge [sflag:s23], $0x2000  }
0xf5: {  	[sflag:s23] =	ssyncset.done $0x0  }
0xf6: {  	s26 =	rddreg [dreg:$0x11];
	[sflag:s23] =	ssyncadd.s32 $0xFFFFE000  }
0xf7: {  	[hbm4b:s26+s2] =	stream.linear.scatter [tilespmem:s30], [sflag:$0x15], $0x2000, $0x38;
	[tilespmem:$0x15900] =	vst v63  }
0xf8: {  	_ =	swait.ge [sflag:s24], $0x2000  }
0xf9: {  	[sflag:s24] =	ssyncset.done $0x0  }
0xfa: {  	s28 =	simm.s32 $0x5;
	[sflag:s24] =	ssyncadd.s32 $0xFFFFE000  }
0xfb: {  	_ =	swait.ge [sflag:s28], $0x2000  }
0xfc: {  	[sflag:s28] =	ssyncset.done $0x0  }
0xfd: {  	s29 =	rddreg [dreg:$0x12];
	[sflag:s28] =	ssyncadd.s32 $0xFFFFE000  }
0xfe: {  	[hbm4b:s29+s2] =	stream.linear.scatter [tilespmem:s21], [sflag:$0x15], $0x2000, $0x38;
	[tilespmem:$0x15900] =	vst v63  }
0xff: {  	_ =	swait.ge [sflag:s24], $0x2000  }
0x100: {  	[sflag:s24] =	ssyncset.done $0x0  }
0x101: {  	s30 =	simm.s32 $0x6;
	[sflag:s24] =	ssyncadd.s32 $0xFFFFE000  }
0x102: {  	_ =	swait.ge [sflag:s30], $0x2000  }
0x103: {  	[sflag:s30] =	ssyncset.done $0x0  }
0x104: {  	s1 =	rddreg [dreg:$0x13];
	[sflag:s30] =	ssyncadd.s32 $0xFFFFE000  }
0x105: {  	[hbm4b:s1+s2] =	stream.linear.scatter [tilespmem:s25], [sflag:$0x15], $0x2000, $0x38;
	[tilespmem:$0x15900] =	vst v63  }
0x106: {  	_ =	swait.ge [sflag:s24], $0x2000  }
0x107: {  	[sflag:s24] =	ssyncset.done $0x0  }
0x108: {  	s21 =	simm.s32 $0x7;
	[sflag:s24] =	ssyncadd.s32 $0xFFFFE000  }
0x109: {  	_ =	swait.ge [sflag:s21], $0x2000  }
0x10a: {  	[sflag:s21] =	ssyncset.done $0x0  }
0x10b: {  	s22 =	rddreg [dreg:$0x14];
	[sflag:s21] =	ssyncadd.s32 $0xFFFFE000  }
0x10c: {  	[hbm4b:s22+s2] =	stream.linear.scatter [tilespmem:s4], [sflag:$0x15], $0x2000, $0x38;
	[tilespmem:$0x15900] =	vst v63  }
0x10d: {  	_ =	swait.ge [sflag:s24], $0x2000  }
0x10e: {  	[sflag:s24] =	ssyncset.done $0x0  }
0x10f: {  	s23 =	simm.s32 $0x8;
	[sflag:s24] =	ssyncadd.s32 $0xFFFFE000  }
0x110: {  	_ =	swait.ge [sflag:s23], $0x2000  }
0x111: {  	[sflag:s23] =	ssyncset.done $0x0  }
0x112: {  	s25 =	rddreg [dreg:$0x15];
	[sflag:s23] =	ssyncadd.s32 $0xFFFFE000  }
0x113: {  	[hbm4b:s25+s2] =	stream.linear.scatter [tilespmem:s6], [sflag:$0x15], $0x2000, $0x38;
	[tilespmem:$0x15900] =	vst v63  }
0x114: {  	_ =	swait.ge [sflag:s24], $0x2000  }
0x115: {  	[sflag:s24] =	ssyncset.done $0x0  }
0x116: {  	[sflag:s24] =	ssyncadd.s32 $0xFFFFE000  }
0x117: {  	_ =	swait.ge [sflag:s9], $0x2000  }
0x118: {  	[sflag:s9] =	ssyncset.done $0x0  }
0x119: {  	s26 =	rddreg [dreg:$0x16];
	[sflag:s9] =	ssyncadd.s32 $0xFFFFE000  }
0x11a: {  	[hbm4b:s26+s2] =	stream.linear.scatter [tilespmem:s7], [sflag:$0x15], $0x2000, $0x38;
	[tilespmem:$0x15900] =	vst v63  }
0x11b: {  	_ =	swait.ge [sflag:s24], $0x2000  }
0x11c: {  	[sflag:s24] =	ssyncset.done $0x0  }
0x11d: {  	[sflag:s24] =	ssyncadd.s32 $0xFFFFE000  }
0x11e: {  	_ =	swait.ge [sflag:s10], $0x2000  }
0x11f: {  	[sflag:s10] =	ssyncset.done $0x0  }
0x120: {  	s28 =	rddreg [dreg:$0x17];
	[sflag:s10] =	ssyncadd.s32 $0xFFFFE000  }
0x121: {  	[hbm4b:s28+s2] =	stream.linear.scatter [tilespmem:s8], [sflag:$0x15], $0x2000, $0x38;
	[tilespmem:$0x15900] =	vst v63  }
0x122: {  	_ =	swait.ge [sflag:s24], $0x2000  }
0x123: {  	s29 =	rddreg [dreg:$0x19]  }
0x124: {  	s30 =	rddreg [dreg:$0x18];
	s1 =	sadd.s32 $0x1, s29  }
0x125: {  	p0 =	sne.s32 s1, s30  }
.Ltmp1:
0x126: {  	_ = 	snop;
	(pc) =	sbr.rel @p0 .LBB2_1-.Ltmp1, $3  }
0x127: {  	_ =	sdelay $0x1  }
0x128: {  	[sflag:s24] =	ssyncset.done $0x0  }
0x129: {  	[sflag:s24] =	ssyncadd.s32 $0xFFFFE000  }
0x12a: {  	_ =	sfence.sel $0x180000  }
0x12b: {  	[bflag:$0x0] =	sbarrier.arrive $0xFFFF  }
0x12c: {  	_ =	strace $0x90000047  }
0x12d: {  	s0 =	stileid.u32;
	[bflag:$0x2] =	sbarrier.arrive $0xFFFF  }
0x12e: {  	p0 =	sne.s32 s0, $0x0;
	s0 =	rddreg [dreg:$0x2]  }
0x12f: {  	s0 =	sadd.s32 @!p0 $0x100000, s0  }
0x130: {  	[sflag:s0] =	ssyncadd.tile.s32 @!p0 $0x1;
	_ =	shalt  }
.Lfunc_end2:
_tile_overlayer_lowered:
.L_overlay_start_2:
0x131: {  	(tag) =	ssettag $0x2  }
0x132: {  	s0 =	rddreg [dreg:$0x0];
	s2 =	stileid.u32  }
0x133: {  	s1 =	rddreg [dreg:$0x1];
	p0 =	sne.s32 s2, $0x0  }
0x134: {  	s3 =	rddreg [dreg:$0x2];
	[bflag:$0x3] =	sbarrier.arrive $0xFFFF;
	s2 =	simm.s32 @!p0 $0x1C15  }
0x135: {  	[timem:s3], [sflag:s2] =	dma.local @!p0 [hbm:s0], s1  }
0x136: {  	s0 =	simm.s32 @!p0 $0x15  }
0x137: {  	_ =	swait.ge @!p0 [sflag:s0], s1  }
0x138: {  	s1 =	ssub.s32 @!p0 $0x0, s1;
	[sflag:s0] =	ssyncset.done @!p0 $0x0  }
0x139: {  	[sflag:s0] =	ssyncadd.s32 @!p0 s1  }
0x13a: {  	[bflag:$0x3] =	sbarrier.arrive $0xFFFF  }
0x13b: {  	_ =	shalt  }

// kernel: sparse-core-data-format-call.cloned.1.call-start
scs
called_computation_lowered:
.L_overlay_start_0:
0x0: {  	s2 =	sld [smem:$0x3FD9]  }
0x1: {  	s3 =	sld [smem:$0x3FFE];
	_ =	sdelay $0x1  }
0x2: {  	s1 =	srdreg.scid  }
0x3: {  	s0 =	sand.u32 $0x1, s1  }
0x4: {  	s18 =	sshll.u32 s0, $0xA;
	s2 =	sadd.s32 s3, s2  }
0x5: {  	s2 =	sadd.s32 s2, s18  }
0x6: {  	[smem:$0x3FC6] =	sst s2  }
0x7: {  	_ = 	snop  }
0x8: {  	s2 =	sld [smem:$0x3FD0];
	(tm) =	ssettm $0x1  }
0x9: {  	s19 =	sld [smem:$0x3FFB];
	_ =	sdelay $0x3  }
0xa: {  	_ =	strace s19  }
0xb: {  	s3 =	sld [smem:$0x3FFC];
	_ =	sdelay $0x3  }
0xc: {  	_ =	strace s3  }
0xd: {  	s3 =	sld [smem:$0x3FFD];
	_ =	sdelay $0x3  }
0xe: {  	_ =	strace s3  }
0xf: {  	_ =	strace $0x8FFFFFFF  }
0x10: {  	s20 =	sld [smem:$0x3FDB];
	_ =	sdelay $0x1  }
0x11: {  	s4 =	simm.s32 $_scs_section_size  }
0x12: {  	s5 =	simm.s32 $_size__tile_overlayer_lowered;
	s6 =	simm.s32 $_tile_overlayer_lowered  }
0x13: {  	s23 =	simm.s32 $0x1BFF;
	s22 =	sshll.u32 s6, $0x1;
	s3 =	sadd.s32 s4, s20  }
0x14: {  	s7 =	simm.s32 $0x0;
	s21 =	sshll.u32 s5, $0x1;
	s5 =	sadd.s32 s22, s3  }
0x15: {  	[timem:s7], [sflag:s23] =	dma.local [hbm:s5], s21  }
0x16: {  	_ =	swait.ge [sflag:s23], s21  }
0x17: {  	s4 =	ssub.s32 $0x0, s21;
	[sflag:s23] =	ssyncset.done $0x0  }
0x18: {  	[sflag:s23] =	ssyncadd.s32 s4;
	_ =	sdelay $0x1  }
0x19: {  	s24 =	simm.s32 $0x1B8B  }
0x1a: {  	_ =	swait.ge [sflag:s24], $0x1  }
0x1b: {  	[sflag:s24] =	ssyncset.done $0x0  }
0x1c: {  	s26 =	simm.s32 $0x1B8E;
	s25 =	sld [smem:$0x3FFE];
	[sflag:s24] =	ssyncadd.s32 $0xFFFFFFFF  }
0x1d: {  	s27 =	simm.s32 $execute0_lowered;
	[smem:$0x3FD2] =	sst s26  }
0x1e: {  	s5 =	sshll.u32 s27, $0x1;
	_ =	strace $0x80000049;
	[dreg:$0x1] =	wrdreg $0xFFFFFFFF  }
0x1f: {  	s28 =	simm.s32 $_size_execute0_lowered;
	s3 =	sadd.s32 s3, s5;
	[dreg:$0x0] =	wrdreg $0x0  }
0x20: {  	s5 =	sshll.u32 s28, $0x1;
	[dreg:$0x2] =	wrdreg s3  }
0x21: {  	[dreg:$0x3] =	wrdreg s5  }
0x22: {  	[dreg:$0x4] =	wrdreg $0xC0  }
0x23: {  	_ =	task [dreg:s7], $0x5FFFF  }
0x24: {  	[dreg:$0x1] =	wrdreg $0xFFFFFFFF  }
0x25: {  	[dreg:$0x0] =	wrdreg $0x60  }
0x26: {  	[dreg:$0x2] =	wrdreg s25  }
0x27: {  	[dreg:$0x3] =	wrdreg s2  }
0x28: {  	[dreg:$0x4] =	wrdreg $0x9  }
0x29: {  	_ =	task.clear_ibuf [dreg:s7], $0x5FFFF;
	_ =	strace $0x90000049  }
0x2a: {  	s29 =	simm.s32 $0x9;
	_ =	strace $0x8000004B  }
0x2b: {  	_ =	swait.ge [sflag:s29], $0x1  }
0x2c: {  	[sflag:s29] =	ssyncadd.s32 $0xFFFFFFFF  }
0x2d: {  	_ =	strace $0x9000004B  }
0x2e: {  	_ =	sfence  }
0x2f: {  	s30 =	sld [smem:$0x0];
	_ =	sdelay $0x2  }
0x30: {  	s31 =	sshll.u32 s1, $0xD;
	s1 =	sshrl.u32 s1, $0x2  }
0x31: {  	s3 =	sand.u32 $0x4000, s31;
	s1 =	sadd.s32 s1, s30  }
0x32: {  	s0 =	sor.u32 s3, s0;
	s1 =	sshll.u32 s1, $0x11  }
0x33: {  	s0 =	sor.u32 s1, s0  }
0x34: {  	s0 =	sadd.s32 $0x8F2B, s0  }
0x35: {  	[sflag:s0] =	ssyncadd.remote.s32 $0x1  }
0x36: {  	_ =	sfence.sel $0xFFFF  }
0x37: {  	[dreg:$0x0] =	wrdreg $0xFFFFFFFF;
	(pc) =	sbr.abs _section_cstart, $3  }
0x38: {  	[dreg:$0x1] =	wrdreg $0xFFFFFFFF  }
0x39: {  	_ =	task.clear_ibuf [dreg:s7], $0x2FFFF;
	_ =	strace $0x9FFFFFFF  }
0x3a: {  	(tm) =	ssettm $0x7FFFFFFF  }
0x3b: {  	_ =	shalt  }
tec
execute0_lowered:
.L_overlay_start_1:
0x0: {  	(tag) =	ssettag $0x1  }
0x1: {  	s0 =	srdreg.scid  }
0x2: {  	s1 =	sshll.u32 s0, $0x4  }
0x3: {  	s5 =	rddreg [dreg:$0x0];
	s0 =	stileid.u32;
	s1 =	sand.u32 $0x10, s1  }
0x4: {  	s3 =	rddreg [dreg:$0x1];
	s31 =	simm.s32 $0x2;
	s4 =	sor.u32 s0, s1  }
0x5: {  	s13 =	simm.s32 $0x0;
	s9 =	simm.s32 $0x400;
	s2 =	sshll.u32 s4, $0x7  }
0x6: {  	s10 =	simm.s32 $0x8000;
	s14 =	simm.s32 $0x0;
	s6 =	ssub.s32 $0x1000, s2  }
0x7: {  	s1 =	rddreg [dreg:$0x2];
	_ =	strace $0x8000004A;
	s7 =	sand.u32 $0xF80, s6  }
0x8: {  	s4 =	sshll.u32 s4, $0xB;
	p0 =	sne.s32 s7, $0x0;
	s7 =	simm.s32 $0x1  }
.Ltmp0:
0x9: {  	s6 =	sshrl.u32 s6, $0xC;
	s7 =	simm.s32 @!p0 $0x0;
	(pc) =	sbr.rel .LBB1_1-.Ltmp0, $4  }
0xa: {  	s8 =	sadd.s32 s4, s5;
	s4 =	simm.s32 $0x1;
	s30 =	sadd.s32 s7, s6  }
0xb: {  	s11 =	simm.s32 $0x0;
	[sflag:s4] =	ssyncpa.u1 $0x0;
	s5 =	smul.u32 $0x19, s30  }
0xc: {  	s12 =	simm.s32 $0x0;
	[sflag:s31] =	ssyncpa.u1 $0x0;
	p0 =	por $0x0, $0x0  }
0xd: {  	s6 =	sadd.s32 $0x800, s8;
	s7 =	sadd.s32 $0x10800, s8;
	s8 =	sadd.s32 $0x1, s5  }
.LBB1_7:
0xe: {  	s15 =	sadd.s32 $0x2, s11  }
0xf: {  	p2 =	sgt.s32 s15, $0x31  }
0x10: {  	s15 =	simm.s32 @p2 $0x0;
	p2 =	sne.s32 s12, s8  }
.Ltmp1:
0x11: {  	p1 =	slt.u32 s12, $0x2;
	(pc) =	sbr.rel @!p2 .LBB1_8-.Ltmp1, $4  }
0x12: {  	s13 =	simm.s32 @!p1 $0x2  }
0x13: {  	s16 =	sadd.s32 $0x1, s12;
	s14 =	smov.u32 s11;
	_ =	swait.ge @!p1 [sflag:s13], $0x4000  }
0x14: {  	p0 =	por !p0, !p0;
	s12 =	smov.u32 s16;
	[sflag:s13] =	ssyncset.done @!p1 $0x0  }
0x15: {  	s11 =	smov.u32 s15;
	[sflag:s13] =	ssyncadd.s32 @!p1 $0xFFFFC000;
	s13 =	smov.u32 s2  }
.LBB1_1:
0x16: {  	p1 =	sge.u32 s12, s5  }
0x17: {  	s15 =	sxor.u32 @!p1 $0xFFFFFFFF, s12  }
0x18: {  	s16 =	sshll.u32 @!p1 s11, $0x10;
	s18 =	simm.s32 @!p1 $0x40;
	s15 =	sshll.u32 @!p1 s15, $0xE  }
0x19: {  	s19 =	simm.s32 @!p1 $0x80;
	s17 =	sadd.s32 @!p1 s16, s6;
	s15 =	sand.u32 @!p1 $0x4000, s15  }
0x1a: {  	[tilespmem:s15], [sflag:$0x1] =	stream.strided.gather @!p1 [hbm4b:s17+s18], $0x2000, s19, s18, $0x38;
	[tilespmem:$0x10100] =	vst v63  }
0x1b: {  	s31 =	sadd.s32 $0xFFFFFFFF, s12;
	s16 =	sadd.s32 @!p1 s16, s7;
	s15 =	sor.u32 @!p1 $0x2000, s15  }
0x1c: {  	[tilespmem:s15], [sflag:$0x1] =	stream.strided.gather @!p1 [hbm4b:s16+s18], $0x2000, s19, s18, $0x38;
	[tilespmem:$0x10100] =	vst v63  }
0x1d: {  	p1 =	sge.u32 s31, s5  }
.Ltmp2:
0x1e: {  	_ = 	snop;
	(pc) =	sbr.rel @p1 .LBB1_7-.Ltmp2, $1  }
0x1f: {  	_ =	sdelay $0x3  }
0x20: {  	s15 =	simm.s32 $0x1;
	s17 =	sand.u32 $0x1, s12  }
0x21: {  	_ =	swait.ge [sflag:s4], $0x4000;
	s15 =	simm.s32 @!p0 $0x0;
	s17 =	smul.u32 $0x10200, s17  }
0x22: {  	p2 =	por $0x1, $0x1;
	[sflag:s4] =	ssyncset.done $0x0;
	s16 =	smul.u32 $0x10200, s15  }
0x23: {  	s18 =	sshll.u32 s15, $0x10;
	[sflag:s4] =	ssyncadd.s32 $0xFFFFC000;
	s30 =	sshrl.u32 s17, $0x2  }
0x24: {  	s31 =	sshrl.u32 s18, $0x2;
	s18 =	simm.s32 $0x0;
	s16 =	sshrl.u32 s16, $0x2  }
0x25: {  	s15 =	sor.u32 $0x8000, s30;
	s17 =	sadd.s32 $0x20, s31;
	s16 =	sor.u32 $0x8000, s16  }
.LBB1_3:
0x26: {  	s19 =	sshll.u32 s18, $0xD  }
0x27: {  	s19 =	sand.u32 $0x3FFFE000, s19  }
0x28: {  	s21 =	sadd.s32 s19, s17  }
0x29: {  	s31 =	smul.u32 $0x8100, s18;
	v3 =	vld [tilespmem:s21+$0x10]  }
0x2a: {  	v1 =	vld [tilespmem:s21+$0xFFFFFFF0]  }
0x2b: {  	s18 =	sshra.s32 s31, $0x2;
	v0 =	vld [tilespmem:s21+$0x0]  }
0x2c: {  	s18 =	sadd.s32 s18, s16;
	v2 =	vld [tilespmem:s21+$0xFFFFFFE0]  }
0x2d: {  	s19 =	sadd.s32 $0x0, s18  }
0x2e: {  	p1 =	por p2, p2;
	s20 =	simm.s32 $0x4;
	s21 =	sadd.s32 $0x40, s21;
	[tilespmem:s19+$0x1830 ss:$0x81] =	vst.msk $0xffff, v3  }
.LBB1_4:
0x2f: {  	v3 =	vld [tilespmem:s21+$0x10];
	p2 =	sne.s32 s20, $0x1FC;
	[tilespmem:s19+$0x810 ss:$0x81] =	vst.msk $0xffff, v1;
	s22 =	smov.u32 s20;
	s20 =	sadd.s32 $0x4, s20  }
.Ltmp3:
0x30: {  	v1 =	vld [tilespmem:s21+$0xFFFFFFF0];
	[tilespmem:s19+$0x1020 ss:$0x81] =	vst.msk $0xffff, v0;
	(pc) =	sbr.rel @p2 .LBB1_4-.Ltmp3, $4  }
0x31: {  	v0 =	vld [tilespmem:s21+$0x0];
	[tilespmem:s19+$0x0 ss:$0x81] =	vst.msk $0xffff, v2  }
0x32: {  	s19 =	sshra.s32 s22, $0x2;
	v2 =	vld [tilespmem:s21+$0xFFFFFFE0]  }
0x33: {  	s19 =	sadd.s32 s19, s18  }
0x34: {  	s21 =	sadd.s32 $0x40, s21;
	[tilespmem:s19+$0x1830 ss:$0x81] =	vst.msk $0xffff, v3  }
.Ltmp4:
0x35: {  	(pc) =	sbr.rel @p1 .LBB1_3-.Ltmp4, $4  }
0x36: {  	_ = 	snop  }
0x37: {  	[tilespmem:s19+$0x810 ss:$0x81] =	vst.msk $0xffff, v1  }
0x38: {  	[tilespmem:s19+$0x1020 ss:$0x81] =	vst.msk $0xffff, v0  }
0x39: {  	s18 =	simm.s32 $0x1;
	p2 =	por $0x0, $0x0;
	[tilespmem:s19+$0x0 ss:$0x81] =	vst.msk $0xffff, v2  }
.Ltmp5:
0x3a: {  	(pc) =	sbr.rel .LBB1_7-.Ltmp5, $4  }
0x3b: {  	s14 =	sshll.u32 s14, $0xF  }
0x3c: {  	s14 =	sadd.s32 s3, s14  }
0x3d: {  	s13 =	sadd.s32 s13, s14  }
0x3e: {  	[hbm4b:s13+s9] =	stream.strided.scatter [tilespmem:s15], [sflag:$0x2], $0x4000, s10, s9, $0x20;
	[tilespmem:$0x10100] =	vst v63  }
.LBB1_8:
0x3f: {  	_ =	sfence.sel $0x180000  }
0x40: {  	s2 =	simm.s32 $0x1;
	[bflag:$0x0] =	sbarrier.arrive $0xFFFF  }
0x41: {  	s31 =	simm.s32 $0x2;
	[sflag:s2] =	ssyncpa.u1 $0x1  }
0x42: {  	[sflag:s31] =	ssyncpa.u1 $0x1  }
0x43: {  	p0 =	sne.s32 s0, $0x0;
	_ =	strace $0x9000004A  }
0x44: {  	s0 =	sadd.s32 @!p0 $0x100000, s1;
	[bflag:$0x2] =	sbarrier.arrive $0xFFFF  }
0x45: {  	[sflag:s0] =	ssyncadd.tile.s32 @!p0 $0x1;
	_ =	shalt  }
.Lfunc_end1:
_tile_overlayer_lowered:
.L_overlay_start_2:
0x46: {  	(tag) =	ssettag $0x2  }
0x47: {  	s0 =	rddreg [dreg:$0x0];
	s2 =	stileid.u32  }
0x48: {  	s1 =	rddreg [dreg:$0x1];
	p0 =	sne.s32 s2, $0x0  }
0x49: {  	s3 =	rddreg [dreg:$0x2];
	[bflag:$0x3] =	sbarrier.arrive $0xFFFF;
	s2 =	simm.s32 @!p0 $0x1C01  }
0x4a: {  	[timem:s3], [sflag:s2] =	dma.local @!p0 [hbm:s0], s1  }
0x4b: {  	s0 =	simm.s32 @!p0 $0x1  }
0x4c: {  	_ =	swait.ge @!p0 [sflag:s0], s1  }
0x4d: {  	s1 =	ssub.s32 @!p0 $0x0, s1;
	[sflag:s0] =	ssyncset.done @!p0 $0x0  }
0x4e: {  	[sflag:s0] =	ssyncadd.s32 @!p0 s1  }
0x4f: {  	[bflag:$0x3] =	sbarrier.arrive $0xFFFF  }
0x50: {  	_ =	shalt  }

</sc_bundles>
